<compile_context>
chip_gen: v7x
topology: tpu7x:2x2x1
jax: 0.10.2.dev20260603
libtpu: 0.0.44.dev20260713+nightly
codegen_flags: <defaults>
</compile_context>

<pallas_src>
import functools

import jax
import jax.numpy as jnp
from jax import lax
from jax.experimental import pallas as pl
from jax.experimental.pallas import tpu as pltpu
from jax.experimental.pallas import tpu_sc as plsc

N = 10000
NPAD = 10240
D = 128
E = 320000
NW = 32
CH = 128
NCH = 80
EPT = NCH * CH
EPAD = NW * EPT
STRIPE = NPAD // 16
WIN = 16
BLK = 1280
GRID = NPAD // BLK

_mesh = plsc.VectorSubcoreMesh(core_axis_name="c", subcore_axis_name="s")


def _wid():
    return lax.axis_index("s") * 2 + lax.axis_index("c")


@functools.partial(
    pl.kernel,
    out_type=jax.ShapeDtypeStruct((2, NPAD), jnp.float32),
    mesh=_mesh,
    scratch_types=[
        pltpu.VMEM((WIN, CH), jnp.int32),
        pltpu.VMEM((CH,), jnp.float32),
        pltpu.VMEM((STRIPE,), jnp.float32),
        pltpu.VMEM_SHARED((NPAD,), jnp.float32),
    ],
)
def _deg_kernel(dst_hbm, out_hbm, idx_v, ones_v, zero_v, acc):
    cid = lax.axis_index("c")
    sid = lax.axis_index("s")
    wid = _wid()

    def fill_ones(i, carry):
        ones_v[pl.ds(i * 16, 16)] = jnp.ones((16,), jnp.float32)
        return carry

    lax.fori_loop(0, CH // 16, fill_ones, 0)

    def fill_zero(i, carry):
        zero_v[pl.ds(i * 16, 16)] = jnp.zeros((16,), jnp.float32)
        return carry

    lax.fori_loop(0, STRIPE // 16, fill_zero, 0)
    pltpu.sync_copy(zero_v, acc.at[pl.ds(sid * STRIPE, STRIPE)])
    plsc.subcore_barrier()

    def window(w, carry):
        pltpu.sync_copy(dst_hbm.at[wid, pl.ds(w * WIN, WIN)], idx_v)

        def chunk(j, carry2):
            pltpu.sync_copy(ones_v, acc.at[idx_v.at[j]], add=True)
            return carry2

        lax.fori_loop(0, WIN, chunk, 0)
        return carry

    lax.fori_loop(0, NCH // WIN, window, 0)
    plsc.subcore_barrier()
    pltpu.sync_copy(acc.at[pl.ds(sid * STRIPE, STRIPE)],
                    out_hbm.at[cid, pl.ds(sid * STRIPE, STRIPE)])


@functools.partial(
    pl.kernel,
    out_type=jax.ShapeDtypeStruct((2, NPAD), jnp.float32),
    mesh=_mesh,
    scratch_types=[
        pltpu.VMEM((WIN, CH), jnp.int32),
        pltpu.VMEM((WIN, CH), jnp.int32),
        pltpu.VMEM((CH,), jnp.float32),
        pltpu.VMEM((STRIPE,), jnp.float32),
        pltpu.VMEM_SHARED((NPAD,), jnp.float32),
        pltpu.SemaphoreType.DMA,
    ],
)
def _cw_kernel(ivd_hbm, src_hbm, dst_hbm, out_hbm,
               sidx_v, didx_v, wbuf, zero_v, acc, sem):
    cid = lax.axis_index("c")
    sid = lax.axis_index("s")
    wid = _wid()

    def fill_zero(i, carry):
        zero_v[pl.ds(i * 16, 16)] = jnp.zeros((16,), jnp.float32)
        return carry

    lax.fori_loop(0, STRIPE // 16, fill_zero, 0)
    pltpu.sync_copy(zero_v, acc.at[pl.ds(sid * STRIPE, STRIPE)])
    plsc.subcore_barrier()

    def window(w, carry):
        pltpu.sync_copy(src_hbm.at[wid, pl.ds(w * WIN, WIN)], sidx_v)
        pltpu.sync_copy(dst_hbm.at[wid, pl.ds(w * WIN, WIN)], didx_v)

        def chunk(j, carry2):
            pltpu.async_copy(ivd_hbm.at[didx_v.at[j]], wbuf, sem).wait()
            pltpu.sync_copy(wbuf, acc.at[sidx_v.at[j]], add=True)
            return carry2

        lax.fori_loop(0, WIN, chunk, 0)
        return carry

    lax.fori_loop(0, NCH // WIN, window, 0)
    plsc.subcore_barrier()
    pltpu.sync_copy(acc.at[pl.ds(sid * STRIPE, STRIPE)],
                    out_hbm.at[cid, pl.ds(sid * STRIPE, STRIPE)])


@functools.partial(
    pl.kernel,
    out_type=jax.ShapeDtypeStruct((2, NPAD, D), jnp.float32),
    mesh=_mesh,
    scratch_types=[
        pltpu.VMEM((WIN, CH), jnp.int32),
        pltpu.VMEM((WIN, CH), jnp.int32),
        pltpu.VMEM((CH, D), jnp.float32),
        pltpu.VMEM((CH, D), jnp.float32),
        pltpu.VMEM_SHARED((NPAD, D), jnp.float32),
        pltpu.SemaphoreType.DMA,
        pltpu.SemaphoreType.DMA,
    ],
)
def _agg_kernel(h_hbm, src_hbm, dst_hbm, out_hbm,
                sidx_v, didx_v, buf_a, buf_b, acc, sem_a, sem_b):
    cid = lax.axis_index("c")
    sid = lax.axis_index("s")
    wid = _wid()

    def fill_zero(i, carry):
        z = jnp.zeros((16,), jnp.float32)
        for c in range(D // 16):
            buf_a[i, pl.ds(c * 16, 16)] = z
        return carry

    lax.fori_loop(0, CH, fill_zero, 0)
    for k in range(STRIPE // CH):
        pltpu.sync_copy(buf_a, acc.at[pl.ds(sid * STRIPE + k * CH, CH)])
    plsc.subcore_barrier()

    def window(w, carry):
        pltpu.sync_copy(src_hbm.at[wid, pl.ds(w * WIN, WIN)], sidx_v)
        pltpu.sync_copy(dst_hbm.at[wid, pl.ds(w * WIN, WIN)], didx_v)

        def pair(j2, carry2):
            j = j2 * 2
            cp_a = pltpu.async_copy(h_hbm.at[sidx_v.at[j]], buf_a, sem_a)
            cp_b = pltpu.async_copy(h_hbm.at[sidx_v.at[j + 1]], buf_b, sem_b)
            cp_a.wait()
            pltpu.sync_copy(buf_a, acc.at[didx_v.at[j]], add=True)
            cp_b.wait()
            pltpu.sync_copy(buf_b, acc.at[didx_v.at[j + 1]], add=True)
            return carry2

        lax.fori_loop(0, WIN // 2, pair, 0)
        return carry

    lax.fori_loop(0, NCH // WIN, window, 0)
    plsc.subcore_barrier()
    pltpu.sync_copy(acc.at[pl.ds(sid * STRIPE, STRIPE)],
                    out_hbm.at[cid, pl.ds(sid * STRIPE, STRIPE)])


def _enc_body(x_ref, w_ref, b_ref, o_ref):
    o_ref[...] = jnp.dot(x_ref[...], w_ref[...],
                         preferred_element_type=jnp.float32) + b_ref[...]


def _glue_body(dp_ref, o_ref):
    o_ref[...] = 1.0 / jnp.maximum(dp_ref[0] + dp_ref[1], 1.0)


def _comb_body(h_ref, ap_ref, iv_ref, wr_ref, wn_ref, b_ref, o_ref):
    a = (ap_ref[0] + ap_ref[1]) * iv_ref[...]
    z = (jnp.dot(h_ref[...], wr_ref[...], preferred_element_type=jnp.float32)
         + jnp.dot(a, wn_ref[...], preferred_element_type=jnp.float32)
         + b_ref[...])
    o_ref[...] = jnp.maximum(z, 0.0)


def _final_body(h_ref, ap_ref, iv_ref, cp_ref,
                wr1_ref, wn1_ref, b1_ref,
                wr2_ref, wn2_ref, b2_ref,
                wd_ref, bd_ref, o_ref, acc_ref):
    i = pl.program_id(0)
    a = (ap_ref[0] + ap_ref[1]) * iv_ref[...]
    h2 = jnp.maximum(
        jnp.dot(h_ref[...], wr1_ref[...], preferred_element_type=jnp.float32)
        + jnp.dot(a, wn1_ref[...], preferred_element_type=jnp.float32)
        + b1_ref[...], 0.0)
    rows = lax.broadcasted_iota(jnp.int32, (BLK, 1), 0) + i * BLK
    m = (rows < N).astype(jnp.float32)
    c = (cp_ref[0] + cp_ref[1]) * m
    s0 = jnp.sum(h2 * m, axis=0, keepdims=True)
    s1 = jnp.sum(h2 * c, axis=0, keepdims=True)

    @pl.when(i == 0)
    def _():
        acc_ref[...] = jnp.zeros((8, D), jnp.float32)

    acc_ref[0:1, :] += s0
    acc_ref[1:2, :] += s1

    @pl.when(i == GRID - 1)
    def _():
        inv_n = 1.0 / N
        g = (jnp.dot(acc_ref[0:1, :] * inv_n, wr2_ref[...],
                     preferred_element_type=jnp.float32)
             + jnp.dot(acc_ref[1:2, :] * inv_n, wn2_ref[...],
                       preferred_element_type=jnp.float32)
             + b2_ref[...])
        logits = jnp.dot(g, wd_ref[...],
                         preferred_element_type=jnp.float32) + bd_ref[...]
        z = logits - jnp.max(logits, axis=-1, keepdims=True)
        ez = jnp.exp(z)
        o_ref[...] = ez / jnp.sum(ez, axis=-1, keepdims=True)


def _row_spec(width):
    return pl.BlockSpec((BLK, width), lambda i: (i, 0))


def _pair_spec(width):
    return pl.BlockSpec((2, BLK, width), lambda i: (0, i, 0))


def _full_spec(rows, cols):
    return pl.BlockSpec((rows, cols), lambda i: (0, 0))


def kernel(x, edge_index, W_enc, b_enc, Wr0, Wn0, b0, Wr1, Wn1, b1,
           Wr2, Wn2, b2, W_dec, b_dec):
    src = edge_index[0]
    dst = edge_index[1]
    pad = N + (jnp.arange(EPAD - E, dtype=jnp.int32) % (NPAD - N))
    srcp = jnp.concatenate([src, pad]).reshape(NW, NCH, CH)
    dstp = jnp.concatenate([dst, pad]).reshape(NW, NCH, CH)
    x_pad = jnp.pad(x, ((0, NPAD - N), (0, 0)))
    b_enc2 = b_enc.reshape(1, D)
    b0_2 = b0.reshape(1, D)
    b1_2 = b1.reshape(1, D)
    b2_2 = b2.reshape(1, D)
    b_dec2 = b_dec.reshape(1, b_dec.shape[0])

    h0 = pl.pallas_call(
        _enc_body,
        grid=(GRID,),
        in_specs=[_row_spec(D), _full_spec(D, D), _full_spec(1, D)],
        out_specs=_row_spec(D),
        out_shape=jax.ShapeDtypeStruct((NPAD, D), jnp.float32),
    )(x_pad, W_enc, b_enc2)

    degp = _deg_kernel(dstp)
    ivd_col = pl.pallas_call(
        _glue_body,
        grid=(GRID,),
        in_specs=[_pair_spec(1)],
        out_specs=_row_spec(1),
        out_shape=jax.ShapeDtypeStruct((NPAD, 1), jnp.float32),
    )(degp.reshape(2, NPAD, 1))
    cp = _cw_kernel(ivd_col.reshape(NPAD), srcp, dstp)

    agg0 = _agg_kernel(h0, srcp, dstp)
    h1 = pl.pallas_call(
        _comb_body,
        grid=(GRID,),
        in_specs=[_row_spec(D), _pair_spec(D), _row_spec(1),
                  _full_spec(D, D), _full_spec(D, D), _full_spec(1, D)],
        out_specs=_row_spec(D),
        out_shape=jax.ShapeDtypeStruct((NPAD, D), jnp.float32),
    )(h0, agg0, ivd_col, Wr0, Wn0, b0_2)

    agg1 = _agg_kernel(h1, srcp, dstp)
    out_dim = b_dec.shape[0]
    out = pl.pallas_call(
        _final_body,
        grid=(GRID,),
        in_specs=[_row_spec(D), _pair_spec(D), _row_spec(1), _pair_spec(1),
                  _full_spec(D, D), _full_spec(D, D), _full_spec(1, D),
                  _full_spec(D, D), _full_spec(D, D), _full_spec(1, D),
                  _full_spec(D, out_dim), _full_spec(1, out_dim)],
        out_specs=pl.BlockSpec((1, out_dim), lambda i: (0, 0)),
        out_shape=jax.ShapeDtypeStruct((1, out_dim), jnp.float32),
        scratch_shapes=[pltpu.VMEM((8, D), jnp.float32)],
    )(h1, agg1, ivd_col, cp.reshape(2, NPAD, 1),
      Wr1, Wn1, b1_2, Wr2, Wn2, b2_2, W_dec, b_dec2)
    return out

# --- scband reference (transcript-rebuilt; emitter-appended) ---
"""Pipeline reference for scband-model-7335804142022 (READ-ONLY COPY).

The authoritative reference and input builder live on the scoring server;
editing this copy changes nothing except your own understanding.
"""

import jax, jax.numpy as jnp
import numpy as np

N_NODES = 10000
N_EDGES = 320000
IN_DIM = 128
HID = 128
OUT_DIM = 10


def _sage_layer(h, src, dst, Wr, Wn, b, n_nodes):
    # message passing: gather source features, scatter-add to destinations, mean-normalize
    msgs = jnp.take(h, src, axis=0)
    agg = jax.ops.segment_sum(msgs, dst, num_segments=n_nodes)
    deg = jax.ops.segment_sum(jnp.ones((src.shape[0], 1), dtype=h.dtype), dst, num_segments=n_nodes)
    agg = agg / jnp.clip(deg, 1.0, None)
    return h @ Wr + agg @ Wn + b


def setup_inputs(seed: int = 0) -> dict:
    key = jax.random.key(seed)
    ks = jax.random.split(key, 16)
    x = jax.random.normal(ks[0], (N_NODES, IN_DIM), dtype=jnp.float32)
    edge_index = jax.random.randint(ks[1], (2, N_EDGES), 0, N_NODES, dtype=jnp.int64 if jax.config.read('jax_enable_x64') else jnp.int32).astype(jnp.int32)
    s = 1.0 / np.sqrt(HID)
    inp = {
        'x': x,
        'edge_index': edge_index,
        'W_enc': jax.random.normal(ks[2], (IN_DIM, HID), dtype=jnp.float32) * s,
        'b_enc': jnp.zeros((HID,), dtype=jnp.float32),
        'Wr0': jax.random.normal(ks[3], (HID, HID), dtype=jnp.float32) * s,
        'Wn0': jax.random.normal(ks[4], (HID, HID), dtype=jnp.float32) * s,
        'b0': jnp.zeros((HID,), dtype=jnp.float32),
        'Wr1': jax.random.normal(ks[5], (HID, HID), dtype=jnp.float32) * s,
        'Wn1': jax.random.normal(ks[6], (HID, HID), dtype=jnp.float32) * s,
        'b1': jnp.zeros((HID,), dtype=jnp.float32),
        'Wr2': jax.random.normal(ks[7], (HID, HID), dtype=jnp.float32) * s,
        'Wn2': jax.random.normal(ks[8], (HID, HID), dtype=jnp.float32) * s,
        'b2': jnp.zeros((HID,), dtype=jnp.float32),
        'W_dec': jax.random.normal(ks[9], (HID, OUT_DIM), dtype=jnp.float32) * s,
        'b_dec': jnp.zeros((OUT_DIM,), dtype=jnp.float32),
    }
    return inp


def reference(x, edge_index, W_enc, b_enc, Wr0, Wn0, b0, Wr1, Wn1, b1, Wr2, Wn2, b2, W_dec, b_dec):
    src = edge_index[0]
    dst = edge_index[1]
    n = x.shape[0]
    # encoder
    h = x @ W_enc + b_enc
    # net[:-1] with relu
    h = jax.nn.relu(_sage_layer(h, src, dst, Wr0, Wn0, b0, n))
    h = jax.nn.relu(_sage_layer(h, src, dst, Wr1, Wn1, b1, n))
    # net[-1] (no relu)
    h = _sage_layer(h, src, dst, Wr2, Wn2, b2, n)
    # global mean pool over nodes
    g = jnp.mean(h, axis=0, keepdims=True)
    # decoder + softmax
    out = g @ W_dec + b_dec
    return jax.nn.softmax(out, axis=-1)

if __name__ == "__main__":
    import jax
    _d = setup_inputs()
    print(jax.jit(kernel)(*tuple(_d.values())))

</pallas_src>

<mosaic_0001>
#map = affine_map<(d0, d1) -> (0, 0, 0)>
#map1 = affine_map<(d0, d1) -> (0, 0)>
module attributes {stable_mosaic.version = 14 : i64} {
  func.func @_deg_kernel(%arg0: i32, %arg1: i32, %arg2: memref<32x80x128xi32, #tpu.memory_space<hbm>>, %arg3: memref<2x10240xf32, #tpu.memory_space<hbm>>, %arg4: memref<16x128xi32, #tpu.memory_space<vmem>>, %arg5: memref<128xf32, #tpu.memory_space<vmem>>, %arg6: memref<640xf32, #tpu.memory_space<vmem>>, %arg7: memref<10240xf32, #tpu.memory_space<vmem_shared>>) attributes {dimension_semantics = [#tpu.dimension_semantics<core_parallel>, #tpu.dimension_semantics<subcore_parallel>], iteration_bounds = array<i64: 2, 16>, scalar_prefetch = 0 : i64, scratch_operands = 4 : i64, tpu.core_type = #tpu.core_type<sc_vector_subcore>, window_params = [{transform_indices = #map}, {transform_indices = #map1}]} {
    %mul3A = arith.constant 2 : i32
    %mul3A_0 = arith.muli %arg1, %mul3A : i32
    %add3A = arith.addi %mul3A_0, %arg0 : i32
    %scan3A = arith.constant 0 : i32
    %scan3A_1 = arith.constant 0 : i32
    %scan3A_2 = arith.constant 8 : i32
    %scan3A_3 = arith.addi %scan3A_1, %scan3A_2 : i32
    %scan3A_4 = arith.constant 1 : i32
    scf.for %scan3A_25 = %scan3A_1 to %scan3A_3 step %scan3A_4  : i32 {
      %broadcast_in_dim3A = arith.constant 1.000000e+00 : f32
      %broadcast_in_dim3A_26 = vector.broadcast %broadcast_in_dim3A : f32 to vector<16xf32>
      %mul3A_27 = arith.constant 16 : i32
      %mul3A_28 = arith.muli %scan3A_25, %mul3A_27 : i32
      %swap3A = arith.index_cast %mul3A_28 : i32 to index
      %swap3A_29 = tpu.vector_load %arg5[%swap3A] {strides = array<i32>} : memref<128xf32, #tpu.memory_space<vmem>>, vector<16xf32>,
      %swap3A_30 = vector.shape_cast %swap3A_29 : vector<16xf32> to vector<16xf32>
      %swap3A_31 = vector.shape_cast %broadcast_in_dim3A_26 : vector<16xf32> to vector<16xf32>
      tpu.vector_store %arg5[%swap3A], %swap3A_31 {strides = array<i32>} : memref<128xf32, #tpu.memory_space<vmem>>, vector<16xf32>,
    }
    %scan3A_5 = arith.constant 8 : i32
    %scan3A_6 = arith.constant 0 : i32
    %scan3A_7 = arith.constant 0 : i32
    %scan3A_8 = arith.constant 40 : i32
    %scan3A_9 = arith.addi %scan3A_7, %scan3A_8 : i32
    %scan3A_10 = arith.constant 1 : i32
    scf.for %scan3A_25 = %scan3A_7 to %scan3A_9 step %scan3A_10  : i32 {
      %broadcast_in_dim3A = arith.constant 0.000000e+00 : f32
      %broadcast_in_dim3A_26 = vector.broadcast %broadcast_in_dim3A : f32 to vector<16xf32>
      %mul3A_27 = arith.constant 16 : i32
      %mul3A_28 = arith.muli %scan3A_25, %mul3A_27 : i32
      %swap3A = arith.index_cast %mul3A_28 : i32 to index
      %swap3A_29 = tpu.vector_load %arg6[%swap3A] {strides = array<i32>} : memref<640xf32, #tpu.memory_space<vmem>>, vector<16xf32>,
      %swap3A_30 = vector.shape_cast %swap3A_29 : vector<16xf32> to vector<16xf32>
      %swap3A_31 = vector.shape_cast %broadcast_in_dim3A_26 : vector<16xf32> to vector<16xf32>
      tpu.vector_store %arg6[%swap3A], %swap3A_31 {strides = array<i32>} : memref<640xf32, #tpu.memory_space<vmem>>, vector<16xf32>,
    }
    %scan3A_11 = arith.constant 40 : i32
    %mul3A_12 = arith.constant 640 : i32
    %mul3A_13 = arith.muli %arg1, %mul3A_12 : i32
    "tpu.region"() ({
      %run_scoped3A = tpu.sem_alloc : memref<!tpu.dma_semaphore, #tpu.memory_space<semaphore_mem>>
      %dma_start3A = tpu.memref_slice %arg7[%mul3A_13] : memref<10240xf32, #tpu.memory_space<vmem_shared>> -> memref<640xf32, #tpu.memory_space<vmem_shared>>
      %dma_start3A_25 = tpu.memref_slice %arg7[%mul3A_13] : memref<10240xf32, #tpu.memory_space<vmem_shared>> -> memref<640xf32, #tpu.memory_space<vmem_shared>>
      tpu.enqueue_dma source(%arg6 : memref<640xf32, #tpu.memory_space<vmem>>) target(%dma_start3A_25 : memref<640xf32, #tpu.memory_space<vmem_shared>>) target_semaphore(%run_scoped3A : memref<!tpu.dma_semaphore, #tpu.memory_space<semaphore_mem>>)
      %dma_wait3A = tpu.memref_slice %arg7[%mul3A_13] : memref<10240xf32, #tpu.memory_space<vmem_shared>> -> memref<640xf32, #tpu.memory_space<vmem_shared>>
      %dma_wait3A_26 = tpu.memref_slice %arg7[%mul3A_13] : memref<10240xf32, #tpu.memory_space<vmem_shared>> -> memref<640xf32, #tpu.memory_space<vmem_shared>>
      tpu.wait_dma2 semaphore(%run_scoped3A : memref<!tpu.dma_semaphore, #tpu.memory_space<semaphore_mem>>) src(%arg6 : memref<640xf32, #tpu.memory_space<vmem>>) dst(%dma_wait3A_26 : memref<640xf32, #tpu.memory_space<vmem_shared>>)
      tpu.yield
    }) : () -> ()
    %barrier3A = arith.constant 0 : index
    tpu.barrier barrier_id(%barrier3A)
    %scan3A_14 = arith.constant 0 : i32
    %scan3A_15 = arith.constant 0 : i32
    %scan3A_16 = arith.constant 5 : i32
    %scan3A_17 = arith.addi %scan3A_15, %scan3A_16 : i32
    %scan3A_18 = arith.constant 1 : i32
    scf.for %scan3A_25 = %scan3A_15 to %scan3A_17 step %scan3A_18  : i32 {
      %mul3A_26 = arith.constant 16 : i32
      %mul3A_27 = arith.muli %scan3A_25, %mul3A_26 : i32
      "tpu.region"() ({
        %run_scoped3A = tpu.sem_alloc : memref<!tpu.dma_semaphore, #tpu.memory_space<semaphore_mem>>
        %dma_start3A = arith.constant 0 : i32
        %dma_start3A_34 = tpu.memref_slice %arg2[%add3A, %mul3A_27, %dma_start3A] : memref<32x80x128xi32, #tpu.memory_space<hbm>> -> memref<1x16x128xi32, #tpu.memory_space<hbm>>
        %dma_start3A_35 = tpu.memref_squeeze %dma_start3A_34 : memref<1x16x128xi32, #tpu.memory_space<hbm>> -> memref<16x128xi32, #tpu.memory_space<hbm>>
        %dma_start3A_36 = arith.constant 0 : i32
        %dma_start3A_37 = tpu.memref_slice %arg2[%add3A, %mul3A_27, %dma_start3A_36] : memref<32x80x128xi32, #tpu.memory_space<hbm>> -> memref<1x16x128xi32, #tpu.memory_space<hbm>>
        %dma_start3A_38 = tpu.memref_squeeze %dma_start3A_37 : memref<1x16x128xi32, #tpu.memory_space<hbm>> -> memref<16x128xi32, #tpu.memory_space<hbm>>
        tpu.enqueue_dma source(%dma_start3A_38 : memref<16x128xi32, #tpu.memory_space<hbm>>) target(%arg4 : memref<16x128xi32, #tpu.memory_space<vmem>>) target_semaphore(%run_scoped3A : memref<!tpu.dma_semaphore, #tpu.memory_space<semaphore_mem>>)
        %dma_wait3A = arith.constant 0 : i32
        %dma_wait3A_39 = tpu.memref_slice %arg2[%add3A, %mul3A_27, %dma_wait3A] : memref<32x80x128xi32, #tpu.memory_space<hbm>> -> memref<1x16x128xi32, #tpu.memory_space<hbm>>
        %dma_wait3A_40 = tpu.memref_squeeze %dma_wait3A_39 : memref<1x16x128xi32, #tpu.memory_space<hbm>> -> memref<16x128xi32, #tpu.memory_space<hbm>>
        %dma_wait3A_41 = arith.constant 0 : i32
        %dma_wait3A_42 = tpu.memref_slice %arg2[%add3A, %mul3A_27, %dma_wait3A_41] : memref<32x80x128xi32, #tpu.memory_space<hbm>> -> memref<1x16x128xi32, #tpu.memory_space<hbm>>
        %dma_wait3A_43 = tpu.memref_squeeze %dma_wait3A_42 : memref<1x16x128xi32, #tpu.memory_space<hbm>> -> memref<16x128xi32, #tpu.memory_space<hbm>>
        tpu.wait_dma2 semaphore(%run_scoped3A : memref<!tpu.dma_semaphore, #tpu.memory_space<semaphore_mem>>) src(%dma_wait3A_43 : memref<16x128xi32, #tpu.memory_space<hbm>>) dst(%arg4 : memref<16x128xi32, #tpu.memory_space<vmem>>)
        tpu.yield
      }) : () -> ()
      %scan3A_28 = arith.constant 0 : i32
      %scan3A_29 = arith.constant 0 : i32
      %scan3A_30 = arith.constant 16 : i32
      %scan3A_31 = arith.addi %scan3A_29, %scan3A_30 : i32
      %scan3A_32 = arith.constant 1 : i32
      scf.for %scan3A_34 = %scan3A_29 to %scan3A_31 step %scan3A_32  : i32 {
        "tpu.region"() ({
          %run_scoped3A = tpu.sem_alloc : memref<!tpu.dma_semaphore, #tpu.memory_space<semaphore_mem>>
          %dma_start3A = arith.constant 0 : i32
          %dma_start3A_35 = tpu.memref_slice %arg4[%scan3A_34, %dma_start3A] : memref<16x128xi32, #tpu.memory_space<vmem>> -> memref<1x128xi32, #tpu.memory_space<vmem>>
          %dma_start3A_36 = tpu.memref_squeeze %dma_start3A_35 : memref<1x128xi32, #tpu.memory_space<vmem>> -> memref<128xi32, #tpu.memory_space<vmem>>
          %dma_start3A_37 = arith.constant 0 : i32
          %dma_start3A_38 = tpu.memref_slice %arg7[%dma_start3A_37] : memref<10240xf32, #tpu.memory_space<vmem_shared>> -> memref<10240xf32, #tpu.memory_space<vmem_shared>>
          tpu.enqueue_indirect_dma source(%arg5 : memref<128xf32, #tpu.memory_space<vmem>>) target(%dma_start3A_38 : memref<10240xf32, #tpu.memory_space<vmem_shared>>) offsets(%dma_start3A_36 : memref<128xi32, #tpu.memory_space<vmem>>) semaphore(%run_scoped3A : memref<!tpu.dma_semaphore, #tpu.memory_space<semaphore_mem>>) {add = true}
          %dma_wait3A = arith.constant 0 : i32
          %dma_wait3A_39 = tpu.memref_slice %arg4[%scan3A_34, %dma_wait3A] : memref<16x128xi32, #tpu.memory_space<vmem>> -> memref<1x128xi32, #tpu.memory_space<vmem>>
          %dma_wait3A_40 = tpu.memref_squeeze %dma_wait3A_39 : memref<1x128xi32, #tpu.memory_space<vmem>> -> memref<128xi32, #tpu.memory_space<vmem>>
          %dma_wait3A_41 = arith.constant 0 : i32
          %dma_wait3A_42 = tpu.memref_slice %arg7[%dma_wait3A_41] : memref<10240xf32, #tpu.memory_space<vmem_shared>> -> memref<10240xf32, #tpu.memory_space<vmem_shared>>
          tpu.wait_indirect_dma semaphore(%run_scoped3A : memref<!tpu.dma_semaphore, #tpu.memory_space<semaphore_mem>>) src(%arg5 : memref<128xf32, #tpu.memory_space<vmem>>) dst(%dma_wait3A_42 : memref<10240xf32, #tpu.memory_space<vmem_shared>>)
          tpu.yield
        }) : () -> ()
      }
      %scan3A_33 = arith.constant 16 : i32
    }
    %scan3A_19 = arith.constant 5 : i32
    %barrier3A_20 = arith.constant 0 : index
    tpu.barrier barrier_id(%barrier3A_20)
    %mul3A_21 = arith.constant 640 : i32
    %mul3A_22 = arith.muli %arg1, %mul3A_21 : i32
    %mul3A_23 = arith.constant 640 : i32
    %mul3A_24 = arith.muli %arg1, %mul3A_23 : i32
    "tpu.region"() ({
      %run_scoped3A = tpu.sem_alloc : memref<!tpu.dma_semaphore, #tpu.memory_space<semaphore_mem>>
      %dma_start3A = tpu.memref_slice %arg3[%arg0, %mul3A_24] : memref<2x10240xf32, #tpu.memory_space<hbm>> -> memref<1x640xf32, #tpu.memory_space<hbm>>
      %dma_start3A_25 = tpu.memref_squeeze %dma_start3A : memref<1x640xf32, #tpu.memory_space<hbm>> -> memref<640xf32, #tpu.memory_space<hbm>>
      %dma_start3A_26 = tpu.memref_slice %arg7[%mul3A_22] : memref<10240xf32, #tpu.memory_space<vmem_shared>> -> memref<640xf32, #tpu.memory_space<vmem_shared>>
      tpu.enqueue_dma source(%dma_start3A_26 : memref<640xf32, #tpu.memory_space<vmem_shared>>) target(%dma_start3A_25 : memref<640xf32, #tpu.memory_space<hbm>>) target_semaphore(%run_scoped3A : memref<!tpu.dma_semaphore, #tpu.memory_space<semaphore_mem>>)
      %dma_wait3A = tpu.memref_slice %arg3[%arg0, %mul3A_24] : memref<2x10240xf32, #tpu.memory_space<hbm>> -> memref<1x640xf32, #tpu.memory_space<hbm>>
      %dma_wait3A_27 = tpu.memref_squeeze %dma_wait3A : memref<1x640xf32, #tpu.memory_space<hbm>> -> memref<640xf32, #tpu.memory_space<hbm>>
      %dma_wait3A_28 = tpu.memref_slice %arg7[%mul3A_22] : memref<10240xf32, #tpu.memory_space<vmem_shared>> -> memref<640xf32, #tpu.memory_space<vmem_shared>>
      tpu.wait_dma2 semaphore(%run_scoped3A : memref<!tpu.dma_semaphore, #tpu.memory_space<semaphore_mem>>) src(%dma_wait3A_28 : memref<640xf32, #tpu.memory_space<vmem_shared>>) dst(%dma_wait3A_27 : memref<640xf32, #tpu.memory_space<hbm>>)
      tpu.yield
    }) : () -> ()
    return
  }
}

#map = affine_map<(d0, d1) -> (0, 0)>
#map1 = affine_map<(d0, d1) -> (0, 0, 0)>
module attributes {stable_mosaic.version = 14 : i64} {
  func.func @_agg_kernel(%arg0: i32, %arg1: i32, %arg2: memref<10240x128xf32, #tpu.memory_space<hbm>>, %arg3: memref<32x80x128xi32, #tpu.memory_space<hbm>>, %arg4: memref<32x80x128xi32, #tpu.memory_space<hbm>>, %arg5: memref<2x10240x128xf32, #tpu.memory_space<hbm>>, %arg6: memref<16x128xi32, #tpu.memory_space<vmem>>, %arg7: memref<16x128xi32, #tpu.memory_space<vmem>>, %arg8: memref<128x128xf32, #tpu.memory_space<vmem>>, %arg9: memref<128x128xf32, #tpu.memory_space<vmem>>, %arg10: memref<10240x128xf32, #tpu.memory_space<vmem_shared>>, %arg11: memref<!tpu.dma_semaphore, #tpu.memory_space<semaphore_mem>>, %arg12: memref<!tpu.dma_semaphore, #tpu.memory_space<semaphore_mem>>) attributes {dimension_semantics = [#tpu.dimension_semantics<core_parallel>, #tpu.dimension_semantics<subcore_parallel>], iteration_bounds = array<i64: 2, 16>, scalar_prefetch = 0 : i64, scratch_operands = 7 : i64, tpu.core_type = #tpu.core_type<sc_vector_subcore>, window_params = [{transform_indices = #map}, {transform_indices = #map1}, {transform_indices = #map1}, {transform_indices = #map1}]} {
    %mul3A = arith.constant 2 : i32
    %mul3A_0 = arith.muli %arg1, %mul3A : i32
    %add3A = arith.addi %mul3A_0, %arg0 : i32
    %scan3A = arith.constant 0 : i32
    %scan3A_1 = arith.constant 0 : i32
    %scan3A_2 = arith.constant 128 : i32
    %scan3A_3 = arith.addi %scan3A_1, %scan3A_2 : i32
    %scan3A_4 = arith.constant 1 : i32
    scf.for %scan3A_37 = %scan3A_1 to %scan3A_3 step %scan3A_4  : i32 {
      %broadcast_in_dim3A = arith.constant 0.000000e+00 : f32
      %broadcast_in_dim3A_38 = vector.broadcast %broadcast_in_dim3A : f32 to vector<16xf32>
      %swap3A = arith.index_cast %scan3A_37 : i32 to index
      %swap3A_39 = arith.constant 0 : index
      %swap3A_40 = tpu.vector_load %arg8[%swap3A, %swap3A_39] {strides = array<i32>} : memref<128x128xf32, #tpu.memory_space<vmem>>, vector<1x16xf32>,
      %swap3A_41 = vector.shape_cast %swap3A_40 : vector<1x16xf32> to vector<16xf32>
      %swap3A_42 = vector.shape_cast %broadcast_in_dim3A_38 : vector<16xf32> to vector<1x16xf32>
      tpu.vector_store %arg8[%swap3A, %swap3A_39], %swap3A_42 {strides = array<i32>} : memref<128x128xf32, #tpu.memory_space<vmem>>, vector<1x16xf32>,
      %swap3A_43 = arith.index_cast %scan3A_37 : i32 to index
      %swap3A_44 = arith.constant 16 : index
      %swap3A_45 = tpu.vector_load %arg8[%swap3A_43, %swap3A_44] {strides = array<i32>} : memref<128x128xf32, #tpu.memory_space<vmem>>, vector<1x16xf32>,
      %swap3A_46 = vector.shape_cast %swap3A_45 : vector<1x16xf32> to vector<16xf32>
      %swap3A_47 = vector.shape_cast %broadcast_in_dim3A_38 : vector<16xf32> to vector<1x16xf32>
      tpu.vector_store %arg8[%swap3A_43, %swap3A_44], %swap3A_47 {strides = array<i32>} : memref<128x128xf32, #tpu.memory_space<vmem>>, vector<1x16xf32>,
      %swap3A_48 = arith.index_cast %scan3A_37 : i32 to index
      %swap3A_49 = arith.constant 32 : index
      %swap3A_50 = tpu.vector_load %arg8[%swap3A_48, %swap3A_49] {strides = array<i32>} : memref<128x128xf32, #tpu.memory_space<vmem>>, vector<1x16xf32>,
      %swap3A_51 = vector.shape_cast %swap3A_50 : vector<1x16xf32> to vector<16xf32>
      %swap3A_52 = vector.shape_cast %broadcast_in_dim3A_38 : vector<16xf32> to vector<1x16xf32>
      tpu.vector_store %arg8[%swap3A_48, %swap3A_49], %swap3A_52 {strides = array<i32>} : memref<128x128xf32, #tpu.memory_space<vmem>>, vector<1x16xf32>,
      %swap3A_53 = arith.index_cast %scan3A_37 : i32 to index
      %swap3A_54 = arith.constant 48 : index
      %swap3A_55 = tpu.vector_load %arg8[%swap3A_53, %swap3A_54] {strides = array<i32>} : memref<128x128xf32, #tpu.memory_space<vmem>>, vector<1x16xf32>,
      %swap3A_56 = vector.shape_cast %swap3A_55 : vector<1x16xf32> to vector<16xf32>
      %swap3A_57 = vector.shape_cast %broadcast_in_dim3A_38 : vector<16xf32> to vector<1x16xf32>
      tpu.vector_store %arg8[%swap3A_53, %swap3A_54], %swap3A_57 {strides = array<i32>} : memref<128x128xf32, #tpu.memory_space<vmem>>, vector<1x16xf32>,
      %swap3A_58 = arith.index_cast %scan3A_37 : i32 to index
      %swap3A_59 = arith.constant 64 : index
      %swap3A_60 = tpu.vector_load %arg8[%swap3A_58, %swap3A_59] {strides = array<i32>} : memref<128x128xf32, #tpu.memory_space<vmem>>, vector<1x16xf32>,
      %swap3A_61 = vector.shape_cast %swap3A_60 : vector<1x16xf32> to vector<16xf32>
      %swap3A_62 = vector.shape_cast %broadcast_in_dim3A_38 : vector<16xf32> to vector<1x16xf32>
      tpu.vector_store %arg8[%swap3A_58, %swap3A_59], %swap3A_62 {strides = array<i32>} : memref<128x128xf32, #tpu.memory_space<vmem>>, vector<1x16xf32>,
      %swap3A_63 = arith.index_cast %scan3A_37 : i32 to index
      %swap3A_64 = arith.constant 80 : index
      %swap3A_65 = tpu.vector_load %arg8[%swap3A_63, %swap3A_64] {strides = array<i32>} : memref<128x128xf32, #tpu.memory_space<vmem>>, vector<1x16xf32>,
      %swap3A_66 = vector.shape_cast %swap3A_65 : vector<1x16xf32> to vector<16xf32>
      %swap3A_67 = vector.shape_cast %broadcast_in_dim3A_38 : vector<16xf32> to vector<1x16xf32>
      tpu.vector_store %arg8[%swap3A_63, %swap3A_64], %swap3A_67 {strides = array<i32>} : memref<128x128xf32, #tpu.memory_space<vmem>>, vector<1x16xf32>,
      %swap3A_68 = arith.index_cast %scan3A_37 : i32 to index
      %swap3A_69 = arith.constant 96 : index
      %swap3A_70 = tpu.vector_load %arg8[%swap3A_68, %swap3A_69] {strides = array<i32>} : memref<128x128xf32, #tpu.memory_space<vmem>>, vector<1x16xf32>,
      %swap3A_71 = vector.shape_cast %swap3A_70 : vector<1x16xf32> to vector<16xf32>
      %swap3A_72 = vector.shape_cast %broadcast_in_dim3A_38 : vector<16xf32> to vector<1x16xf32>
      tpu.vector_store %arg8[%swap3A_68, %swap3A_69], %swap3A_72 {strides = array<i32>} : memref<128x128xf32, #tpu.memory_space<vmem>>, vector<1x16xf32>,
      %swap3A_73 = arith.index_cast %scan3A_37 : i32 to index
      %swap3A_74 = arith.constant 112 : index
      %swap3A_75 = tpu.vector_load %arg8[%swap3A_73, %swap3A_74] {strides = array<i32>} : memref<128x128xf32, #tpu.memory_space<vmem>>, vector<1x16xf32>,
      %swap3A_76 = vector.shape_cast %swap3A_75 : vector<1x16xf32> to vector<16xf32>
      %swap3A_77 = vector.shape_cast %broadcast_in_dim3A_38 : vector<16xf32> to vector<1x16xf32>
      tpu.vector_store %arg8[%swap3A_73, %swap3A_74], %swap3A_77 {strides = array<i32>} : memref<128x128xf32, #tpu.memory_space<vmem>>, vector<1x16xf32>,
    }
    %scan3A_5 = arith.constant 128 : i32
    %mul3A_6 = arith.constant 640 : i32
    %mul3A_7 = arith.muli %arg1, %mul3A_6 : i32
    %add3A_8 = arith.constant 0 : i32
    %add3A_9 = arith.addi %mul3A_7, %add3A_8 : i32
    "tpu.region"() ({
      %run_scoped3A = tpu.sem_alloc : memref<!tpu.dma_semaphore, #tpu.memory_space<semaphore_mem>>
      %dma_start3A = arith.constant 0 : i32
      %dma_start3A_37 = tpu.memref_slice %arg10[%add3A_9, %dma_start3A] : memref<10240x128xf32, #tpu.memory_space<vmem_shared>> -> memref<128x128xf32, #tpu.memory_space<vmem_shared>>
      %dma_start3A_38 = arith.constant 0 : i32
      %dma_start3A_39 = tpu.memref_slice %arg10[%add3A_9, %dma_start3A_38] : memref<10240x128xf32, #tpu.memory_space<vmem_shared>> -> memref<128x128xf32, #tpu.memory_space<vmem_shared>>
      tpu.enqueue_dma source(%arg8 : memref<128x128xf32, #tpu.memory_space<vmem>>) target(%dma_start3A_39 : memref<128x128xf32, #tpu.memory_space<vmem_shared>>) target_semaphore(%run_scoped3A : memref<!tpu.dma_semaphore, #tpu.memory_space<semaphore_mem>>)
      %dma_wait3A = arith.constant 0 : i32
      %dma_wait3A_40 = tpu.memref_slice %arg10[%add3A_9, %dma_wait3A] : memref<10240x128xf32, #tpu.memory_space<vmem_shared>> -> memref<128x128xf32, #tpu.memory_space<vmem_shared>>
      %dma_wait3A_41 = arith.constant 0 : i32
      %dma_wait3A_42 = tpu.memref_slice %arg10[%add3A_9, %dma_wait3A_41] : memref<10240x128xf32, #tpu.memory_space<vmem_shared>> -> memref<128x128xf32, #tpu.memory_space<vmem_shared>>
      tpu.wait_dma2 semaphore(%run_scoped3A : memref<!tpu.dma_semaphore, #tpu.memory_space<semaphore_mem>>) src(%arg8 : memref<128x128xf32, #tpu.memory_space<vmem>>) dst(%dma_wait3A_42 : memref<128x128xf32, #tpu.memory_space<vmem_shared>>)
      tpu.yield
    }) : () -> ()
    %mul3A_10 = arith.constant 640 : i32
    %mul3A_11 = arith.muli %arg1, %mul3A_10 : i32
    %add3A_12 = arith.constant 128 : i32
    %add3A_13 = arith.addi %mul3A_11, %add3A_12 : i32
    "tpu.region"() ({
      %run_scoped3A = tpu.sem_alloc : memref<!tpu.dma_semaphore, #tpu.memory_space<semaphore_mem>>
      %dma_start3A = arith.constant 0 : i32
      %dma_start3A_37 = tpu.memref_slice %arg10[%add3A_13, %dma_start3A] : memref<10240x128xf32, #tpu.memory_space<vmem_shared>> -> memref<128x128xf32, #tpu.memory_space<vmem_shared>>
      %dma_start3A_38 = arith.constant 0 : i32
      %dma_start3A_39 = tpu.memref_slice %arg10[%add3A_13, %dma_start3A_38] : memref<10240x128xf32, #tpu.memory_space<vmem_shared>> -> memref<128x128xf32, #tpu.memory_space<vmem_shared>>
      tpu.enqueue_dma source(%arg8 : memref<128x128xf32, #tpu.memory_space<vmem>>) target(%dma_start3A_39 : memref<128x128xf32, #tpu.memory_space<vmem_shared>>) target_semaphore(%run_scoped3A : memref<!tpu.dma_semaphore, #tpu.memory_space<semaphore_mem>>)
      %dma_wait3A = arith.constant 0 : i32
      %dma_wait3A_40 = tpu.memref_slice %arg10[%add3A_13, %dma_wait3A] : memref<10240x128xf32, #tpu.memory_space<vmem_shared>> -> memref<128x128xf32, #tpu.memory_space<vmem_shared>>
      %dma_wait3A_41 = arith.constant 0 : i32
      %dma_wait3A_42 = tpu.memref_slice %arg10[%add3A_13, %dma_wait3A_41] : memref<10240x128xf32, #tpu.memory_space<vmem_shared>> -> memref<128x128xf32, #tpu.memory_space<vmem_shared>>
      tpu.wait_dma2 semaphore(%run_scoped3A : memref<!tpu.dma_semaphore, #tpu.memory_space<semaphore_mem>>) src(%arg8 : memref<128x128xf32, #tpu.memory_space<vmem>>) dst(%dma_wait3A_42 : memref<128x128xf32, #tpu.memory_space<vmem_shared>>)
      tpu.yield
    }) : () -> ()
    %mul3A_14 = arith.constant 640 : i32
    %mul3A_15 = arith.muli %arg1, %mul3A_14 : i32
    %add3A_16 = arith.constant 256 : i32
    %add3A_17 = arith.addi %mul3A_15, %add3A_16 : i32
    "tpu.region"() ({
      %run_scoped3A = tpu.sem_alloc : memref<!tpu.dma_semaphore, #tpu.memory_space<semaphore_mem>>
      %dma_start3A = arith.constant 0 : i32
      %dma_start3A_37 = tpu.memref_slice %arg10[%add3A_17, %dma_start3A] : memref<10240x128xf32, #tpu.memory_space<vmem_shared>> -> memref<128x128xf32, #tpu.memory_space<vmem_shared>>
      %dma_start3A_38 = arith.constant 0 : i32
      %dma_start3A_39 = tpu.memref_slice %arg10[%add3A_17, %dma_start3A_38] : memref<10240x128xf32, #tpu.memory_space<vmem_shared>> -> memref<128x128xf32, #tpu.memory_space<vmem_shared>>
      tpu.enqueue_dma source(%arg8 : memref<128x128xf32, #tpu.memory_space<vmem>>) target(%dma_start3A_39 : memref<128x128xf32, #tpu.memory_space<vmem_shared>>) target_semaphore(%run_scoped3A : memref<!tpu.dma_semaphore, #tpu.memory_space<semaphore_mem>>)
      %dma_wait3A = arith.constant 0 : i32
      %dma_wait3A_40 = tpu.memref_slice %arg10[%add3A_17, %dma_wait3A] : memref<10240x128xf32, #tpu.memory_space<vmem_shared>> -> memref<128x128xf32, #tpu.memory_space<vmem_shared>>
      %dma_wait3A_41 = arith.constant 0 : i32
      %dma_wait3A_42 = tpu.memref_slice %arg10[%add3A_17, %dma_wait3A_41] : memref<10240x128xf32, #tpu.memory_space<vmem_shared>> -> memref<128x128xf32, #tpu.memory_space<vmem_shared>>
      tpu.wait_dma2 semaphore(%run_scoped3A : memref<!tpu.dma_semaphore, #tpu.memory_space<semaphore_mem>>) src(%arg8 : memref<128x128xf32, #tpu.memory_space<vmem>>) dst(%dma_wait3A_42 : memref<128x128xf32, #tpu.memory_space<vmem_shared>>)
      tpu.yield
    }) : () -> ()
    %mul3A_18 = arith.constant 640 : i32
    %mul3A_19 = arith.muli %arg1, %mul3A_18 : i32
    %add3A_20 = arith.constant 384 : i32
    %add3A_21 = arith.addi %mul3A_19, %add3A_20 : i32
    "tpu.region"() ({
      %run_scoped3A = tpu.sem_alloc : memref<!tpu.dma_semaphore, #tpu.memory_space<semaphore_mem>>
      %dma_start3A = arith.constant 0 : i32
      %dma_start3A_37 = tpu.memref_slice %arg10[%add3A_21, %dma_start3A] : memref<10240x128xf32, #tpu.memory_space<vmem_shared>> -> memref<128x128xf32, #tpu.memory_space<vmem_shared>>
      %dma_start3A_38 = arith.constant 0 : i32
      %dma_start3A_39 = tpu.memref_slice %arg10[%add3A_21, %dma_start3A_38] : memref<10240x128xf32, #tpu.memory_space<vmem_shared>> -> memref<128x128xf32, #tpu.memory_space<vmem_shared>>
      tpu.enqueue_dma source(%arg8 : memref<128x128xf32, #tpu.memory_space<vmem>>) target(%dma_start3A_39 : memref<128x128xf32, #tpu.memory_space<vmem_shared>>) target_semaphore(%run_scoped3A : memref<!tpu.dma_semaphore, #tpu.memory_space<semaphore_mem>>)
      %dma_wait3A = arith.constant 0 : i32
      %dma_wait3A_40 = tpu.memref_slice %arg10[%add3A_21, %dma_wait3A] : memref<10240x128xf32, #tpu.memory_space<vmem_shared>> -> memref<128x128xf32, #tpu.memory_space<vmem_shared>>
      %dma_wait3A_41 = arith.constant 0 : i32
      %dma_wait3A_42 = tpu.memref_slice %arg10[%add3A_21, %dma_wait3A_41] : memref<10240x128xf32, #tpu.memory_space<vmem_shared>> -> memref<128x128xf32, #tpu.memory_space<vmem_shared>>
      tpu.wait_dma2 semaphore(%run_scoped3A : memref<!tpu.dma_semaphore, #tpu.memory_space<semaphore_mem>>) src(%arg8 : memref<128x128xf32, #tpu.memory_space<vmem>>) dst(%dma_wait3A_42 : memref<128x128xf32, #tpu.memory_space<vmem_shared>>)
      tpu.yield
    }) : () -> ()
    %mul3A_22 = arith.constant 640 : i32
    %mul3A_23 = arith.muli %arg1, %mul3A_22 : i32
    %add3A_24 = arith.constant 512 : i32
    %add3A_25 = arith.addi %mul3A_23, %add3A_24 : i32
    "tpu.region"() ({
      %run_scoped3A = tpu.sem_alloc : memref<!tpu.dma_semaphore, #tpu.memory_space<semaphore_mem>>
      %dma_start3A = arith.constant 0 : i32
      %dma_start3A_37 = tpu.memref_slice %arg10[%add3A_25, %dma_start3A] : memref<10240x128xf32, #tpu.memory_space<vmem_shared>> -> memref<128x128xf32, #tpu.memory_space<vmem_shared>>
      %dma_start3A_38 = arith.constant 0 : i32
      %dma_start3A_39 = tpu.memref_slice %arg10[%add3A_25, %dma_start3A_38] : memref<10240x128xf32, #tpu.memory_space<vmem_shared>> -> memref<128x128xf32, #tpu.memory_space<vmem_shared>>
      tpu.enqueue_dma source(%arg8 : memref<128x128xf32, #tpu.memory_space<vmem>>) target(%dma_start3A_39 : memref<128x128xf32, #tpu.memory_space<vmem_shared>>) target_semaphore(%run_scoped3A : memref<!tpu.dma_semaphore, #tpu.memory_space<semaphore_mem>>)
      %dma_wait3A = arith.constant 0 : i32
      %dma_wait3A_40 = tpu.memref_slice %arg10[%add3A_25, %dma_wait3A] : memref<10240x128xf32, #tpu.memory_space<vmem_shared>> -> memref<128x128xf32, #tpu.memory_space<vmem_shared>>
      %dma_wait3A_41 = arith.constant 0 : i32
      %dma_wait3A_42 = tpu.memref_slice %arg10[%add3A_25, %dma_wait3A_41] : memref<10240x128xf32, #tpu.memory_space<vmem_shared>> -> memref<128x128xf32, #tpu.memory_space<vmem_shared>>
      tpu.wait_dma2 semaphore(%run_scoped3A : memref<!tpu.dma_semaphore, #tpu.memory_space<semaphore_mem>>) src(%arg8 : memref<128x128xf32, #tpu.memory_space<vmem>>) dst(%dma_wait3A_42 : memref<128x128xf32, #tpu.memory_space<vmem_shared>>)
      tpu.yield
    }) : () -> ()
    %barrier3A = arith.constant 0 : index
    tpu.barrier barrier_id(%barrier3A)
    %scan3A_26 = arith.constant 0 : i32
    %scan3A_27 = arith.constant 0 : i32
    %scan3A_28 = arith.constant 5 : i32
    %scan3A_29 = arith.addi %scan3A_27, %scan3A_28 : i32
    %scan3A_30 = arith.constant 1 : i32
    scf.for %scan3A_37 = %scan3A_27 to %scan3A_29 step %scan3A_30  : i32 {
      %mul3A_38 = arith.constant 16 : i32
      %mul3A_39 = arith.muli %scan3A_37, %mul3A_38 : i32
      "tpu.region"() ({
        %run_scoped3A = tpu.sem_alloc : memref<!tpu.dma_semaphore, #tpu.memory_space<semaphore_mem>>
        %dma_start3A = arith.constant 0 : i32
        %dma_start3A_48 = tpu.memref_slice %arg3[%add3A, %mul3A_39, %dma_start3A] : memref<32x80x128xi32, #tpu.memory_space<hbm>> -> memref<1x16x128xi32, #tpu.memory_space<hbm>>
        %dma_start3A_49 = tpu.memref_squeeze %dma_start3A_48 : memref<1x16x128xi32, #tpu.memory_space<hbm>> -> memref<16x128xi32, #tpu.memory_space<hbm>>
        %dma_start3A_50 = arith.constant 0 : i32
        %dma_start3A_51 = tpu.memref_slice %arg3[%add3A, %mul3A_39, %dma_start3A_50] : memref<32x80x128xi32, #tpu.memory_space<hbm>> -> memref<1x16x128xi32, #tpu.memory_space<hbm>>
        %dma_start3A_52 = tpu.memref_squeeze %dma_start3A_51 : memref<1x16x128xi32, #tpu.memory_space<hbm>> -> memref<16x128xi32, #tpu.memory_space<hbm>>
        tpu.enqueue_dma source(%dma_start3A_52 : memref<16x128xi32, #tpu.memory_space<hbm>>) target(%arg6 : memref<16x128xi32, #tpu.memory_space<vmem>>) target_semaphore(%run_scoped3A : memref<!tpu.dma_semaphore, #tpu.memory_space<semaphore_mem>>)
        %dma_wait3A = arith.constant 0 : i32
        %dma_wait3A_53 = tpu.memref_slice %arg3[%add3A, %mul3A_39, %dma_wait3A] : memref<32x80x128xi32, #tpu.memory_space<hbm>> -> memref<1x16x128xi32, #tpu.memory_space<hbm>>
        %dma_wait3A_54 = tpu.memref_squeeze %dma_wait3A_53 : memref<1x16x128xi32, #tpu.memory_space<hbm>> -> memref<16x128xi32, #tpu.memory_space<hbm>>
        %dma_wait3A_55 = arith.constant 0 : i32
        %dma_wait3A_56 = tpu.memref_slice %arg3[%add3A, %mul3A_39, %dma_wait3A_55] : memref<32x80x128xi32, #tpu.memory_space<hbm>> -> memref<1x16x128xi32, #tpu.memory_space<hbm>>
        %dma_wait3A_57 = tpu.memref_squeeze %dma_wait3A_56 : memref<1x16x128xi32, #tpu.memory_space<hbm>> -> memref<16x128xi32, #tpu.memory_space<hbm>>
        tpu.wait_dma2 semaphore(%run_scoped3A : memref<!tpu.dma_semaphore, #tpu.memory_space<semaphore_mem>>) src(%dma_wait3A_57 : memref<16x128xi32, #tpu.memory_space<hbm>>) dst(%arg6 : memref<16x128xi32, #tpu.memory_space<vmem>>)
        tpu.yield
      }) : () -> ()
      %mul3A_40 = arith.constant 16 : i32
      %mul3A_41 = arith.muli %scan3A_37, %mul3A_40 : i32
      "tpu.region"() ({
        %run_scoped3A = tpu.sem_alloc : memref<!tpu.dma_semaphore, #tpu.memory_space<semaphore_mem>>
        %dma_start3A = arith.constant 0 : i32
        %dma_start3A_48 = tpu.memref_slice %arg4[%add3A, %mul3A_41, %dma_start3A] : memref<32x80x128xi32, #tpu.memory_space<hbm>> -> memref<1x16x128xi32, #tpu.memory_space<hbm>>
        %dma_start3A_49 = tpu.memref_squeeze %dma_start3A_48 : memref<1x16x128xi32, #tpu.memory_space<hbm>> -> memref<16x128xi32, #tpu.memory_space<hbm>>
        %dma_start3A_50 = arith.constant 0 : i32
        %dma_start3A_51 = tpu.memref_slice %arg4[%add3A, %mul3A_41, %dma_start3A_50] : memref<32x80x128xi32, #tpu.memory_space<hbm>> -> memref<1x16x128xi32, #tpu.memory_space<hbm>>
        %dma_start3A_52 = tpu.memref_squeeze %dma_start3A_51 : memref<1x16x128xi32, #tpu.memory_space<hbm>> -> memref<16x128xi32, #tpu.memory_space<hbm>>
        tpu.enqueue_dma source(%dma_start3A_52 : memref<16x128xi32, #tpu.memory_space<hbm>>) target(%arg7 : memref<16x128xi32, #tpu.memory_space<vmem>>) target_semaphore(%run_scoped3A : memref<!tpu.dma_semaphore, #tpu.memory_space<semaphore_mem>>)
        %dma_wait3A = arith.constant 0 : i32
        %dma_wait3A_53 = tpu.memref_slice %arg4[%add3A, %mul3A_41, %dma_wait3A] : memref<32x80x128xi32, #tpu.memory_space<hbm>> -> memref<1x16x128xi32, #tpu.memory_space<hbm>>
        %dma_wait3A_54 = tpu.memref_squeeze %dma_wait3A_53 : memref<1x16x128xi32, #tpu.memory_space<hbm>> -> memref<16x128xi32, #tpu.memory_space<hbm>>
        %dma_wait3A_55 = arith.constant 0 : i32
        %dma_wait3A_56 = tpu.memref_slice %arg4[%add3A, %mul3A_41, %dma_wait3A_55] : memref<32x80x128xi32, #tpu.memory_space<hbm>> -> memref<1x16x128xi32, #tpu.memory_space<hbm>>
        %dma_wait3A_57 = tpu.memref_squeeze %dma_wait3A_56 : memref<1x16x128xi32, #tpu.memory_space<hbm>> -> memref<16x128xi32, #tpu.memory_space<hbm>>
        tpu.wait_dma2 semaphore(%run_scoped3A : memref<!tpu.dma_semaphore, #tpu.memory_space<semaphore_mem>>) src(%dma_wait3A_57 : memref<16x128xi32, #tpu.memory_space<hbm>>) dst(%arg7 : memref<16x128xi32, #tpu.memory_space<vmem>>)
        tpu.yield
      }) : () -> ()
      %scan3A_42 = arith.constant 0 : i32
      %scan3A_43 = arith.constant 0 : i32
      %scan3A_44 = arith.constant 8 : i32
      %scan3A_45 = arith.addi %scan3A_43, %scan3A_44 : i32
      %scan3A_46 = arith.constant 1 : i32
      scf.for %scan3A_48 = %scan3A_43 to %scan3A_45 step %scan3A_46  : i32 {
        %mul3A_49 = arith.constant 2 : i32
        %mul3A_50 = arith.muli %scan3A_48, %mul3A_49 : i32
        %dma_start3A = arith.constant 0 : i32
        %dma_start3A_51 = tpu.memref_slice %arg6[%mul3A_50, %dma_start3A] : memref<16x128xi32, #tpu.memory_space<vmem>> -> memref<1x128xi32, #tpu.memory_space<vmem>>
        %dma_start3A_52 = tpu.memref_squeeze %dma_start3A_51 : memref<1x128xi32, #tpu.memory_space<vmem>> -> memref<128xi32, #tpu.memory_space<vmem>>
        %dma_start3A_53 = arith.constant 0 : i32
        %dma_start3A_54 = arith.constant 0 : i32
        %dma_start3A_55 = tpu.memref_slice %arg2[%dma_start3A_53, %dma_start3A_54] : memref<10240x128xf32, #tpu.memory_space<hbm>> -> memref<10240x128xf32, #tpu.memory_space<hbm>>
        tpu.enqueue_indirect_dma source(%dma_start3A_55 : memref<10240x128xf32, #tpu.memory_space<hbm>>) target(%arg8 : memref<128x128xf32, #tpu.memory_space<vmem>>) offsets(%dma_start3A_52 : memref<128xi32, #tpu.memory_space<vmem>>) semaphore(%arg11 : memref<!tpu.dma_semaphore, #tpu.memory_space<semaphore_mem>>)
        %add3A_56 = arith.constant 1 : i32
        %add3A_57 = arith.addi %mul3A_50, %add3A_56 : i32
        %dma_start3A_58 = arith.constant 0 : i32
        %dma_start3A_59 = tpu.memref_slice %arg6[%add3A_57, %dma_start3A_58] : memref<16x128xi32, #tpu.memory_space<vmem>> -> memref<1x128xi32, #tpu.memory_space<vmem>>
        %dma_start3A_60 = tpu.memref_squeeze %dma_start3A_59 : memref<1x128xi32, #tpu.memory_space<vmem>> -> memref<128xi32, #tpu.memory_space<vmem>>
        %dma_start3A_61 = arith.constant 0 : i32
        %dma_start3A_62 = arith.constant 0 : i32
        %dma_start3A_63 = tpu.memref_slice %arg2[%dma_start3A_61, %dma_start3A_62] : memref<10240x128xf32, #tpu.memory_space<hbm>> -> memref<10240x128xf32, #tpu.memory_space<hbm>>
        tpu.enqueue_indirect_dma source(%dma_start3A_63 : memref<10240x128xf32, #tpu.memory_space<hbm>>) target(%arg9 : memref<128x128xf32, #tpu.memory_space<vmem>>) offsets(%dma_start3A_60 : memref<128xi32, #tpu.memory_space<vmem>>) semaphore(%arg12 : memref<!tpu.dma_semaphore, #tpu.memory_space<semaphore_mem>>)
        %dma_wait3A = arith.constant 0 : i32
        %dma_wait3A_64 = tpu.memref_slice %arg6[%mul3A_50, %dma_wait3A] : memref<16x128xi32, #tpu.memory_space<vmem>> -> memref<1x128xi32, #tpu.memory_space<vmem>>
        %dma_wait3A_65 = tpu.memref_squeeze %dma_wait3A_64 : memref<1x128xi32, #tpu.memory_space<vmem>> -> memref<128xi32, #tpu.memory_space<vmem>>
        %dma_wait3A_66 = arith.constant 0 : i32
        %dma_wait3A_67 = arith.constant 0 : i32
        %dma_wait3A_68 = tpu.memref_slice %arg2[%dma_wait3A_66, %dma_wait3A_67] : memref<10240x128xf32, #tpu.memory_space<hbm>> -> memref<10240x128xf32, #tpu.memory_space<hbm>>
        tpu.wait_indirect_dma semaphore(%arg11 : memref<!tpu.dma_semaphore, #tpu.memory_space<semaphore_mem>>) src(%dma_wait3A_68 : memref<10240x128xf32, #tpu.memory_space<hbm>>) dst(%arg8 : memref<128x128xf32, #tpu.memory_space<vmem>>)
        "tpu.region"() ({
          %run_scoped3A = tpu.sem_alloc : memref<!tpu.dma_semaphore, #tpu.memory_space<semaphore_mem>>
          %dma_start3A_77 = arith.constant 0 : i32
          %dma_start3A_78 = tpu.memref_slice %arg7[%mul3A_50, %dma_start3A_77] : memref<16x128xi32, #tpu.memory_space<vmem>> -> memref<1x128xi32, #tpu.memory_space<vmem>>
          %dma_start3A_79 = tpu.memref_squeeze %dma_start3A_78 : memref<1x128xi32, #tpu.memory_space<vmem>> -> memref<128xi32, #tpu.memory_space<vmem>>
          %dma_start3A_80 = arith.constant 0 : i32
          %dma_start3A_81 = arith.constant 0 : i32
          %dma_start3A_82 = tpu.memref_slice %arg10[%dma_start3A_80, %dma_start3A_81] : memref<10240x128xf32, #tpu.memory_space<vmem_shared>> -> memref<10240x128xf32, #tpu.memory_space<vmem_shared>>
          tpu.enqueue_indirect_dma source(%arg8 : memref<128x128xf32, #tpu.memory_space<vmem>>) target(%dma_start3A_82 : memref<10240x128xf32, #tpu.memory_space<vmem_shared>>) offsets(%dma_start3A_79 : memref<128xi32, #tpu.memory_space<vmem>>) semaphore(%run_scoped3A : memref<!tpu.dma_semaphore, #tpu.memory_space<semaphore_mem>>) {add = true}
          %dma_wait3A_83 = arith.constant 0 : i32
          %dma_wait3A_84 = tpu.memref_slice %arg7[%mul3A_50, %dma_wait3A_83] : memref<16x128xi32, #tpu.memory_space<vmem>> -> memref<1x128xi32, #tpu.memory_space<vmem>>
          %dma_wait3A_85 = tpu.memref_squeeze %dma_wait3A_84 : memref<1x128xi32, #tpu.memory_space<vmem>> -> memref<128xi32, #tpu.memory_space<vmem>>
          %dma_wait3A_86 = arith.constant 0 : i32
          %dma_wait3A_87 = arith.constant 0 : i32
          %dma_wait3A_88 = tpu.memref_slice %arg10[%dma_wait3A_86, %dma_wait3A_87] : memref<10240x128xf32, #tpu.memory_space<vmem_shared>> -> memref<10240x128xf32, #tpu.memory_space<vmem_shared>>
          tpu.wait_indirect_dma semaphore(%run_scoped3A : memref<!tpu.dma_semaphore, #tpu.memory_space<semaphore_mem>>) src(%arg8 : memref<128x128xf32, #tpu.memory_space<vmem>>) dst(%dma_wait3A_88 : memref<10240x128xf32, #tpu.memory_space<vmem_shared>>)
          tpu.yield
        }) : () -> ()
        %dma_wait3A_69 = arith.constant 0 : i32
        %dma_wait3A_70 = tpu.memref_slice %arg6[%add3A_57, %dma_wait3A_69] : memref<16x128xi32, #tpu.memory_space<vmem>> -> memref<1x128xi32, #tpu.memory_space<vmem>>
        %dma_wait3A_71 = tpu.memref_squeeze %dma_wait3A_70 : memref<1x128xi32, #tpu.memory_space<vmem>> -> memref<128xi32, #tpu.memory_space<vmem>>
        %dma_wait3A_72 = arith.constant 0 : i32
        %dma_wait3A_73 = arith.constant 0 : i32
        %dma_wait3A_74 = tpu.memref_slice %arg2[%dma_wait3A_72, %dma_wait3A_73] : memref<10240x128xf32, #tpu.memory_space<hbm>> -> memref<10240x128xf32, #tpu.memory_space<hbm>>
        tpu.wait_indirect_dma semaphore(%arg12 : memref<!tpu.dma_semaphore, #tpu.memory_space<semaphore_mem>>) src(%dma_wait3A_74 : memref<10240x128xf32, #tpu.memory_space<hbm>>) dst(%arg9 : memref<128x128xf32, #tpu.memory_space<vmem>>)
        %add3A_75 = arith.constant 1 : i32
        %add3A_76 = arith.addi %mul3A_50, %add3A_75 : i32
        "tpu.region"() ({
          %run_scoped3A = tpu.sem_alloc : memref<!tpu.dma_semaphore, #tpu.memory_space<semaphore_mem>>
          %dma_start3A_77 = arith.constant 0 : i32
          %dma_start3A_78 = tpu.memref_slice %arg7[%add3A_76, %dma_start3A_77] : memref<16x128xi32, #tpu.memory_space<vmem>> -> memref<1x128xi32, #tpu.memory_space<vmem>>
          %dma_start3A_79 = tpu.memref_squeeze %dma_start3A_78 : memref<1x128xi32, #tpu.memory_space<vmem>> -> memref<128xi32, #tpu.memory_space<vmem>>
          %dma_start3A_80 = arith.constant 0 : i32
          %dma_start3A_81 = arith.constant 0 : i32
          %dma_start3A_82 = tpu.memref_slice %arg10[%dma_start3A_80, %dma_start3A_81] : memref<10240x128xf32, #tpu.memory_space<vmem_shared>> -> memref<10240x128xf32, #tpu.memory_space<vmem_shared>>
          tpu.enqueue_indirect_dma source(%arg9 : memref<128x128xf32, #tpu.memory_space<vmem>>) target(%dma_start3A_82 : memref<10240x128xf32, #tpu.memory_space<vmem_shared>>) offsets(%dma_start3A_79 : memref<128xi32, #tpu.memory_space<vmem>>) semaphore(%run_scoped3A : memref<!tpu.dma_semaphore, #tpu.memory_space<semaphore_mem>>) {add = true}
          %dma_wait3A_83 = arith.constant 0 : i32
          %dma_wait3A_84 = tpu.memref_slice %arg7[%add3A_76, %dma_wait3A_83] : memref<16x128xi32, #tpu.memory_space<vmem>> -> memref<1x128xi32, #tpu.memory_space<vmem>>
          %dma_wait3A_85 = tpu.memref_squeeze %dma_wait3A_84 : memref<1x128xi32, #tpu.memory_space<vmem>> -> memref<128xi32, #tpu.memory_space<vmem>>
          %dma_wait3A_86 = arith.constant 0 : i32
          %dma_wait3A_87 = arith.constant 0 : i32
          %dma_wait3A_88 = tpu.memref_slice %arg10[%dma_wait3A_86, %dma_wait3A_87] : memref<10240x128xf32, #tpu.memory_space<vmem_shared>> -> memref<10240x128xf32, #tpu.memory_space<vmem_shared>>
          tpu.wait_indirect_dma semaphore(%run_scoped3A : memref<!tpu.dma_semaphore, #tpu.memory_space<semaphore_mem>>) src(%arg9 : memref<128x128xf32, #tpu.memory_space<vmem>>) dst(%dma_wait3A_88 : memref<10240x128xf32, #tpu.memory_space<vmem_shared>>)
          tpu.yield
        }) : () -> ()
      }
      %scan3A_47 = arith.constant 8 : i32
    }
    %scan3A_31 = arith.constant 5 : i32
    %barrier3A_32 = arith.constant 0 : index
    tpu.barrier barrier_id(%barrier3A_32)
    %mul3A_33 = arith.constant 640 : i32
    %mul3A_34 = arith.muli %arg1, %mul3A_33 : i32
    %mul3A_35 = arith.constant 640 : i32
    %mul3A_36 = arith.muli %arg1, %mul3A_35 : i32
    "tpu.region"() ({
      %run_scoped3A = tpu.sem_alloc : memref<!tpu.dma_semaphore, #tpu.memory_space<semaphore_mem>>
      %dma_start3A = arith.constant 0 : i32
      %dma_start3A_37 = tpu.memref_slice %arg5[%arg0, %mul3A_36, %dma_start3A] : memref<2x10240x128xf32, #tpu.memory_space<hbm>> -> memref<1x640x128xf32, #tpu.memory_space<hbm>>
      %dma_start3A_38 = tpu.memref_squeeze %dma_start3A_37 : memref<1x640x128xf32, #tpu.memory_space<hbm>> -> memref<640x128xf32, #tpu.memory_space<hbm>>
      %dma_start3A_39 = arith.constant 0 : i32
      %dma_start3A_40 = tpu.memref_slice %arg10[%mul3A_34, %dma_start3A_39] : memref<10240x128xf32, #tpu.memory_space<vmem_shared>> -> memref<640x128xf32, #tpu.memory_space<vmem_shared>>
      tpu.enqueue_dma source(%dma_start3A_40 : memref<640x128xf32, #tpu.memory_space<vmem_shared>>) target(%dma_start3A_38 : memref<640x128xf32, #tpu.memory_space<hbm>>) target_semaphore(%run_scoped3A : memref<!tpu.dma_semaphore, #tpu.memory_space<semaphore_mem>>)
      %dma_wait3A = arith.constant 0 : i32
      %dma_wait3A_41 = tpu.memref_slice %arg5[%arg0, %mul3A_36, %dma_wait3A] : memref<2x10240x128xf32, #tpu.memory_space<hbm>> -> memref<1x640x128xf32, #tpu.memory_space<hbm>>
      %dma_wait3A_42 = tpu.memref_squeeze %dma_wait3A_41 : memref<1x640x128xf32, #tpu.memory_space<hbm>> -> memref<640x128xf32, #tpu.memory_space<hbm>>
      %dma_wait3A_43 = arith.constant 0 : i32
      %dma_wait3A_44 = tpu.memref_slice %arg10[%mul3A_34, %dma_wait3A_43] : memref<10240x128xf32, #tpu.memory_space<vmem_shared>> -> memref<640x128xf32, #tpu.memory_space<vmem_shared>>
      tpu.wait_dma2 semaphore(%run_scoped3A : memref<!tpu.dma_semaphore, #tpu.memory_space<semaphore_mem>>) src(%dma_wait3A_44 : memref<640x128xf32, #tpu.memory_space<vmem_shared>>) dst(%dma_wait3A_42 : memref<640x128xf32, #tpu.memory_space<hbm>>)
      tpu.yield
    }) : () -> ()
    return
  }
}

#map = affine_map<(d0, d1) -> (0)>
#map1 = affine_map<(d0, d1) -> (0, 0, 0)>
#map2 = affine_map<(d0, d1) -> (0, 0)>
module attributes {stable_mosaic.version = 14 : i64} {
  func.func @_cw_kernel(%arg0: i32, %arg1: i32, %arg2: memref<10240xf32, #tpu.memory_space<hbm>>, %arg3: memref<32x80x128xi32, #tpu.memory_space<hbm>>, %arg4: memref<32x80x128xi32, #tpu.memory_space<hbm>>, %arg5: memref<2x10240xf32, #tpu.memory_space<hbm>>, %arg6: memref<16x128xi32, #tpu.memory_space<vmem>>, %arg7: memref<16x128xi32, #tpu.memory_space<vmem>>, %arg8: memref<128xf32, #tpu.memory_space<vmem>>, %arg9: memref<640xf32, #tpu.memory_space<vmem>>, %arg10: memref<10240xf32, #tpu.memory_space<vmem_shared>>, %arg11: memref<!tpu.dma_semaphore, #tpu.memory_space<semaphore_mem>>) attributes {dimension_semantics = [#tpu.dimension_semantics<core_parallel>, #tpu.dimension_semantics<subcore_parallel>], iteration_bounds = array<i64: 2, 16>, scalar_prefetch = 0 : i64, scratch_operands = 6 : i64, tpu.core_type = #tpu.core_type<sc_vector_subcore>, window_params = [{transform_indices = #map}, {transform_indices = #map1}, {transform_indices = #map1}, {transform_indices = #map2}]} {
    %mul3A = arith.constant 2 : i32
    %mul3A_0 = arith.muli %arg1, %mul3A : i32
    %add3A = arith.addi %mul3A_0, %arg0 : i32
    %scan3A = arith.constant 0 : i32
    %scan3A_1 = arith.constant 0 : i32
    %scan3A_2 = arith.constant 40 : i32
    %scan3A_3 = arith.addi %scan3A_1, %scan3A_2 : i32
    %scan3A_4 = arith.constant 1 : i32
    scf.for %scan3A_19 = %scan3A_1 to %scan3A_3 step %scan3A_4  : i32 {
      %broadcast_in_dim3A = arith.constant 0.000000e+00 : f32
      %broadcast_in_dim3A_20 = vector.broadcast %broadcast_in_dim3A : f32 to vector<16xf32>
      %mul3A_21 = arith.constant 16 : i32
      %mul3A_22 = arith.muli %scan3A_19, %mul3A_21 : i32
      %swap3A = arith.index_cast %mul3A_22 : i32 to index
      %swap3A_23 = tpu.vector_load %arg9[%swap3A] {strides = array<i32>} : memref<640xf32, #tpu.memory_space<vmem>>, vector<16xf32>,
      %swap3A_24 = vector.shape_cast %swap3A_23 : vector<16xf32> to vector<16xf32>
      %swap3A_25 = vector.shape_cast %broadcast_in_dim3A_20 : vector<16xf32> to vector<16xf32>
      tpu.vector_store %arg9[%swap3A], %swap3A_25 {strides = array<i32>} : memref<640xf32, #tpu.memory_space<vmem>>, vector<16xf32>,
    }
    %scan3A_5 = arith.constant 40 : i32
    %mul3A_6 = arith.constant 640 : i32
    %mul3A_7 = arith.muli %arg1, %mul3A_6 : i32
    "tpu.region"() ({
      %run_scoped3A = tpu.sem_alloc : memref<!tpu.dma_semaphore, #tpu.memory_space<semaphore_mem>>
      %dma_start3A = tpu.memref_slice %arg10[%mul3A_7] : memref<10240xf32, #tpu.memory_space<vmem_shared>> -> memref<640xf32, #tpu.memory_space<vmem_shared>>
      %dma_start3A_19 = tpu.memref_slice %arg10[%mul3A_7] : memref<10240xf32, #tpu.memory_space<vmem_shared>> -> memref<640xf32, #tpu.memory_space<vmem_shared>>
      tpu.enqueue_dma source(%arg9 : memref<640xf32, #tpu.memory_space<vmem>>) target(%dma_start3A_19 : memref<640xf32, #tpu.memory_space<vmem_shared>>) target_semaphore(%run_scoped3A : memref<!tpu.dma_semaphore, #tpu.memory_space<semaphore_mem>>)
      %dma_wait3A = tpu.memref_slice %arg10[%mul3A_7] : memref<10240xf32, #tpu.memory_space<vmem_shared>> -> memref<640xf32, #tpu.memory_space<vmem_shared>>
      %dma_wait3A_20 = tpu.memref_slice %arg10[%mul3A_7] : memref<10240xf32, #tpu.memory_space<vmem_shared>> -> memref<640xf32, #tpu.memory_space<vmem_shared>>
      tpu.wait_dma2 semaphore(%run_scoped3A : memref<!tpu.dma_semaphore, #tpu.memory_space<semaphore_mem>>) src(%arg9 : memref<640xf32, #tpu.memory_space<vmem>>) dst(%dma_wait3A_20 : memref<640xf32, #tpu.memory_space<vmem_shared>>)
      tpu.yield
    }) : () -> ()
    %barrier3A = arith.constant 0 : index
    tpu.barrier barrier_id(%barrier3A)
    %scan3A_8 = arith.constant 0 : i32
    %scan3A_9 = arith.constant 0 : i32
    %scan3A_10 = arith.constant 5 : i32
    %scan3A_11 = arith.addi %scan3A_9, %scan3A_10 : i32
    %scan3A_12 = arith.constant 1 : i32
    scf.for %scan3A_19 = %scan3A_9 to %scan3A_11 step %scan3A_12  : i32 {
      %mul3A_20 = arith.constant 16 : i32
      %mul3A_21 = arith.muli %scan3A_19, %mul3A_20 : i32
      "tpu.region"() ({
        %run_scoped3A = tpu.sem_alloc : memref<!tpu.dma_semaphore, #tpu.memory_space<semaphore_mem>>
        %dma_start3A = arith.constant 0 : i32
        %dma_start3A_30 = tpu.memref_slice %arg3[%add3A, %mul3A_21, %dma_start3A] : memref<32x80x128xi32, #tpu.memory_space<hbm>> -> memref<1x16x128xi32, #tpu.memory_space<hbm>>
        %dma_start3A_31 = tpu.memref_squeeze %dma_start3A_30 : memref<1x16x128xi32, #tpu.memory_space<hbm>> -> memref<16x128xi32, #tpu.memory_space<hbm>>
        %dma_start3A_32 = arith.constant 0 : i32
        %dma_start3A_33 = tpu.memref_slice %arg3[%add3A, %mul3A_21, %dma_start3A_32] : memref<32x80x128xi32, #tpu.memory_space<hbm>> -> memref<1x16x128xi32, #tpu.memory_space<hbm>>
        %dma_start3A_34 = tpu.memref_squeeze %dma_start3A_33 : memref<1x16x128xi32, #tpu.memory_space<hbm>> -> memref<16x128xi32, #tpu.memory_space<hbm>>
        tpu.enqueue_dma source(%dma_start3A_34 : memref<16x128xi32, #tpu.memory_space<hbm>>) target(%arg6 : memref<16x128xi32, #tpu.memory_space<vmem>>) target_semaphore(%run_scoped3A : memref<!tpu.dma_semaphore, #tpu.memory_space<semaphore_mem>>)
        %dma_wait3A = arith.constant 0 : i32
        %dma_wait3A_35 = tpu.memref_slice %arg3[%add3A, %mul3A_21, %dma_wait3A] : memref<32x80x128xi32, #tpu.memory_space<hbm>> -> memref<1x16x128xi32, #tpu.memory_space<hbm>>
        %dma_wait3A_36 = tpu.memref_squeeze %dma_wait3A_35 : memref<1x16x128xi32, #tpu.memory_space<hbm>> -> memref<16x128xi32, #tpu.memory_space<hbm>>
        %dma_wait3A_37 = arith.constant 0 : i32
        %dma_wait3A_38 = tpu.memref_slice %arg3[%add3A, %mul3A_21, %dma_wait3A_37] : memref<32x80x128xi32, #tpu.memory_space<hbm>> -> memref<1x16x128xi32, #tpu.memory_space<hbm>>
        %dma_wait3A_39 = tpu.memref_squeeze %dma_wait3A_38 : memref<1x16x128xi32, #tpu.memory_space<hbm>> -> memref<16x128xi32, #tpu.memory_space<hbm>>
        tpu.wait_dma2 semaphore(%run_scoped3A : memref<!tpu.dma_semaphore, #tpu.memory_space<semaphore_mem>>) src(%dma_wait3A_39 : memref<16x128xi32, #tpu.memory_space<hbm>>) dst(%arg6 : memref<16x128xi32, #tpu.memory_space<vmem>>)
        tpu.yield
      }) : () -> ()
      %mul3A_22 = arith.constant 16 : i32
      %mul3A_23 = arith.muli %scan3A_19, %mul3A_22 : i32
      "tpu.region"() ({
        %run_scoped3A = tpu.sem_alloc : memref<!tpu.dma_semaphore, #tpu.memory_space<semaphore_mem>>
        %dma_start3A = arith.constant 0 : i32
        %dma_start3A_30 = tpu.memref_slice %arg4[%add3A, %mul3A_23, %dma_start3A] : memref<32x80x128xi32, #tpu.memory_space<hbm>> -> memref<1x16x128xi32, #tpu.memory_space<hbm>>
        %dma_start3A_31 = tpu.memref_squeeze %dma_start3A_30 : memref<1x16x128xi32, #tpu.memory_space<hbm>> -> memref<16x128xi32, #tpu.memory_space<hbm>>
        %dma_start3A_32 = arith.constant 0 : i32
        %dma_start3A_33 = tpu.memref_slice %arg4[%add3A, %mul3A_23, %dma_start3A_32] : memref<32x80x128xi32, #tpu.memory_space<hbm>> -> memref<1x16x128xi32, #tpu.memory_space<hbm>>
        %dma_start3A_34 = tpu.memref_squeeze %dma_start3A_33 : memref<1x16x128xi32, #tpu.memory_space<hbm>> -> memref<16x128xi32, #tpu.memory_space<hbm>>
        tpu.enqueue_dma source(%dma_start3A_34 : memref<16x128xi32, #tpu.memory_space<hbm>>) target(%arg7 : memref<16x128xi32, #tpu.memory_space<vmem>>) target_semaphore(%run_scoped3A : memref<!tpu.dma_semaphore, #tpu.memory_space<semaphore_mem>>)
        %dma_wait3A = arith.constant 0 : i32
        %dma_wait3A_35 = tpu.memref_slice %arg4[%add3A, %mul3A_23, %dma_wait3A] : memref<32x80x128xi32, #tpu.memory_space<hbm>> -> memref<1x16x128xi32, #tpu.memory_space<hbm>>
        %dma_wait3A_36 = tpu.memref_squeeze %dma_wait3A_35 : memref<1x16x128xi32, #tpu.memory_space<hbm>> -> memref<16x128xi32, #tpu.memory_space<hbm>>
        %dma_wait3A_37 = arith.constant 0 : i32
        %dma_wait3A_38 = tpu.memref_slice %arg4[%add3A, %mul3A_23, %dma_wait3A_37] : memref<32x80x128xi32, #tpu.memory_space<hbm>> -> memref<1x16x128xi32, #tpu.memory_space<hbm>>
        %dma_wait3A_39 = tpu.memref_squeeze %dma_wait3A_38 : memref<1x16x128xi32, #tpu.memory_space<hbm>> -> memref<16x128xi32, #tpu.memory_space<hbm>>
        tpu.wait_dma2 semaphore(%run_scoped3A : memref<!tpu.dma_semaphore, #tpu.memory_space<semaphore_mem>>) src(%dma_wait3A_39 : memref<16x128xi32, #tpu.memory_space<hbm>>) dst(%arg7 : memref<16x128xi32, #tpu.memory_space<vmem>>)
        tpu.yield
      }) : () -> ()
      %scan3A_24 = arith.constant 0 : i32
      %scan3A_25 = arith.constant 0 : i32
      %scan3A_26 = arith.constant 16 : i32
      %scan3A_27 = arith.addi %scan3A_25, %scan3A_26 : i32
      %scan3A_28 = arith.constant 1 : i32
      scf.for %scan3A_30 = %scan3A_25 to %scan3A_27 step %scan3A_28  : i32 {
        %dma_start3A = arith.constant 0 : i32
        %dma_start3A_31 = tpu.memref_slice %arg7[%scan3A_30, %dma_start3A] : memref<16x128xi32, #tpu.memory_space<vmem>> -> memref<1x128xi32, #tpu.memory_space<vmem>>
        %dma_start3A_32 = tpu.memref_squeeze %dma_start3A_31 : memref<1x128xi32, #tpu.memory_space<vmem>> -> memref<128xi32, #tpu.memory_space<vmem>>
        %dma_start3A_33 = arith.constant 0 : i32
        %dma_start3A_34 = tpu.memref_slice %arg2[%dma_start3A_33] : memref<10240xf32, #tpu.memory_space<hbm>> -> memref<10240xf32, #tpu.memory_space<hbm>>
        tpu.enqueue_indirect_dma source(%dma_start3A_34 : memref<10240xf32, #tpu.memory_space<hbm>>) target(%arg8 : memref<128xf32, #tpu.memory_space<vmem>>) offsets(%dma_start3A_32 : memref<128xi32, #tpu.memory_space<vmem>>) semaphore(%arg11 : memref<!tpu.dma_semaphore, #tpu.memory_space<semaphore_mem>>)
        %dma_wait3A = arith.constant 0 : i32
        %dma_wait3A_35 = tpu.memref_slice %arg7[%scan3A_30, %dma_wait3A] : memref<16x128xi32, #tpu.memory_space<vmem>> -> memref<1x128xi32, #tpu.memory_space<vmem>>
        %dma_wait3A_36 = tpu.memref_squeeze %dma_wait3A_35 : memref<1x128xi32, #tpu.memory_space<vmem>> -> memref<128xi32, #tpu.memory_space<vmem>>
        %dma_wait3A_37 = arith.constant 0 : i32
        %dma_wait3A_38 = tpu.memref_slice %arg2[%dma_wait3A_37] : memref<10240xf32, #tpu.memory_space<hbm>> -> memref<10240xf32, #tpu.memory_space<hbm>>
        tpu.wait_indirect_dma semaphore(%arg11 : memref<!tpu.dma_semaphore, #tpu.memory_space<semaphore_mem>>) src(%dma_wait3A_38 : memref<10240xf32, #tpu.memory_space<hbm>>) dst(%arg8 : memref<128xf32, #tpu.memory_space<vmem>>)
        "tpu.region"() ({
          %run_scoped3A = tpu.sem_alloc : memref<!tpu.dma_semaphore, #tpu.memory_space<semaphore_mem>>
          %dma_start3A_39 = arith.constant 0 : i32
          %dma_start3A_40 = tpu.memref_slice %arg6[%scan3A_30, %dma_start3A_39] : memref<16x128xi32, #tpu.memory_space<vmem>> -> memref<1x128xi32, #tpu.memory_space<vmem>>
          %dma_start3A_41 = tpu.memref_squeeze %dma_start3A_40 : memref<1x128xi32, #tpu.memory_space<vmem>> -> memref<128xi32, #tpu.memory_space<vmem>>
          %dma_start3A_42 = arith.constant 0 : i32
          %dma_start3A_43 = tpu.memref_slice %arg10[%dma_start3A_42] : memref<10240xf32, #tpu.memory_space<vmem_shared>> -> memref<10240xf32, #tpu.memory_space<vmem_shared>>
          tpu.enqueue_indirect_dma source(%arg8 : memref<128xf32, #tpu.memory_space<vmem>>) target(%dma_start3A_43 : memref<10240xf32, #tpu.memory_space<vmem_shared>>) offsets(%dma_start3A_41 : memref<128xi32, #tpu.memory_space<vmem>>) semaphore(%run_scoped3A : memref<!tpu.dma_semaphore, #tpu.memory_space<semaphore_mem>>) {add = true}
          %dma_wait3A_44 = arith.constant 0 : i32
          %dma_wait3A_45 = tpu.memref_slice %arg6[%scan3A_30, %dma_wait3A_44] : memref<16x128xi32, #tpu.memory_space<vmem>> -> memref<1x128xi32, #tpu.memory_space<vmem>>
          %dma_wait3A_46 = tpu.memref_squeeze %dma_wait3A_45 : memref<1x128xi32, #tpu.memory_space<vmem>> -> memref<128xi32, #tpu.memory_space<vmem>>
          %dma_wait3A_47 = arith.constant 0 : i32
          %dma_wait3A_48 = tpu.memref_slice %arg10[%dma_wait3A_47] : memref<10240xf32, #tpu.memory_space<vmem_shared>> -> memref<10240xf32, #tpu.memory_space<vmem_shared>>
          tpu.wait_indirect_dma semaphore(%run_scoped3A : memref<!tpu.dma_semaphore, #tpu.memory_space<semaphore_mem>>) src(%arg8 : memref<128xf32, #tpu.memory_space<vmem>>) dst(%dma_wait3A_48 : memref<10240xf32, #tpu.memory_space<vmem_shared>>)
          tpu.yield
        }) : () -> ()
      }
      %scan3A_29 = arith.constant 16 : i32
    }
    %scan3A_13 = arith.constant 5 : i32
    %barrier3A_14 = arith.constant 0 : index
    tpu.barrier barrier_id(%barrier3A_14)
    %mul3A_15 = arith.constant 640 : i32
    %mul3A_16 = arith.muli %arg1, %mul3A_15 : i32
    %mul3A_17 = arith.constant 640 : i32
    %mul3A_18 = arith.muli %arg1, %mul3A_17 : i32
    "tpu.region"() ({
      %run_scoped3A = tpu.sem_alloc : memref<!tpu.dma_semaphore, #tpu.memory_space<semaphore_mem>>
      %dma_start3A = tpu.memref_slice %arg5[%arg0, %mul3A_18] : memref<2x10240xf32, #tpu.memory_space<hbm>> -> memref<1x640xf32, #tpu.memory_space<hbm>>
      %dma_start3A_19 = tpu.memref_squeeze %dma_start3A : memref<1x640xf32, #tpu.memory_space<hbm>> -> memref<640xf32, #tpu.memory_space<hbm>>
      %dma_start3A_20 = tpu.memref_slice %arg10[%mul3A_16] : memref<10240xf32, #tpu.memory_space<vmem_shared>> -> memref<640xf32, #tpu.memory_space<vmem_shared>>
      tpu.enqueue_dma source(%dma_start3A_20 : memref<640xf32, #tpu.memory_space<vmem_shared>>) target(%dma_start3A_19 : memref<640xf32, #tpu.memory_space<hbm>>) target_semaphore(%run_scoped3A : memref<!tpu.dma_semaphore, #tpu.memory_space<semaphore_mem>>)
      %dma_wait3A = tpu.memref_slice %arg5[%arg0, %mul3A_18] : memref<2x10240xf32, #tpu.memory_space<hbm>> -> memref<1x640xf32, #tpu.memory_space<hbm>>
      %dma_wait3A_21 = tpu.memref_squeeze %dma_wait3A : memref<1x640xf32, #tpu.memory_space<hbm>> -> memref<640xf32, #tpu.memory_space<hbm>>
      %dma_wait3A_22 = tpu.memref_slice %arg10[%mul3A_16] : memref<10240xf32, #tpu.memory_space<vmem_shared>> -> memref<640xf32, #tpu.memory_space<vmem_shared>>
      tpu.wait_dma2 semaphore(%run_scoped3A : memref<!tpu.dma_semaphore, #tpu.memory_space<semaphore_mem>>) src(%dma_wait3A_22 : memref<640xf32, #tpu.memory_space<vmem_shared>>) dst(%dma_wait3A_21 : memref<640xf32, #tpu.memory_space<hbm>>)
      tpu.yield
    }) : () -> ()
    return
  }
}

#map = affine_map<(d0, d1) -> (0, 0)>
#map1 = affine_map<(d0, d1) -> (0, 0, 0)>
module attributes {stable_mosaic.version = 14 : i64} {
  func.func @_agg_kernel(%arg0: i32, %arg1: i32, %arg2: memref<10240x128xf32, #tpu.memory_space<hbm>>, %arg3: memref<32x80x128xi32, #tpu.memory_space<hbm>>, %arg4: memref<32x80x128xi32, #tpu.memory_space<hbm>>, %arg5: memref<2x10240x128xf32, #tpu.memory_space<hbm>>, %arg6: memref<16x128xi32, #tpu.memory_space<vmem>>, %arg7: memref<16x128xi32, #tpu.memory_space<vmem>>, %arg8: memref<128x128xf32, #tpu.memory_space<vmem>>, %arg9: memref<128x128xf32, #tpu.memory_space<vmem>>, %arg10: memref<10240x128xf32, #tpu.memory_space<vmem_shared>>, %arg11: memref<!tpu.dma_semaphore, #tpu.memory_space<semaphore_mem>>, %arg12: memref<!tpu.dma_semaphore, #tpu.memory_space<semaphore_mem>>) attributes {dimension_semantics = [#tpu.dimension_semantics<core_parallel>, #tpu.dimension_semantics<subcore_parallel>], iteration_bounds = array<i64: 2, 16>, scalar_prefetch = 0 : i64, scratch_operands = 7 : i64, tpu.core_type = #tpu.core_type<sc_vector_subcore>, window_params = [{transform_indices = #map}, {transform_indices = #map1}, {transform_indices = #map1}, {transform_indices = #map1}]} {
    %mul3A = arith.constant 2 : i32
    %mul3A_0 = arith.muli %arg1, %mul3A : i32
    %add3A = arith.addi %mul3A_0, %arg0 : i32
    %scan3A = arith.constant 0 : i32
    %scan3A_1 = arith.constant 0 : i32
    %scan3A_2 = arith.constant 128 : i32
    %scan3A_3 = arith.addi %scan3A_1, %scan3A_2 : i32
    %scan3A_4 = arith.constant 1 : i32
    scf.for %scan3A_37 = %scan3A_1 to %scan3A_3 step %scan3A_4  : i32 {
      %broadcast_in_dim3A = arith.constant 0.000000e+00 : f32
      %broadcast_in_dim3A_38 = vector.broadcast %broadcast_in_dim3A : f32 to vector<16xf32>
      %swap3A = arith.index_cast %scan3A_37 : i32 to index
      %swap3A_39 = arith.constant 0 : index
      %swap3A_40 = tpu.vector_load %arg8[%swap3A, %swap3A_39] {strides = array<i32>} : memref<128x128xf32, #tpu.memory_space<vmem>>, vector<1x16xf32>,
      %swap3A_41 = vector.shape_cast %swap3A_40 : vector<1x16xf32> to vector<16xf32>
      %swap3A_42 = vector.shape_cast %broadcast_in_dim3A_38 : vector<16xf32> to vector<1x16xf32>
      tpu.vector_store %arg8[%swap3A, %swap3A_39], %swap3A_42 {strides = array<i32>} : memref<128x128xf32, #tpu.memory_space<vmem>>, vector<1x16xf32>,
      %swap3A_43 = arith.index_cast %scan3A_37 : i32 to index
      %swap3A_44 = arith.constant 16 : index
      %swap3A_45 = tpu.vector_load %arg8[%swap3A_43, %swap3A_44] {strides = array<i32>} : memref<128x128xf32, #tpu.memory_space<vmem>>, vector<1x16xf32>,
      %swap3A_46 = vector.shape_cast %swap3A_45 : vector<1x16xf32> to vector<16xf32>
      %swap3A_47 = vector.shape_cast %broadcast_in_dim3A_38 : vector<16xf32> to vector<1x16xf32>
      tpu.vector_store %arg8[%swap3A_43, %swap3A_44], %swap3A_47 {strides = array<i32>} : memref<128x128xf32, #tpu.memory_space<vmem>>, vector<1x16xf32>,
      %swap3A_48 = arith.index_cast %scan3A_37 : i32 to index
      %swap3A_49 = arith.constant 32 : index
      %swap3A_50 = tpu.vector_load %arg8[%swap3A_48, %swap3A_49] {strides = array<i32>} : memref<128x128xf32, #tpu.memory_space<vmem>>, vector<1x16xf32>,
      %swap3A_51 = vector.shape_cast %swap3A_50 : vector<1x16xf32> to vector<16xf32>
      %swap3A_52 = vector.shape_cast %broadcast_in_dim3A_38 : vector<16xf32> to vector<1x16xf32>
      tpu.vector_store %arg8[%swap3A_48, %swap3A_49], %swap3A_52 {strides = array<i32>} : memref<128x128xf32, #tpu.memory_space<vmem>>, vector<1x16xf32>,
      %swap3A_53 = arith.index_cast %scan3A_37 : i32 to index
      %swap3A_54 = arith.constant 48 : index
      %swap3A_55 = tpu.vector_load %arg8[%swap3A_53, %swap3A_54] {strides = array<i32>} : memref<128x128xf32, #tpu.memory_space<vmem>>, vector<1x16xf32>,
      %swap3A_56 = vector.shape_cast %swap3A_55 : vector<1x16xf32> to vector<16xf32>
      %swap3A_57 = vector.shape_cast %broadcast_in_dim3A_38 : vector<16xf32> to vector<1x16xf32>
      tpu.vector_store %arg8[%swap3A_53, %swap3A_54], %swap3A_57 {strides = array<i32>} : memref<128x128xf32, #tpu.memory_space<vmem>>, vector<1x16xf32>,
      %swap3A_58 = arith.index_cast %scan3A_37 : i32 to index
      %swap3A_59 = arith.constant 64 : index
      %swap3A_60 = tpu.vector_load %arg8[%swap3A_58, %swap3A_59] {strides = array<i32>} : memref<128x128xf32, #tpu.memory_space<vmem>>, vector<1x16xf32>,
      %swap3A_61 = vector.shape_cast %swap3A_60 : vector<1x16xf32> to vector<16xf32>
      %swap3A_62 = vector.shape_cast %broadcast_in_dim3A_38 : vector<16xf32> to vector<1x16xf32>
      tpu.vector_store %arg8[%swap3A_58, %swap3A_59], %swap3A_62 {strides = array<i32>} : memref<128x128xf32, #tpu.memory_space<vmem>>, vector<1x16xf32>,
      %swap3A_63 = arith.index_cast %scan3A_37 : i32 to index
      %swap3A_64 = arith.constant 80 : index
      %swap3A_65 = tpu.vector_load %arg8[%swap3A_63, %swap3A_64] {strides = array<i32>} : memref<128x128xf32, #tpu.memory_space<vmem>>, vector<1x16xf32>,
      %swap3A_66 = vector.shape_cast %swap3A_65 : vector<1x16xf32> to vector<16xf32>
      %swap3A_67 = vector.shape_cast %broadcast_in_dim3A_38 : vector<16xf32> to vector<1x16xf32>
      tpu.vector_store %arg8[%swap3A_63, %swap3A_64], %swap3A_67 {strides = array<i32>} : memref<128x128xf32, #tpu.memory_space<vmem>>, vector<1x16xf32>,
      %swap3A_68 = arith.index_cast %scan3A_37 : i32 to index
      %swap3A_69 = arith.constant 96 : index
      %swap3A_70 = tpu.vector_load %arg8[%swap3A_68, %swap3A_69] {strides = array<i32>} : memref<128x128xf32, #tpu.memory_space<vmem>>, vector<1x16xf32>,
      %swap3A_71 = vector.shape_cast %swap3A_70 : vector<1x16xf32> to vector<16xf32>
      %swap3A_72 = vector.shape_cast %broadcast_in_dim3A_38 : vector<16xf32> to vector<1x16xf32>
      tpu.vector_store %arg8[%swap3A_68, %swap3A_69], %swap3A_72 {strides = array<i32>} : memref<128x128xf32, #tpu.memory_space<vmem>>, vector<1x16xf32>,
      %swap3A_73 = arith.index_cast %scan3A_37 : i32 to index
      %swap3A_74 = arith.constant 112 : index
      %swap3A_75 = tpu.vector_load %arg8[%swap3A_73, %swap3A_74] {strides = array<i32>} : memref<128x128xf32, #tpu.memory_space<vmem>>, vector<1x16xf32>,
      %swap3A_76 = vector.shape_cast %swap3A_75 : vector<1x16xf32> to vector<16xf32>
      %swap3A_77 = vector.shape_cast %broadcast_in_dim3A_38 : vector<16xf32> to vector<1x16xf32>
      tpu.vector_store %arg8[%swap3A_73, %swap3A_74], %swap3A_77 {strides = array<i32>} : memref<128x128xf32, #tpu.memory_space<vmem>>, vector<1x16xf32>,
    }
    %scan3A_5 = arith.constant 128 : i32
    %mul3A_6 = arith.constant 640 : i32
    %mul3A_7 = arith.muli %arg1, %mul3A_6 : i32
    %add3A_8 = arith.constant 0 : i32
    %add3A_9 = arith.addi %mul3A_7, %add3A_8 : i32
    "tpu.region"() ({
      %run_scoped3A = tpu.sem_alloc : memref<!tpu.dma_semaphore, #tpu.memory_space<semaphore_mem>>
      %dma_start3A = arith.constant 0 : i32
      %dma_start3A_37 = tpu.memref_slice %arg10[%add3A_9, %dma_start3A] : memref<10240x128xf32, #tpu.memory_space<vmem_shared>> -> memref<128x128xf32, #tpu.memory_space<vmem_shared>>
      %dma_start3A_38 = arith.constant 0 : i32
      %dma_start3A_39 = tpu.memref_slice %arg10[%add3A_9, %dma_start3A_38] : memref<10240x128xf32, #tpu.memory_space<vmem_shared>> -> memref<128x128xf32, #tpu.memory_space<vmem_shared>>
      tpu.enqueue_dma source(%arg8 : memref<128x128xf32, #tpu.memory_space<vmem>>) target(%dma_start3A_39 : memref<128x128xf32, #tpu.memory_space<vmem_shared>>) target_semaphore(%run_scoped3A : memref<!tpu.dma_semaphore, #tpu.memory_space<semaphore_mem>>)
      %dma_wait3A = arith.constant 0 : i32
      %dma_wait3A_40 = tpu.memref_slice %arg10[%add3A_9, %dma_wait3A] : memref<10240x128xf32, #tpu.memory_space<vmem_shared>> -> memref<128x128xf32, #tpu.memory_space<vmem_shared>>
      %dma_wait3A_41 = arith.constant 0 : i32
      %dma_wait3A_42 = tpu.memref_slice %arg10[%add3A_9, %dma_wait3A_41] : memref<10240x128xf32, #tpu.memory_space<vmem_shared>> -> memref<128x128xf32, #tpu.memory_space<vmem_shared>>
      tpu.wait_dma2 semaphore(%run_scoped3A : memref<!tpu.dma_semaphore, #tpu.memory_space<semaphore_mem>>) src(%arg8 : memref<128x128xf32, #tpu.memory_space<vmem>>) dst(%dma_wait3A_42 : memref<128x128xf32, #tpu.memory_space<vmem_shared>>)
      tpu.yield
    }) : () -> ()
    %mul3A_10 = arith.constant 640 : i32
    %mul3A_11 = arith.muli %arg1, %mul3A_10 : i32
    %add3A_12 = arith.constant 128 : i32
    %add3A_13 = arith.addi %mul3A_11, %add3A_12 : i32
    "tpu.region"() ({
      %run_scoped3A = tpu.sem_alloc : memref<!tpu.dma_semaphore, #tpu.memory_space<semaphore_mem>>
      %dma_start3A = arith.constant 0 : i32
      %dma_start3A_37 = tpu.memref_slice %arg10[%add3A_13, %dma_start3A] : memref<10240x128xf32, #tpu.memory_space<vmem_shared>> -> memref<128x128xf32, #tpu.memory_space<vmem_shared>>
      %dma_start3A_38 = arith.constant 0 : i32
      %dma_start3A_39 = tpu.memref_slice %arg10[%add3A_13, %dma_start3A_38] : memref<10240x128xf32, #tpu.memory_space<vmem_shared>> -> memref<128x128xf32, #tpu.memory_space<vmem_shared>>
      tpu.enqueue_dma source(%arg8 : memref<128x128xf32, #tpu.memory_space<vmem>>) target(%dma_start3A_39 : memref<128x128xf32, #tpu.memory_space<vmem_shared>>) target_semaphore(%run_scoped3A : memref<!tpu.dma_semaphore, #tpu.memory_space<semaphore_mem>>)
      %dma_wait3A = arith.constant 0 : i32
      %dma_wait3A_40 = tpu.memref_slice %arg10[%add3A_13, %dma_wait3A] : memref<10240x128xf32, #tpu.memory_space<vmem_shared>> -> memref<128x128xf32, #tpu.memory_space<vmem_shared>>
      %dma_wait3A_41 = arith.constant 0 : i32
      %dma_wait3A_42 = tpu.memref_slice %arg10[%add3A_13, %dma_wait3A_41] : memref<10240x128xf32, #tpu.memory_space<vmem_shared>> -> memref<128x128xf32, #tpu.memory_space<vmem_shared>>
      tpu.wait_dma2 semaphore(%run_scoped3A : memref<!tpu.dma_semaphore, #tpu.memory_space<semaphore_mem>>) src(%arg8 : memref<128x128xf32, #tpu.memory_space<vmem>>) dst(%dma_wait3A_42 : memref<128x128xf32, #tpu.memory_space<vmem_shared>>)
      tpu.yield
    }) : () -> ()
    %mul3A_14 = arith.constant 640 : i32
    %mul3A_15 = arith.muli %arg1, %mul3A_14 : i32
    %add3A_16 = arith.constant 256 : i32
    %add3A_17 = arith.addi %mul3A_15, %add3A_16 : i32
    "tpu.region"() ({
      %run_scoped3A = tpu.sem_alloc : memref<!tpu.dma_semaphore, #tpu.memory_space<semaphore_mem>>
      %dma_start3A = arith.constant 0 : i32
      %dma_start3A_37 = tpu.memref_slice %arg10[%add3A_17, %dma_start3A] : memref<10240x128xf32, #tpu.memory_space<vmem_shared>> -> memref<128x128xf32, #tpu.memory_space<vmem_shared>>
      %dma_start3A_38 = arith.constant 0 : i32
      %dma_start3A_39 = tpu.memref_slice %arg10[%add3A_17, %dma_start3A_38] : memref<10240x128xf32, #tpu.memory_space<vmem_shared>> -> memref<128x128xf32, #tpu.memory_space<vmem_shared>>
      tpu.enqueue_dma source(%arg8 : memref<128x128xf32, #tpu.memory_space<vmem>>) target(%dma_start3A_39 : memref<128x128xf32, #tpu.memory_space<vmem_shared>>) target_semaphore(%run_scoped3A : memref<!tpu.dma_semaphore, #tpu.memory_space<semaphore_mem>>)
      %dma_wait3A = arith.constant 0 : i32
      %dma_wait3A_40 = tpu.memref_slice %arg10[%add3A_17, %dma_wait3A] : memref<10240x128xf32, #tpu.memory_space<vmem_shared>> -> memref<128x128xf32, #tpu.memory_space<vmem_shared>>
      %dma_wait3A_41 = arith.constant 0 : i32
      %dma_wait3A_42 = tpu.memref_slice %arg10[%add3A_17, %dma_wait3A_41] : memref<10240x128xf32, #tpu.memory_space<vmem_shared>> -> memref<128x128xf32, #tpu.memory_space<vmem_shared>>
      tpu.wait_dma2 semaphore(%run_scoped3A : memref<!tpu.dma_semaphore, #tpu.memory_space<semaphore_mem>>) src(%arg8 : memref<128x128xf32, #tpu.memory_space<vmem>>) dst(%dma_wait3A_42 : memref<128x128xf32, #tpu.memory_space<vmem_shared>>)
      tpu.yield
    }) : () -> ()
    %mul3A_18 = arith.constant 640 : i32
    %mul3A_19 = arith.muli %arg1, %mul3A_18 : i32
    %add3A_20 = arith.constant 384 : i32
    %add3A_21 = arith.addi %mul3A_19, %add3A_20 : i32
    "tpu.region"() ({
      %run_scoped3A = tpu.sem_alloc : memref<!tpu.dma_semaphore, #tpu.memory_space<semaphore_mem>>
      %dma_start3A = arith.constant 0 : i32
      %dma_start3A_37 = tpu.memref_slice %arg10[%add3A_21, %dma_start3A] : memref<10240x128xf32, #tpu.memory_space<vmem_shared>> -> memref<128x128xf32, #tpu.memory_space<vmem_shared>>
      %dma_start3A_38 = arith.constant 0 : i32
      %dma_start3A_39 = tpu.memref_slice %arg10[%add3A_21, %dma_start3A_38] : memref<10240x128xf32, #tpu.memory_space<vmem_shared>> -> memref<128x128xf32, #tpu.memory_space<vmem_shared>>
      tpu.enqueue_dma source(%arg8 : memref<128x128xf32, #tpu.memory_space<vmem>>) target(%dma_start3A_39 : memref<128x128xf32, #tpu.memory_space<vmem_shared>>) target_semaphore(%run_scoped3A : memref<!tpu.dma_semaphore, #tpu.memory_space<semaphore_mem>>)
      %dma_wait3A = arith.constant 0 : i32
      %dma_wait3A_40 = tpu.memref_slice %arg10[%add3A_21, %dma_wait3A] : memref<10240x128xf32, #tpu.memory_space<vmem_shared>> -> memref<128x128xf32, #tpu.memory_space<vmem_shared>>
      %dma_wait3A_41 = arith.constant 0 : i32
      %dma_wait3A_42 = tpu.memref_slice %arg10[%add3A_21, %dma_wait3A_41] : memref<10240x128xf32, #tpu.memory_space<vmem_shared>> -> memref<128x128xf32, #tpu.memory_space<vmem_shared>>
      tpu.wait_dma2 semaphore(%run_scoped3A : memref<!tpu.dma_semaphore, #tpu.memory_space<semaphore_mem>>) src(%arg8 : memref<128x128xf32, #tpu.memory_space<vmem>>) dst(%dma_wait3A_42 : memref<128x128xf32, #tpu.memory_space<vmem_shared>>)
      tpu.yield
    }) : () -> ()
    %mul3A_22 = arith.constant 640 : i32
    %mul3A_23 = arith.muli %arg1, %mul3A_22 : i32
    %add3A_24 = arith.constant 512 : i32
    %add3A_25 = arith.addi %mul3A_23, %add3A_24 : i32
    "tpu.region"() ({
      %run_scoped3A = tpu.sem_alloc : memref<!tpu.dma_semaphore, #tpu.memory_space<semaphore_mem>>
      %dma_start3A = arith.constant 0 : i32
      %dma_start3A_37 = tpu.memref_slice %arg10[%add3A_25, %dma_start3A] : memref<10240x128xf32, #tpu.memory_space<vmem_shared>> -> memref<128x128xf32, #tpu.memory_space<vmem_shared>>
      %dma_start3A_38 = arith.constant 0 : i32
      %dma_start3A_39 = tpu.memref_slice %arg10[%add3A_25, %dma_start3A_38] : memref<10240x128xf32, #tpu.memory_space<vmem_shared>> -> memref<128x128xf32, #tpu.memory_space<vmem_shared>>
      tpu.enqueue_dma source(%arg8 : memref<128x128xf32, #tpu.memory_space<vmem>>) target(%dma_start3A_39 : memref<128x128xf32, #tpu.memory_space<vmem_shared>>) target_semaphore(%run_scoped3A : memref<!tpu.dma_semaphore, #tpu.memory_space<semaphore_mem>>)
      %dma_wait3A = arith.constant 0 : i32
      %dma_wait3A_40 = tpu.memref_slice %arg10[%add3A_25, %dma_wait3A] : memref<10240x128xf32, #tpu.memory_space<vmem_shared>> -> memref<128x128xf32, #tpu.memory_space<vmem_shared>>
      %dma_wait3A_41 = arith.constant 0 : i32
      %dma_wait3A_42 = tpu.memref_slice %arg10[%add3A_25, %dma_wait3A_41] : memref<10240x128xf32, #tpu.memory_space<vmem_shared>> -> memref<128x128xf32, #tpu.memory_space<vmem_shared>>
      tpu.wait_dma2 semaphore(%run_scoped3A : memref<!tpu.dma_semaphore, #tpu.memory_space<semaphore_mem>>) src(%arg8 : memref<128x128xf32, #tpu.memory_space<vmem>>) dst(%dma_wait3A_42 : memref<128x128xf32, #tpu.memory_space<vmem_shared>>)
      tpu.yield
    }) : () -> ()
    %barrier3A = arith.constant 0 : index
    tpu.barrier barrier_id(%barrier3A)
    %scan3A_26 = arith.constant 0 : i32
    %scan3A_27 = arith.constant 0 : i32
    %scan3A_28 = arith.constant 5 : i32
    %scan3A_29 = arith.addi %scan3A_27, %scan3A_28 : i32
    %scan3A_30 = arith.constant 1 : i32
    scf.for %scan3A_37 = %scan3A_27 to %scan3A_29 step %scan3A_30  : i32 {
      %mul3A_38 = arith.constant 16 : i32
      %mul3A_39 = arith.muli %scan3A_37, %mul3A_38 : i32
      "tpu.region"() ({
        %run_scoped3A = tpu.sem_alloc : memref<!tpu.dma_semaphore, #tpu.memory_space<semaphore_mem>>
        %dma_start3A = arith.constant 0 : i32
        %dma_start3A_48 = tpu.memref_slice %arg3[%add3A, %mul3A_39, %dma_start3A] : memref<32x80x128xi32, #tpu.memory_space<hbm>> -> memref<1x16x128xi32, #tpu.memory_space<hbm>>
        %dma_start3A_49 = tpu.memref_squeeze %dma_start3A_48 : memref<1x16x128xi32, #tpu.memory_space<hbm>> -> memref<16x128xi32, #tpu.memory_space<hbm>>
        %dma_start3A_50 = arith.constant 0 : i32
        %dma_start3A_51 = tpu.memref_slice %arg3[%add3A, %mul3A_39, %dma_start3A_50] : memref<32x80x128xi32, #tpu.memory_space<hbm>> -> memref<1x16x128xi32, #tpu.memory_space<hbm>>
        %dma_start3A_52 = tpu.memref_squeeze %dma_start3A_51 : memref<1x16x128xi32, #tpu.memory_space<hbm>> -> memref<16x128xi32, #tpu.memory_space<hbm>>
        tpu.enqueue_dma source(%dma_start3A_52 : memref<16x128xi32, #tpu.memory_space<hbm>>) target(%arg6 : memref<16x128xi32, #tpu.memory_space<vmem>>) target_semaphore(%run_scoped3A : memref<!tpu.dma_semaphore, #tpu.memory_space<semaphore_mem>>)
        %dma_wait3A = arith.constant 0 : i32
        %dma_wait3A_53 = tpu.memref_slice %arg3[%add3A, %mul3A_39, %dma_wait3A] : memref<32x80x128xi32, #tpu.memory_space<hbm>> -> memref<1x16x128xi32, #tpu.memory_space<hbm>>
        %dma_wait3A_54 = tpu.memref_squeeze %dma_wait3A_53 : memref<1x16x128xi32, #tpu.memory_space<hbm>> -> memref<16x128xi32, #tpu.memory_space<hbm>>
        %dma_wait3A_55 = arith.constant 0 : i32
        %dma_wait3A_56 = tpu.memref_slice %arg3[%add3A, %mul3A_39, %dma_wait3A_55] : memref<32x80x128xi32, #tpu.memory_space<hbm>> -> memref<1x16x128xi32, #tpu.memory_space<hbm>>
        %dma_wait3A_57 = tpu.memref_squeeze %dma_wait3A_56 : memref<1x16x128xi32, #tpu.memory_space<hbm>> -> memref<16x128xi32, #tpu.memory_space<hbm>>
        tpu.wait_dma2 semaphore(%run_scoped3A : memref<!tpu.dma_semaphore, #tpu.memory_space<semaphore_mem>>) src(%dma_wait3A_57 : memref<16x128xi32, #tpu.memory_space<hbm>>) dst(%arg6 : memref<16x128xi32, #tpu.memory_space<vmem>>)
        tpu.yield
      }) : () -> ()
      %mul3A_40 = arith.constant 16 : i32
      %mul3A_41 = arith.muli %scan3A_37, %mul3A_40 : i32
      "tpu.region"() ({
        %run_scoped3A = tpu.sem_alloc : memref<!tpu.dma_semaphore, #tpu.memory_space<semaphore_mem>>
        %dma_start3A = arith.constant 0 : i32
        %dma_start3A_48 = tpu.memref_slice %arg4[%add3A, %mul3A_41, %dma_start3A] : memref<32x80x128xi32, #tpu.memory_space<hbm>> -> memref<1x16x128xi32, #tpu.memory_space<hbm>>
        %dma_start3A_49 = tpu.memref_squeeze %dma_start3A_48 : memref<1x16x128xi32, #tpu.memory_space<hbm>> -> memref<16x128xi32, #tpu.memory_space<hbm>>
        %dma_start3A_50 = arith.constant 0 : i32
        %dma_start3A_51 = tpu.memref_slice %arg4[%add3A, %mul3A_41, %dma_start3A_50] : memref<32x80x128xi32, #tpu.memory_space<hbm>> -> memref<1x16x128xi32, #tpu.memory_space<hbm>>
        %dma_start3A_52 = tpu.memref_squeeze %dma_start3A_51 : memref<1x16x128xi32, #tpu.memory_space<hbm>> -> memref<16x128xi32, #tpu.memory_space<hbm>>
        tpu.enqueue_dma source(%dma_start3A_52 : memref<16x128xi32, #tpu.memory_space<hbm>>) target(%arg7 : memref<16x128xi32, #tpu.memory_space<vmem>>) target_semaphore(%run_scoped3A : memref<!tpu.dma_semaphore, #tpu.memory_space<semaphore_mem>>)
        %dma_wait3A = arith.constant 0 : i32
        %dma_wait3A_53 = tpu.memref_slice %arg4[%add3A, %mul3A_41, %dma_wait3A] : memref<32x80x128xi32, #tpu.memory_space<hbm>> -> memref<1x16x128xi32, #tpu.memory_space<hbm>>
        %dma_wait3A_54 = tpu.memref_squeeze %dma_wait3A_53 : memref<1x16x128xi32, #tpu.memory_space<hbm>> -> memref<16x128xi32, #tpu.memory_space<hbm>>
        %dma_wait3A_55 = arith.constant 0 : i32
        %dma_wait3A_56 = tpu.memref_slice %arg4[%add3A, %mul3A_41, %dma_wait3A_55] : memref<32x80x128xi32, #tpu.memory_space<hbm>> -> memref<1x16x128xi32, #tpu.memory_space<hbm>>
        %dma_wait3A_57 = tpu.memref_squeeze %dma_wait3A_56 : memref<1x16x128xi32, #tpu.memory_space<hbm>> -> memref<16x128xi32, #tpu.memory_space<hbm>>
        tpu.wait_dma2 semaphore(%run_scoped3A : memref<!tpu.dma_semaphore, #tpu.memory_space<semaphore_mem>>) src(%dma_wait3A_57 : memref<16x128xi32, #tpu.memory_space<hbm>>) dst(%arg7 : memref<16x128xi32, #tpu.memory_space<vmem>>)
        tpu.yield
      }) : () -> ()
      %scan3A_42 = arith.constant 0 : i32
      %scan3A_43 = arith.constant 0 : i32
      %scan3A_44 = arith.constant 8 : i32
      %scan3A_45 = arith.addi %scan3A_43, %scan3A_44 : i32
      %scan3A_46 = arith.constant 1 : i32
      scf.for %scan3A_48 = %scan3A_43 to %scan3A_45 step %scan3A_46  : i32 {
        %mul3A_49 = arith.constant 2 : i32
        %mul3A_50 = arith.muli %scan3A_48, %mul3A_49 : i32
        %dma_start3A = arith.constant 0 : i32
        %dma_start3A_51 = tpu.memref_slice %arg6[%mul3A_50, %dma_start3A] : memref<16x128xi32, #tpu.memory_space<vmem>> -> memref<1x128xi32, #tpu.memory_space<vmem>>
        %dma_start3A_52 = tpu.memref_squeeze %dma_start3A_51 : memref<1x128xi32, #tpu.memory_space<vmem>> -> memref<128xi32, #tpu.memory_space<vmem>>
        %dma_start3A_53 = arith.constant 0 : i32
        %dma_start3A_54 = arith.constant 0 : i32
        %dma_start3A_55 = tpu.memref_slice %arg2[%dma_start3A_53, %dma_start3A_54] : memref<10240x128xf32, #tpu.memory_space<hbm>> -> memref<10240x128xf32, #tpu.memory_space<hbm>>
        tpu.enqueue_indirect_dma source(%dma_start3A_55 : memref<10240x128xf32, #tpu.memory_space<hbm>>) target(%arg8 : memref<128x128xf32, #tpu.memory_space<vmem>>) offsets(%dma_start3A_52 : memref<128xi32, #tpu.memory_space<vmem>>) semaphore(%arg11 : memref<!tpu.dma_semaphore, #tpu.memory_space<semaphore_mem>>)
        %add3A_56 = arith.constant 1 : i32
        %add3A_57 = arith.addi %mul3A_50, %add3A_56 : i32
        %dma_start3A_58 = arith.constant 0 : i32
        %dma_start3A_59 = tpu.memref_slice %arg6[%add3A_57, %dma_start3A_58] : memref<16x128xi32, #tpu.memory_space<vmem>> -> memref<1x128xi32, #tpu.memory_space<vmem>>
        %dma_start3A_60 = tpu.memref_squeeze %dma_start3A_59 : memref<1x128xi32, #tpu.memory_space<vmem>> -> memref<128xi32, #tpu.memory_space<vmem>>
        %dma_start3A_61 = arith.constant 0 : i32
        %dma_start3A_62 = arith.constant 0 : i32
        %dma_start3A_63 = tpu.memref_slice %arg2[%dma_start3A_61, %dma_start3A_62] : memref<10240x128xf32, #tpu.memory_space<hbm>> -> memref<10240x128xf32, #tpu.memory_space<hbm>>
        tpu.enqueue_indirect_dma source(%dma_start3A_63 : memref<10240x128xf32, #tpu.memory_space<hbm>>) target(%arg9 : memref<128x128xf32, #tpu.memory_space<vmem>>) offsets(%dma_start3A_60 : memref<128xi32, #tpu.memory_space<vmem>>) semaphore(%arg12 : memref<!tpu.dma_semaphore, #tpu.memory_space<semaphore_mem>>)
        %dma_wait3A = arith.constant 0 : i32
        %dma_wait3A_64 = tpu.memref_slice %arg6[%mul3A_50, %dma_wait3A] : memref<16x128xi32, #tpu.memory_space<vmem>> -> memref<1x128xi32, #tpu.memory_space<vmem>>
        %dma_wait3A_65 = tpu.memref_squeeze %dma_wait3A_64 : memref<1x128xi32, #tpu.memory_space<vmem>> -> memref<128xi32, #tpu.memory_space<vmem>>
        %dma_wait3A_66 = arith.constant 0 : i32
        %dma_wait3A_67 = arith.constant 0 : i32
        %dma_wait3A_68 = tpu.memref_slice %arg2[%dma_wait3A_66, %dma_wait3A_67] : memref<10240x128xf32, #tpu.memory_space<hbm>> -> memref<10240x128xf32, #tpu.memory_space<hbm>>
        tpu.wait_indirect_dma semaphore(%arg11 : memref<!tpu.dma_semaphore, #tpu.memory_space<semaphore_mem>>) src(%dma_wait3A_68 : memref<10240x128xf32, #tpu.memory_space<hbm>>) dst(%arg8 : memref<128x128xf32, #tpu.memory_space<vmem>>)
        "tpu.region"() ({
          %run_scoped3A = tpu.sem_alloc : memref<!tpu.dma_semaphore, #tpu.memory_space<semaphore_mem>>
          %dma_start3A_77 = arith.constant 0 : i32
          %dma_start3A_78 = tpu.memref_slice %arg7[%mul3A_50, %dma_start3A_77] : memref<16x128xi32, #tpu.memory_space<vmem>> -> memref<1x128xi32, #tpu.memory_space<vmem>>
          %dma_start3A_79 = tpu.memref_squeeze %dma_start3A_78 : memref<1x128xi32, #tpu.memory_space<vmem>> -> memref<128xi32, #tpu.memory_space<vmem>>
          %dma_start3A_80 = arith.constant 0 : i32
          %dma_start3A_81 = arith.constant 0 : i32
          %dma_start3A_82 = tpu.memref_slice %arg10[%dma_start3A_80, %dma_start3A_81] : memref<10240x128xf32, #tpu.memory_space<vmem_shared>> -> memref<10240x128xf32, #tpu.memory_space<vmem_shared>>
          tpu.enqueue_indirect_dma source(%arg8 : memref<128x128xf32, #tpu.memory_space<vmem>>) target(%dma_start3A_82 : memref<10240x128xf32, #tpu.memory_space<vmem_shared>>) offsets(%dma_start3A_79 : memref<128xi32, #tpu.memory_space<vmem>>) semaphore(%run_scoped3A : memref<!tpu.dma_semaphore, #tpu.memory_space<semaphore_mem>>) {add = true}
          %dma_wait3A_83 = arith.constant 0 : i32
          %dma_wait3A_84 = tpu.memref_slice %arg7[%mul3A_50, %dma_wait3A_83] : memref<16x128xi32, #tpu.memory_space<vmem>> -> memref<1x128xi32, #tpu.memory_space<vmem>>
          %dma_wait3A_85 = tpu.memref_squeeze %dma_wait3A_84 : memref<1x128xi32, #tpu.memory_space<vmem>> -> memref<128xi32, #tpu.memory_space<vmem>>
          %dma_wait3A_86 = arith.constant 0 : i32
          %dma_wait3A_87 = arith.constant 0 : i32
          %dma_wait3A_88 = tpu.memref_slice %arg10[%dma_wait3A_86, %dma_wait3A_87] : memref<10240x128xf32, #tpu.memory_space<vmem_shared>> -> memref<10240x128xf32, #tpu.memory_space<vmem_shared>>
          tpu.wait_indirect_dma semaphore(%run_scoped3A : memref<!tpu.dma_semaphore, #tpu.memory_space<semaphore_mem>>) src(%arg8 : memref<128x128xf32, #tpu.memory_space<vmem>>) dst(%dma_wait3A_88 : memref<10240x128xf32, #tpu.memory_space<vmem_shared>>)
          tpu.yield
        }) : () -> ()
        %dma_wait3A_69 = arith.constant 0 : i32
        %dma_wait3A_70 = tpu.memref_slice %arg6[%add3A_57, %dma_wait3A_69] : memref<16x128xi32, #tpu.memory_space<vmem>> -> memref<1x128xi32, #tpu.memory_space<vmem>>
        %dma_wait3A_71 = tpu.memref_squeeze %dma_wait3A_70 : memref<1x128xi32, #tpu.memory_space<vmem>> -> memref<128xi32, #tpu.memory_space<vmem>>
        %dma_wait3A_72 = arith.constant 0 : i32
        %dma_wait3A_73 = arith.constant 0 : i32
        %dma_wait3A_74 = tpu.memref_slice %arg2[%dma_wait3A_72, %dma_wait3A_73] : memref<10240x128xf32, #tpu.memory_space<hbm>> -> memref<10240x128xf32, #tpu.memory_space<hbm>>
        tpu.wait_indirect_dma semaphore(%arg12 : memref<!tpu.dma_semaphore, #tpu.memory_space<semaphore_mem>>) src(%dma_wait3A_74 : memref<10240x128xf32, #tpu.memory_space<hbm>>) dst(%arg9 : memref<128x128xf32, #tpu.memory_space<vmem>>)
        %add3A_75 = arith.constant 1 : i32
        %add3A_76 = arith.addi %mul3A_50, %add3A_75 : i32
        "tpu.region"() ({
          %run_scoped3A = tpu.sem_alloc : memref<!tpu.dma_semaphore, #tpu.memory_space<semaphore_mem>>
          %dma_start3A_77 = arith.constant 0 : i32
          %dma_start3A_78 = tpu.memref_slice %arg7[%add3A_76, %dma_start3A_77] : memref<16x128xi32, #tpu.memory_space<vmem>> -> memref<1x128xi32, #tpu.memory_space<vmem>>
          %dma_start3A_79 = tpu.memref_squeeze %dma_start3A_78 : memref<1x128xi32, #tpu.memory_space<vmem>> -> memref<128xi32, #tpu.memory_space<vmem>>
          %dma_start3A_80 = arith.constant 0 : i32
          %dma_start3A_81 = arith.constant 0 : i32
          %dma_start3A_82 = tpu.memref_slice %arg10[%dma_start3A_80, %dma_start3A_81] : memref<10240x128xf32, #tpu.memory_space<vmem_shared>> -> memref<10240x128xf32, #tpu.memory_space<vmem_shared>>
          tpu.enqueue_indirect_dma source(%arg9 : memref<128x128xf32, #tpu.memory_space<vmem>>) target(%dma_start3A_82 : memref<10240x128xf32, #tpu.memory_space<vmem_shared>>) offsets(%dma_start3A_79 : memref<128xi32, #tpu.memory_space<vmem>>) semaphore(%run_scoped3A : memref<!tpu.dma_semaphore, #tpu.memory_space<semaphore_mem>>) {add = true}
          %dma_wait3A_83 = arith.constant 0 : i32
          %dma_wait3A_84 = tpu.memref_slice %arg7[%add3A_76, %dma_wait3A_83] : memref<16x128xi32, #tpu.memory_space<vmem>> -> memref<1x128xi32, #tpu.memory_space<vmem>>
          %dma_wait3A_85 = tpu.memref_squeeze %dma_wait3A_84 : memref<1x128xi32, #tpu.memory_space<vmem>> -> memref<128xi32, #tpu.memory_space<vmem>>
          %dma_wait3A_86 = arith.constant 0 : i32
          %dma_wait3A_87 = arith.constant 0 : i32
          %dma_wait3A_88 = tpu.memref_slice %arg10[%dma_wait3A_86, %dma_wait3A_87] : memref<10240x128xf32, #tpu.memory_space<vmem_shared>> -> memref<10240x128xf32, #tpu.memory_space<vmem_shared>>
          tpu.wait_indirect_dma semaphore(%run_scoped3A : memref<!tpu.dma_semaphore, #tpu.memory_space<semaphore_mem>>) src(%arg9 : memref<128x128xf32, #tpu.memory_space<vmem>>) dst(%dma_wait3A_88 : memref<10240x128xf32, #tpu.memory_space<vmem_shared>>)
          tpu.yield
        }) : () -> ()
      }
      %scan3A_47 = arith.constant 8 : i32
    }
    %scan3A_31 = arith.constant 5 : i32
    %barrier3A_32 = arith.constant 0 : index
    tpu.barrier barrier_id(%barrier3A_32)
    %mul3A_33 = arith.constant 640 : i32
    %mul3A_34 = arith.muli %arg1, %mul3A_33 : i32
    %mul3A_35 = arith.constant 640 : i32
    %mul3A_36 = arith.muli %arg1, %mul3A_35 : i32
    "tpu.region"() ({
      %run_scoped3A = tpu.sem_alloc : memref<!tpu.dma_semaphore, #tpu.memory_space<semaphore_mem>>
      %dma_start3A = arith.constant 0 : i32
      %dma_start3A_37 = tpu.memref_slice %arg5[%arg0, %mul3A_36, %dma_start3A] : memref<2x10240x128xf32, #tpu.memory_space<hbm>> -> memref<1x640x128xf32, #tpu.memory_space<hbm>>
      %dma_start3A_38 = tpu.memref_squeeze %dma_start3A_37 : memref<1x640x128xf32, #tpu.memory_space<hbm>> -> memref<640x128xf32, #tpu.memory_space<hbm>>
      %dma_start3A_39 = arith.constant 0 : i32
      %dma_start3A_40 = tpu.memref_slice %arg10[%mul3A_34, %dma_start3A_39] : memref<10240x128xf32, #tpu.memory_space<vmem_shared>> -> memref<640x128xf32, #tpu.memory_space<vmem_shared>>
      tpu.enqueue_dma source(%dma_start3A_40 : memref<640x128xf32, #tpu.memory_space<vmem_shared>>) target(%dma_start3A_38 : memref<640x128xf32, #tpu.memory_space<hbm>>) target_semaphore(%run_scoped3A : memref<!tpu.dma_semaphore, #tpu.memory_space<semaphore_mem>>)
      %dma_wait3A = arith.constant 0 : i32
      %dma_wait3A_41 = tpu.memref_slice %arg5[%arg0, %mul3A_36, %dma_wait3A] : memref<2x10240x128xf32, #tpu.memory_space<hbm>> -> memref<1x640x128xf32, #tpu.memory_space<hbm>>
      %dma_wait3A_42 = tpu.memref_squeeze %dma_wait3A_41 : memref<1x640x128xf32, #tpu.memory_space<hbm>> -> memref<640x128xf32, #tpu.memory_space<hbm>>
      %dma_wait3A_43 = arith.constant 0 : i32
      %dma_wait3A_44 = tpu.memref_slice %arg10[%mul3A_34, %dma_wait3A_43] : memref<10240x128xf32, #tpu.memory_space<vmem_shared>> -> memref<640x128xf32, #tpu.memory_space<vmem_shared>>
      tpu.wait_dma2 semaphore(%run_scoped3A : memref<!tpu.dma_semaphore, #tpu.memory_space<semaphore_mem>>) src(%dma_wait3A_44 : memref<640x128xf32, #tpu.memory_space<vmem_shared>>) dst(%dma_wait3A_42 : memref<640x128xf32, #tpu.memory_space<hbm>>)
      tpu.yield
    }) : () -> ()
    return
  }
}

module attributes {stable_mosaic.version = 14 : i64} {
  func.func @_enc_body(%arg0: i32, %arg1: memref<1280x128xf32, #tpu.memory_space<vmem>>, %arg2: memref<128x128xf32, #tpu.memory_space<vmem>>, %arg3: memref<1x128xf32, #tpu.memory_space<vmem>>, %arg4: memref<1280x128xf32, #tpu.memory_space<vmem>>) attributes {dimension_semantics = [#tpu.dimension_semantics<arbitrary>], iteration_bounds = array<i64: 8>, scalar_prefetch = 0 : i64, scratch_operands = 0 : i64, tpu.core_type = #tpu.core_type<tc>, window_params = [{transform_indices = @transform_0, window_bounds = array<i64: 1280, 128>}, {pipeline_mode = #tpu.pipeline_mode<synchronous>, transform_indices = @transform_1, window_bounds = array<i64: 128, 128>}, {pipeline_mode = #tpu.pipeline_mode<synchronous>, transform_indices = @transform_2, window_bounds = array<i64: 1, 128>}, {transform_indices = @transform_3, window_bounds = array<i64: 1280, 128>}]} {
    %get3A = arith.constant 0 : index
    %get3A_0 = arith.constant 0 : index
    %get3A_1 = vector.load %arg1[%get3A, %get3A_0] : memref<1280x128xf32, #tpu.memory_space<vmem>>, vector<1280x128xf32>
    %get3A_2 = arith.constant 0 : index
    %get3A_3 = arith.constant 0 : index
    %get3A_4 = vector.load %arg2[%get3A_2, %get3A_3] : memref<128x128xf32, #tpu.memory_space<vmem>>, vector<128x128xf32>
    %dot_general3A = arith.constant dense<0.000000e+00> : vector<1280x128xf32>
    %dot_general3A_5 = tpu.matmul %get3A_1, %get3A_4, %dot_general3A {dimension_numbers = #tpu.dot_dimension_numbers<[1], [0], [0], [1], [0, 0, 1, 1], [], []>, transpose_lhs_hint = false} : vector<1280x128xf32>, vector<128x128xf32>, vector<1280x128xf32> -> vector<1280x128xf32>
    %get3A_6 = arith.constant 0 : index
    %get3A_7 = arith.constant 0 : index
    %get3A_8 = vector.load %arg3[%get3A_6, %get3A_7] : memref<1x128xf32, #tpu.memory_space<vmem>>, vector<1x128xf32>
    %add3A = vector.broadcast %get3A_8 : vector<1x128xf32> to vector<1280x128xf32>
    %add3A_9 = arith.addf %dot_general3A_5, %add3A : vector<1280x128xf32>
    %swap3A = arith.constant 0 : index
    %swap3A_10 = arith.constant 0 : index
    %swap3A_11 = vector.load %arg4[%swap3A, %swap3A_10] : memref<1280x128xf32, #tpu.memory_space<vmem>>, vector<1280x128xf32>
    tpu.vector_store %arg4[%swap3A, %swap3A_10], %add3A_9 {strides = array<i32>} : memref<1280x128xf32, #tpu.memory_space<vmem>>, vector<1280x128xf32>,
    return
  }
  func.func @transform_0(%arg0: i32) -> (i32, i32) {
    %c0_i32 = arith.constant 0 : i32
    %c0_i32_0 = arith.constant 0 : i32
    return %arg0, %c0_i32 : i32, i32
  }
  func.func @transform_1(%arg0: i32) -> (i32, i32) {
    %c0_i32 = arith.constant 0 : i32
    %c0_i32_0 = arith.constant 0 : i32
    %c0_i32_1 = arith.constant 0 : i32
    return %c0_i32, %c0_i32_0 : i32, i32
  }
  func.func @transform_2(%arg0: i32) -> (i32, i32) {
    %c0_i32 = arith.constant 0 : i32
    %c0_i32_0 = arith.constant 0 : i32
    %c0_i32_1 = arith.constant 0 : i32
    return %c0_i32, %c0_i32_0 : i32, i32
  }
  func.func @transform_3(%arg0: i32) -> (i32, i32) {
    %c0_i32 = arith.constant 0 : i32
    %c0_i32_0 = arith.constant 0 : i32
    return %arg0, %c0_i32 : i32, i32
  }
}

module attributes {stable_mosaic.version = 14 : i64} {
  func.func @_glue_body(%arg0: i32, %arg1: memref<2x1280x1xf32, #tpu.memory_space<vmem>>, %arg2: memref<1280x1xf32, #tpu.memory_space<vmem>>) attributes {dimension_semantics = [#tpu.dimension_semantics<arbitrary>], iteration_bounds = array<i64: 8>, scalar_prefetch = 0 : i64, scratch_operands = 0 : i64, tpu.core_type = #tpu.core_type<tc>, window_params = [{transform_indices = @transform_0, window_bounds = array<i64: 2, 1280, 1>}, {transform_indices = @transform_1, window_bounds = array<i64: 1280, 1>}]} {
    %get3A = arith.constant 0 : index
    %get3A_0 = arith.constant 0 : index
    %get3A_1 = arith.constant 0 : index
    %get3A_2 = vector.load %arg1[%get3A, %get3A_0, %get3A_1] : memref<2x1280x1xf32, #tpu.memory_space<vmem>>, vector<1x1280x1xf32>
    %get3A_3 = vector.shape_cast %get3A_2 : vector<1x1280x1xf32> to vector<1280x1xf32>
    %get3A_4 = arith.constant 1 : index
    %get3A_5 = arith.constant 0 : index
    %get3A_6 = arith.constant 0 : index
    %get3A_7 = vector.load %arg1[%get3A_4, %get3A_5, %get3A_6] : memref<2x1280x1xf32, #tpu.memory_space<vmem>>, vector<1x1280x1xf32>
    %get3A_8 = vector.shape_cast %get3A_7 : vector<1x1280x1xf32> to vector<1280x1xf32>
    %add3A = arith.addf %get3A_3, %get3A_8 : vector<1280x1xf32>
    %max3A = arith.constant 1.000000e+00 : f32
    %max3A_9 = vector.broadcast %max3A : f32 to vector<1280x1xf32>
    %max3A_10 = arith.maximumf %add3A, %max3A_9 : vector<1280x1xf32>
    %div3A = arith.constant 1.000000e+00 : f32
    %div3A_11 = vector.broadcast %div3A : f32 to vector<1280x1xf32>
    %div3A_12 = arith.divf %div3A_11, %max3A_10 : vector<1280x1xf32>
    %swap3A = arith.constant 0 : index
    %swap3A_13 = arith.constant 0 : index
    %swap3A_14 = vector.load %arg2[%swap3A, %swap3A_13] : memref<1280x1xf32, #tpu.memory_space<vmem>>, vector<1280x1xf32>
    tpu.vector_store %arg2[%swap3A, %swap3A_13], %div3A_12 {strides = array<i32>} : memref<1280x1xf32, #tpu.memory_space<vmem>>, vector<1280x1xf32>,
    return
  }
  func.func @transform_0(%arg0: i32) -> (i32, i32, i32) {
    %c0_i32 = arith.constant 0 : i32
    %c0_i32_0 = arith.constant 0 : i32
    %c0_i32_1 = arith.constant 0 : i32
    return %c0_i32, %arg0, %c0_i32_0 : i32, i32, i32
  }
  func.func @transform_1(%arg0: i32) -> (i32, i32) {
    %c0_i32 = arith.constant 0 : i32
    %c0_i32_0 = arith.constant 0 : i32
    return %arg0, %c0_i32 : i32, i32
  }
}

module attributes {stable_mosaic.version = 14 : i64} {
  func.func @_comb_body(%arg0: i32, %arg1: memref<1280x128xf32, #tpu.memory_space<vmem>>, %arg2: memref<2x1280x128xf32, #tpu.memory_space<vmem>>, %arg3: memref<1280x1xf32, #tpu.memory_space<vmem>>, %arg4: memref<128x128xf32, #tpu.memory_space<vmem>>, %arg5: memref<128x128xf32, #tpu.memory_space<vmem>>, %arg6: memref<1x128xf32, #tpu.memory_space<vmem>>, %arg7: memref<1280x128xf32, #tpu.memory_space<vmem>>) attributes {dimension_semantics = [#tpu.dimension_semantics<arbitrary>], iteration_bounds = array<i64: 8>, scalar_prefetch = 0 : i64, scratch_operands = 0 : i64, tpu.core_type = #tpu.core_type<tc>, window_params = [{transform_indices = @transform_0, window_bounds = array<i64: 1280, 128>}, {transform_indices = @transform_1, window_bounds = array<i64: 2, 1280, 128>}, {transform_indices = @transform_2, window_bounds = array<i64: 1280, 1>}, {pipeline_mode = #tpu.pipeline_mode<synchronous>, transform_indices = @transform_3, window_bounds = array<i64: 128, 128>}, {pipeline_mode = #tpu.pipeline_mode<synchronous>, transform_indices = @transform_4, window_bounds = array<i64: 128, 128>}, {pipeline_mode = #tpu.pipeline_mode<synchronous>, transform_indices = @transform_5, window_bounds = array<i64: 1, 128>}, {transform_indices = @transform_6, window_bounds = array<i64: 1280, 128>}]} {
    %get3A = arith.constant 0 : index
    %get3A_0 = arith.constant 0 : index
    %get3A_1 = arith.constant 0 : index
    %get3A_2 = vector.load %arg2[%get3A, %get3A_0, %get3A_1] : memref<2x1280x128xf32, #tpu.memory_space<vmem>>, vector<1x1280x128xf32>
    %get3A_3 = vector.shape_cast %get3A_2 : vector<1x1280x128xf32> to vector<1280x128xf32>
    %get3A_4 = arith.constant 1 : index
    %get3A_5 = arith.constant 0 : index
    %get3A_6 = arith.constant 0 : index
    %get3A_7 = vector.load %arg2[%get3A_4, %get3A_5, %get3A_6] : memref<2x1280x128xf32, #tpu.memory_space<vmem>>, vector<1x1280x128xf32>
    %get3A_8 = vector.shape_cast %get3A_7 : vector<1x1280x128xf32> to vector<1280x128xf32>
    %add3A = arith.addf %get3A_3, %get3A_8 : vector<1280x128xf32>
    %get3A_9 = arith.constant 0 : index
    %get3A_10 = arith.constant 0 : index
    %get3A_11 = vector.load %arg3[%get3A_9, %get3A_10] : memref<1280x1xf32, #tpu.memory_space<vmem>>, vector<1280x1xf32>
    %mul3A = vector.broadcast %get3A_11 : vector<1280x1xf32> to vector<1280x128xf32>
    %mul3A_12 = arith.mulf %add3A, %mul3A : vector<1280x128xf32>
    %get3A_13 = arith.constant 0 : index
    %get3A_14 = arith.constant 0 : index
    %get3A_15 = vector.load %arg1[%get3A_13, %get3A_14] : memref<1280x128xf32, #tpu.memory_space<vmem>>, vector<1280x128xf32>
    %get3A_16 = arith.constant 0 : index
    %get3A_17 = arith.constant 0 : index
    %get3A_18 = vector.load %arg4[%get3A_16, %get3A_17] : memref<128x128xf32, #tpu.memory_space<vmem>>, vector<128x128xf32>
    %dot_general3A = arith.constant dense<0.000000e+00> : vector<1280x128xf32>
    %dot_general3A_19 = tpu.matmul %get3A_15, %get3A_18, %dot_general3A {dimension_numbers = #tpu.dot_dimension_numbers<[1], [0], [0], [1], [0, 0, 1, 1], [], []>, transpose_lhs_hint = false} : vector<1280x128xf32>, vector<128x128xf32>, vector<1280x128xf32> -> vector<1280x128xf32>
    %get3A_20 = arith.constant 0 : index
    %get3A_21 = arith.constant 0 : index
    %get3A_22 = vector.load %arg5[%get3A_20, %get3A_21] : memref<128x128xf32, #tpu.memory_space<vmem>>, vector<128x128xf32>
    %dot_general3A_23 = arith.constant dense<0.000000e+00> : vector<1280x128xf32>
    %dot_general3A_24 = tpu.matmul %mul3A_12, %get3A_22, %dot_general3A_23 {dimension_numbers = #tpu.dot_dimension_numbers<[1], [0], [0], [1], [0, 0, 1, 1], [], []>, transpose_lhs_hint = false} : vector<1280x128xf32>, vector<128x128xf32>, vector<1280x128xf32> -> vector<1280x128xf32>
    %add3A_25 = arith.addf %dot_general3A_19, %dot_general3A_24 : vector<1280x128xf32>
    %get3A_26 = arith.constant 0 : index
    %get3A_27 = arith.constant 0 : index
    %get3A_28 = vector.load %arg6[%get3A_26, %get3A_27] : memref<1x128xf32, #tpu.memory_space<vmem>>, vector<1x128xf32>
    %add3A_29 = vector.broadcast %get3A_28 : vector<1x128xf32> to vector<1280x128xf32>
    %add3A_30 = arith.addf %add3A_25, %add3A_29 : vector<1280x128xf32>
    %max3A = arith.constant 0.000000e+00 : f32
    %max3A_31 = vector.broadcast %max3A : f32 to vector<1280x128xf32>
    %max3A_32 = arith.maximumf %add3A_30, %max3A_31 : vector<1280x128xf32>
    %swap3A = arith.constant 0 : index
    %swap3A_33 = arith.constant 0 : index
    %swap3A_34 = vector.load %arg7[%swap3A, %swap3A_33] : memref<1280x128xf32, #tpu.memory_space<vmem>>, vector<1280x128xf32>
    tpu.vector_store %arg7[%swap3A, %swap3A_33], %max3A_32 {strides = array<i32>} : memref<1280x128xf32, #tpu.memory_space<vmem>>, vector<1280x128xf32>,
    return
  }
  func.func @transform_0(%arg0: i32) -> (i32, i32) {
    %c0_i32 = arith.constant 0 : i32
    %c0_i32_0 = arith.constant 0 : i32
    return %arg0, %c0_i32 : i32, i32
  }
  func.func @transform_1(%arg0: i32) -> (i32, i32, i32) {
    %c0_i32 = arith.constant 0 : i32
    %c0_i32_0 = arith.constant 0 : i32
    %c0_i32_1 = arith.constant 0 : i32
    return %c0_i32, %arg0, %c0_i32_0 : i32, i32, i32
  }
  func.func @transform_2(%arg0: i32) -> (i32, i32) {
    %c0_i32 = arith.constant 0 : i32
    %c0_i32_0 = arith.constant 0 : i32
    return %arg0, %c0_i32 : i32, i32
  }
  func.func @transform_3(%arg0: i32) -> (i32, i32) {
    %c0_i32 = arith.constant 0 : i32
    %c0_i32_0 = arith.constant 0 : i32
    %c0_i32_1 = arith.constant 0 : i32
    return %c0_i32, %c0_i32_0 : i32, i32
  }
  func.func @transform_4(%arg0: i32) -> (i32, i32) {
    %c0_i32 = arith.constant 0 : i32
    %c0_i32_0 = arith.constant 0 : i32
    %c0_i32_1 = arith.constant 0 : i32
    return %c0_i32, %c0_i32_0 : i32, i32
  }
  func.func @transform_5(%arg0: i32) -> (i32, i32) {
    %c0_i32 = arith.constant 0 : i32
    %c0_i32_0 = arith.constant 0 : i32
    %c0_i32_1 = arith.constant 0 : i32
    return %c0_i32, %c0_i32_0 : i32, i32
  }
  func.func @transform_6(%arg0: i32) -> (i32, i32) {
    %c0_i32 = arith.constant 0 : i32
    %c0_i32_0 = arith.constant 0 : i32
    return %arg0, %c0_i32 : i32, i32
  }
}

module attributes {stable_mosaic.version = 14 : i64} {
  func.func @_final_body(%arg0: i32, %arg1: memref<1280x128xf32, #tpu.memory_space<vmem>>, %arg2: memref<2x1280x128xf32, #tpu.memory_space<vmem>>, %arg3: memref<1280x1xf32, #tpu.memory_space<vmem>>, %arg4: memref<2x1280x1xf32, #tpu.memory_space<vmem>>, %arg5: memref<128x128xf32, #tpu.memory_space<vmem>>, %arg6: memref<128x128xf32, #tpu.memory_space<vmem>>, %arg7: memref<1x128xf32, #tpu.memory_space<vmem>>, %arg8: memref<128x128xf32, #tpu.memory_space<vmem>>, %arg9: memref<128x128xf32, #tpu.memory_space<vmem>>, %arg10: memref<1x128xf32, #tpu.memory_space<vmem>>, %arg11: memref<128x10xf32, #tpu.memory_space<vmem>>, %arg12: memref<1x10xf32, #tpu.memory_space<vmem>>, %arg13: memref<1x10xf32, #tpu.memory_space<vmem>>, %arg14: memref<8x128xf32, #tpu.memory_space<vmem>>) attributes {dimension_semantics = [#tpu.dimension_semantics<arbitrary>], iteration_bounds = array<i64: 8>, scalar_prefetch = 0 : i64, scratch_operands = 1 : i64, tpu.core_type = #tpu.core_type<tc>, window_params = [{transform_indices = @transform_0, window_bounds = array<i64: 1280, 128>}, {transform_indices = @transform_1, window_bounds = array<i64: 2, 1280, 128>}, {transform_indices = @transform_2, window_bounds = array<i64: 1280, 1>}, {transform_indices = @transform_3, window_bounds = array<i64: 2, 1280, 1>}, {pipeline_mode = #tpu.pipeline_mode<synchronous>, transform_indices = @transform_4, window_bounds = array<i64: 128, 128>}, {pipeline_mode = #tpu.pipeline_mode<synchronous>, transform_indices = @transform_5, window_bounds = array<i64: 128, 128>}, {pipeline_mode = #tpu.pipeline_mode<synchronous>, transform_indices = @transform_6, window_bounds = array<i64: 1, 128>}, {pipeline_mode = #tpu.pipeline_mode<synchronous>, transform_indices = @transform_7, window_bounds = array<i64: 128, 128>}, {pipeline_mode = #tpu.pipeline_mode<synchronous>, transform_indices = @transform_8, window_bounds = array<i64: 128, 128>}, {pipeline_mode = #tpu.pipeline_mode<synchronous>, transform_indices = @transform_9, window_bounds = array<i64: 1, 128>}, {pipeline_mode = #tpu.pipeline_mode<synchronous>, transform_indices = @transform_10, window_bounds = array<i64: 128, 10>}, {pipeline_mode = #tpu.pipeline_mode<synchronous>, transform_indices = @transform_11, window_bounds = array<i64: 1, 10>}, {pipeline_mode = #tpu.pipeline_mode<synchronous>, transform_indices = @transform_12, window_bounds = array<i64: 1, 10>}]} {
    %get3A = arith.constant 0 : index
    %get3A_0 = arith.constant 0 : index
    %get3A_1 = arith.constant 0 : index
    %get3A_2 = vector.load %arg2[%get3A, %get3A_0, %get3A_1] : memref<2x1280x128xf32, #tpu.memory_space<vmem>>, vector<1x1280x128xf32>
    %get3A_3 = vector.shape_cast %get3A_2 : vector<1x1280x128xf32> to vector<1280x128xf32>
    %get3A_4 = arith.constant 1 : index
    %get3A_5 = arith.constant 0 : index
    %get3A_6 = arith.constant 0 : index
    %get3A_7 = vector.load %arg2[%get3A_4, %get3A_5, %get3A_6] : memref<2x1280x128xf32, #tpu.memory_space<vmem>>, vector<1x1280x128xf32>
    %get3A_8 = vector.shape_cast %get3A_7 : vector<1x1280x128xf32> to vector<1280x128xf32>
    %add3A = arith.addf %get3A_3, %get3A_8 : vector<1280x128xf32>
    %get3A_9 = arith.constant 0 : index
    %get3A_10 = arith.constant 0 : index
    %get3A_11 = vector.load %arg3[%get3A_9, %get3A_10] : memref<1280x1xf32, #tpu.memory_space<vmem>>, vector<1280x1xf32>
    %mul3A = vector.broadcast %get3A_11 : vector<1280x1xf32> to vector<1280x128xf32>
    %mul3A_12 = arith.mulf %add3A, %mul3A : vector<1280x128xf32>
    %get3A_13 = arith.constant 0 : index
    %get3A_14 = arith.constant 0 : index
    %get3A_15 = vector.load %arg1[%get3A_13, %get3A_14] : memref<1280x128xf32, #tpu.memory_space<vmem>>, vector<1280x128xf32>
    %get3A_16 = arith.constant 0 : index
    %get3A_17 = arith.constant 0 : index
    %get3A_18 = vector.load %arg5[%get3A_16, %get3A_17] : memref<128x128xf32, #tpu.memory_space<vmem>>, vector<128x128xf32>
    %dot_general3A = arith.constant dense<0.000000e+00> : vector<1280x128xf32>
    %dot_general3A_19 = tpu.matmul %get3A_15, %get3A_18, %dot_general3A {dimension_numbers = #tpu.dot_dimension_numbers<[1], [0], [0], [1], [0, 0, 1, 1], [], []>, transpose_lhs_hint = false} : vector<1280x128xf32>, vector<128x128xf32>, vector<1280x128xf32> -> vector<1280x128xf32>
    %get3A_20 = arith.constant 0 : index
    %get3A_21 = arith.constant 0 : index
    %get3A_22 = vector.load %arg6[%get3A_20, %get3A_21] : memref<128x128xf32, #tpu.memory_space<vmem>>, vector<128x128xf32>
    %dot_general3A_23 = arith.constant dense<0.000000e+00> : vector<1280x128xf32>
    %dot_general3A_24 = tpu.matmul %mul3A_12, %get3A_22, %dot_general3A_23 {dimension_numbers = #tpu.dot_dimension_numbers<[1], [0], [0], [1], [0, 0, 1, 1], [], []>, transpose_lhs_hint = false} : vector<1280x128xf32>, vector<128x128xf32>, vector<1280x128xf32> -> vector<1280x128xf32>
    %add3A_25 = arith.addf %dot_general3A_19, %dot_general3A_24 : vector<1280x128xf32>
    %get3A_26 = arith.constant 0 : index
    %get3A_27 = arith.constant 0 : index
    %get3A_28 = vector.load %arg7[%get3A_26, %get3A_27] : memref<1x128xf32, #tpu.memory_space<vmem>>, vector<1x128xf32>
    %add3A_29 = vector.broadcast %get3A_28 : vector<1x128xf32> to vector<1280x128xf32>
    %add3A_30 = arith.addf %add3A_25, %add3A_29 : vector<1280x128xf32>
    %max3A = arith.constant 0.000000e+00 : f32
    %max3A_31 = vector.broadcast %max3A : f32 to vector<1280x128xf32>
    %max3A_32 = arith.maximumf %add3A_30, %max3A_31 : vector<1280x128xf32>
    %iota3A = tpu.iota {dimensions = array<i32: 0>} : vector<1280x1xi32>
    %mul3A_33 = arith.constant 1280 : i32
    %mul3A_34 = arith.muli %arg0, %mul3A_33 : i32
    %add3A_35 = vector.broadcast %mul3A_34 : i32 to vector<1280x1xi32>
    %add3A_36 = arith.addi %iota3A, %add3A_35 : vector<1280x1xi32>
    %lt3A = arith.constant 10000 : i32
    %lt3A_37 = vector.broadcast %lt3A : i32 to vector<1280x1xi32>
    %lt3A_38 = arith.cmpi slt, %add3A_36, %lt3A_37 : vector<1280x1xi32>
    %convert_element_type3A = arith.extui %lt3A_38 : vector<1280x1xi1> to vector<1280x1xi32>
    %convert_element_type3A_39 = arith.sitofp %convert_element_type3A : vector<1280x1xi32> to vector<1280x1xf32>
    %get3A_40 = arith.constant 0 : index
    %get3A_41 = arith.constant 0 : index
    %get3A_42 = arith.constant 0 : index
    %get3A_43 = vector.load %arg4[%get3A_40, %get3A_41, %get3A_42] : memref<2x1280x1xf32, #tpu.memory_space<vmem>>, vector<1x1280x1xf32>
    %get3A_44 = vector.shape_cast %get3A_43 : vector<1x1280x1xf32> to vector<1280x1xf32>
    %get3A_45 = arith.constant 1 : index
    %get3A_46 = arith.constant 0 : index
    %get3A_47 = arith.constant 0 : index
    %get3A_48 = vector.load %arg4[%get3A_45, %get3A_46, %get3A_47] : memref<2x1280x1xf32, #tpu.memory_space<vmem>>, vector<1x1280x1xf32>
    %get3A_49 = vector.shape_cast %get3A_48 : vector<1x1280x1xf32> to vector<1280x1xf32>
    %add3A_50 = arith.addf %get3A_44, %get3A_49 : vector<1280x1xf32>
    %mul3A_51 = arith.mulf %add3A_50, %convert_element_type3A_39 : vector<1280x1xf32>
    %mul3A_52 = vector.broadcast %convert_element_type3A_39 : vector<1280x1xf32> to vector<1280x128xf32>
    %mul3A_53 = arith.mulf %max3A_32, %mul3A_52 : vector<1280x128xf32>
    %reduce_sum3A = arith.constant dense<0.000000e+00> : vector<128xf32>
    %reduce_sum3A_54 = vector.multi_reduction <add>, %mul3A_53, %reduce_sum3A [0] : vector<1280x128xf32> to vector<128xf32>
    %broadcast_in_dim3A = vector.shape_cast %reduce_sum3A_54 : vector<128xf32> to vector<1x128xf32>
    %mul3A_55 = vector.broadcast %mul3A_51 : vector<1280x1xf32> to vector<1280x128xf32>
    %mul3A_56 = arith.mulf %max3A_32, %mul3A_55 : vector<1280x128xf32>
    %reduce_sum3A_57 = arith.constant dense<0.000000e+00> : vector<128xf32>
    %reduce_sum3A_58 = vector.multi_reduction <add>, %mul3A_56, %reduce_sum3A_57 [0] : vector<1280x128xf32> to vector<128xf32>
    %broadcast_in_dim3A_59 = vector.shape_cast %reduce_sum3A_58 : vector<128xf32> to vector<1x128xf32>
    %eq3A = arith.constant 0 : i32
    %eq3A_60 = arith.cmpi eq, %arg0, %eq3A : i32
    %convert_element_type3A_61 = arith.extui %eq3A_60 : i1 to i32
    %cond3A = arith.constant 0 : i32
    %cond3A_62 = arith.cmpi ne, %convert_element_type3A_61, %cond3A : i32
    scf.if %cond3A_62 {
      %broadcast_in_dim3A_81 = arith.constant 0.000000e+00 : f32
      %broadcast_in_dim3A_82 = vector.broadcast %broadcast_in_dim3A_81 : f32 to vector<8x128xf32>
      %swap3A_83 = arith.constant 0 : index
      %swap3A_84 = arith.constant 0 : index
      %swap3A_85 = vector.load %arg14[%swap3A_83, %swap3A_84] : memref<8x128xf32, #tpu.memory_space<vmem>>, vector<8x128xf32>
      tpu.vector_store %arg14[%swap3A_83, %swap3A_84], %broadcast_in_dim3A_82 {strides = array<i32>} : memref<8x128xf32, #tpu.memory_space<vmem>>, vector<8x128xf32>,
    } else {
    }
    %get3A_63 = arith.constant 0 : index
    %get3A_64 = arith.constant 0 : index
    %get3A_65 = vector.load %arg14[%get3A_63, %get3A_64] : memref<8x128xf32, #tpu.memory_space<vmem>>, vector<1x128xf32>
    %add3A_66 = arith.addf %get3A_65, %broadcast_in_dim3A : vector<1x128xf32>
    %swap3A = arith.constant 0 : index
    %swap3A_67 = arith.constant 0 : index
    %swap3A_68 = vector.load %arg14[%swap3A, %swap3A_67] : memref<8x128xf32, #tpu.memory_space<vmem>>, vector<1x128xf32>
    tpu.vector_store %arg14[%swap3A, %swap3A_67], %add3A_66 {strides = array<i32>} : memref<8x128xf32, #tpu.memory_space<vmem>>, vector<1x128xf32>,
    %get3A_69 = arith.constant 1 : index
    %get3A_70 = arith.constant 0 : index
    %get3A_71 = vector.load %arg14[%get3A_69, %get3A_70] : memref<8x128xf32, #tpu.memory_space<vmem>>, vector<1x128xf32>
    %add3A_72 = arith.addf %get3A_71, %broadcast_in_dim3A_59 : vector<1x128xf32>
    %swap3A_73 = arith.constant 1 : index
    %swap3A_74 = arith.constant 0 : index
    %swap3A_75 = vector.load %arg14[%swap3A_73, %swap3A_74] : memref<8x128xf32, #tpu.memory_space<vmem>>, vector<1x128xf32>
    tpu.vector_store %arg14[%swap3A_73, %swap3A_74], %add3A_72 {strides = array<i32>} : memref<8x128xf32, #tpu.memory_space<vmem>>, vector<1x128xf32>,
    %eq3A_76 = arith.constant 7 : i32
    %eq3A_77 = arith.cmpi eq, %arg0, %eq3A_76 : i32
    %convert_element_type3A_78 = arith.extui %eq3A_77 : i1 to i32
    %cond3A_79 = arith.constant 0 : i32
    %cond3A_80 = arith.cmpi ne, %convert_element_type3A_78, %cond3A_79 : i32
    scf.if %cond3A_80 {
      %get3A_81 = arith.constant 0 : index
      %get3A_82 = arith.constant 0 : index
      %get3A_83 = vector.load %arg14[%get3A_81, %get3A_82] : memref<8x128xf32, #tpu.memory_space<vmem>>, vector<1x128xf32>
      %mul3A_84 = arith.constant 9.99999974E-5 : f32
      %mul3A_85 = vector.broadcast %mul3A_84 : f32 to vector<1x128xf32>
      %mul3A_86 = arith.mulf %get3A_83, %mul3A_85 : vector<1x128xf32>
      %get3A_87 = arith.constant 0 : index
      %get3A_88 = arith.constant 0 : index
      %get3A_89 = vector.load %arg8[%get3A_87, %get3A_88] : memref<128x128xf32, #tpu.memory_space<vmem>>, vector<128x128xf32>
      %dot_general3A_90 = arith.constant dense<0.000000e+00> : vector<1x128xf32>
      %dot_general3A_91 = tpu.matmul %mul3A_86, %get3A_89, %dot_general3A_90 {dimension_numbers = #tpu.dot_dimension_numbers<[1], [0], [0], [1], [0, 0, 1, 1], [], []>, transpose_lhs_hint = false} : vector<1x128xf32>, vector<128x128xf32>, vector<1x128xf32> -> vector<1x128xf32>
      %get3A_92 = arith.constant 1 : index
      %get3A_93 = arith.constant 0 : index
      %get3A_94 = vector.load %arg14[%get3A_92, %get3A_93] : memref<8x128xf32, #tpu.memory_space<vmem>>, vector<1x128xf32>
      %mul3A_95 = arith.constant 9.99999974E-5 : f32
      %mul3A_96 = vector.broadcast %mul3A_95 : f32 to vector<1x128xf32>
      %mul3A_97 = arith.mulf %get3A_94, %mul3A_96 : vector<1x128xf32>
      %get3A_98 = arith.constant 0 : index
      %get3A_99 = arith.constant 0 : index
      %get3A_100 = vector.load %arg9[%get3A_98, %get3A_99] : memref<128x128xf32, #tpu.memory_space<vmem>>, vector<128x128xf32>
      %dot_general3A_101 = arith.constant dense<0.000000e+00> : vector<1x128xf32>
      %dot_general3A_102 = tpu.matmul %mul3A_97, %get3A_100, %dot_general3A_101 {dimension_numbers = #tpu.dot_dimension_numbers<[1], [0], [0], [1], [0, 0, 1, 1], [], []>, transpose_lhs_hint = false} : vector<1x128xf32>, vector<128x128xf32>, vector<1x128xf32> -> vector<1x128xf32>
      %add3A_103 = arith.addf %dot_general3A_91, %dot_general3A_102 : vector<1x128xf32>
      %get3A_104 = arith.constant 0 : index
      %get3A_105 = arith.constant 0 : index
      %get3A_106 = vector.load %arg10[%get3A_104, %get3A_105] : memref<1x128xf32, #tpu.memory_space<vmem>>, vector<1x128xf32>
      %add3A_107 = arith.addf %add3A_103, %get3A_106 : vector<1x128xf32>
      %get3A_108 = arith.constant 0 : index
      %get3A_109 = arith.constant 0 : index
      %get3A_110 = vector.load %arg11[%get3A_108, %get3A_109] : memref<128x10xf32, #tpu.memory_space<vmem>>, vector<128x10xf32>
      %dot_general3A_111 = arith.constant dense<0.000000e+00> : vector<1x10xf32>
      %dot_general3A_112 = tpu.matmul %add3A_107, %get3A_110, %dot_general3A_111 {dimension_numbers = #tpu.dot_dimension_numbers<[1], [0], [0], [1], [0, 0, 1, 1], [], []>, transpose_lhs_hint = false} : vector<1x128xf32>, vector<128x10xf32>, vector<1x10xf32> -> vector<1x10xf32>
      %get3A_113 = arith.constant 0 : index
      %get3A_114 = arith.constant 0 : index
      %get3A_115 = vector.load %arg12[%get3A_113, %get3A_114] : memref<1x10xf32, #tpu.memory_space<vmem>>, vector<1x10xf32>
      %add3A_116 = arith.addf %dot_general3A_112, %get3A_115 : vector<1x10xf32>
      %reduce_max3A = arith.constant dense<0xFF800000> : vector<1xf32>
      %reduce_max3A_117 = vector.multi_reduction <maximumf>, %add3A_116, %reduce_max3A [1] : vector<1x10xf32> to vector<1xf32>
      %broadcast_in_dim3A_118 = vector.shape_cast %reduce_max3A_117 : vector<1xf32> to vector<1x1xf32>
      %sub3A = vector.broadcast %broadcast_in_dim3A_118 : vector<1x1xf32> to vector<1x10xf32>
      %sub3A_119 = arith.subf %add3A_116, %sub3A : vector<1x10xf32>
      %exp3A = math.exp %sub3A_119 : vector<1x10xf32>
      %reduce_sum3A_120 = arith.constant dense<0.000000e+00> : vector<1xf32>
      %reduce_sum3A_121 = vector.multi_reduction <add>, %exp3A, %reduce_sum3A_120 [1] : vector<1x10xf32> to vector<1xf32>
      %broadcast_in_dim3A_122 = vector.shape_cast %reduce_sum3A_121 : vector<1xf32> to vector<1x1xf32>
      %div3A = vector.broadcast %broadcast_in_dim3A_122 : vector<1x1xf32> to vector<1x10xf32>
      %div3A_123 = arith.divf %exp3A, %div3A : vector<1x10xf32>
      %swap3A_124 = arith.constant 0 : index
      %swap3A_125 = arith.constant 0 : index
      %swap3A_126 = vector.load %arg13[%swap3A_124, %swap3A_125] : memref<1x10xf32, #tpu.memory_space<vmem>>, vector<1x10xf32>
      tpu.vector_store %arg13[%swap3A_124, %swap3A_125], %div3A_123 {strides = array<i32>} : memref<1x10xf32, #tpu.memory_space<vmem>>, vector<1x10xf32>,
    } else {
    }
    return
  }
  func.func @transform_0(%arg0: i32) -> (i32, i32) {
    %c0_i32 = arith.constant 0 : i32
    %c0_i32_0 = arith.constant 0 : i32
    return %arg0, %c0_i32 : i32, i32
  }
  func.func @transform_1(%arg0: i32) -> (i32, i32, i32) {
    %c0_i32 = arith.constant 0 : i32
    %c0_i32_0 = arith.constant 0 : i32
    %c0_i32_1 = arith.constant 0 : i32
    return %c0_i32, %arg0, %c0_i32_0 : i32, i32, i32
  }
  func.func @transform_2(%arg0: i32) -> (i32, i32) {
    %c0_i32 = arith.constant 0 : i32
    %c0_i32_0 = arith.constant 0 : i32
    return %arg0, %c0_i32 : i32, i32
  }
  func.func @transform_3(%arg0: i32) -> (i32, i32, i32) {
    %c0_i32 = arith.constant 0 : i32
    %c0_i32_0 = arith.constant 0 : i32
    %c0_i32_1 = arith.constant 0 : i32
    return %c0_i32, %arg0, %c0_i32_0 : i32, i32, i32
  }
  func.func @transform_4(%arg0: i32) -> (i32, i32) {
    %c0_i32 = arith.constant 0 : i32
    %c0_i32_0 = arith.constant 0 : i32
    %c0_i32_1 = arith.constant 0 : i32
    return %c0_i32, %c0_i32_0 : i32, i32
  }
  func.func @transform_5(%arg0: i32) -> (i32, i32) {
    %c0_i32 = arith.constant 0 : i32
    %c0_i32_0 = arith.constant 0 : i32
    %c0_i32_1 = arith.constant 0 : i32
    return %c0_i32, %c0_i32_0 : i32, i32
  }
  func.func @transform_6(%arg0: i32) -> (i32, i32) {
    %c0_i32 = arith.constant 0 : i32
    %c0_i32_0 = arith.constant 0 : i32
    %c0_i32_1 = arith.constant 0 : i32
    return %c0_i32, %c0_i32_0 : i32, i32
  }
  func.func @transform_7(%arg0: i32) -> (i32, i32) {
    %c0_i32 = arith.constant 0 : i32
    %c0_i32_0 = arith.constant 0 : i32
    %c0_i32_1 = arith.constant 0 : i32
    return %c0_i32, %c0_i32_0 : i32, i32
  }
  func.func @transform_8(%arg0: i32) -> (i32, i32) {
    %c0_i32 = arith.constant 0 : i32
    %c0_i32_0 = arith.constant 0 : i32
    %c0_i32_1 = arith.constant 0 : i32
    return %c0_i32, %c0_i32_0 : i32, i32
  }
  func.func @transform_9(%arg0: i32) -> (i32, i32) {
    %c0_i32 = arith.constant 0 : i32
    %c0_i32_0 = arith.constant 0 : i32
    %c0_i32_1 = arith.constant 0 : i32
    return %c0_i32, %c0_i32_0 : i32, i32
  }
  func.func @transform_10(%arg0: i32) -> (i32, i32) {
    %c0_i32 = arith.constant 0 : i32
    %c0_i32_0 = arith.constant 0 : i32
    %c0_i32_1 = arith.constant 0 : i32
    return %c0_i32, %c0_i32_0 : i32, i32
  }
  func.func @transform_11(%arg0: i32) -> (i32, i32) {
    %c0_i32 = arith.constant 0 : i32
    %c0_i32_0 = arith.constant 0 : i32
    %c0_i32_1 = arith.constant 0 : i32
    return %c0_i32, %c0_i32_0 : i32, i32
  }
  func.func @transform_12(%arg0: i32) -> (i32, i32) {
    %c0_i32 = arith.constant 0 : i32
    %c0_i32_0 = arith.constant 0 : i32
    %c0_i32_1 = arith.constant 0 : i32
    return %c0_i32, %c0_i32_0 : i32, i32
  }
}

</mosaic_0001>

<sc_bundles>
// kernel: kernel.10.cloned.1.call-start
scs
__scs_entry_jumppad:
0x0: {  	(pc) =	sbr.rel $0x88, $3  }
0x1: {  	(tag) =	ssettag $0x0;
	lr =	simm.s32 $0x1  }
0x2: {  	[smem:$0x3F92] =	sst lr;
	_ =	strace $0xD0000000  }
0x3: {  	_ = 	snop  }
0x4: {  	_ = 	snop  }
0x5: {  	_ = 	snop  }
0x6: {  	_ = 	snop  }
0x7: {  	_ = 	snop  }
__scs_overlays_trampoline_lowered:
0x8: {  	[smem:$0x3FA1] =	sst s0  }
0x9: {  	[smem:$0x3FA2] =	sst s1  }
0xa: {  	[smem:$0x3FA3] =	sst s2  }
0xb: {  	[smem:$0x3FA4] =	sst s3  }
0xc: {  	[smem:$0x3FA5] =	sst s4  }
0xd: {  	[smem:$0x3FA6] =	sst s5  }
0xe: {  	[smem:$0x3FA7] =	sst s6  }
0xf: {  	[smem:$0x3FA8] =	sst s7  }
0x10: {  	[smem:$0x3FA9] =	sst s8  }
0x11: {  	[smem:$0x3FAA] =	sst s9;
	s0 =	simm.s32 @!p0 $0x0  }
0x12: {  	s1 =	sld [smem:$0x3F90];
	s0 =	simm.s32 @p0 $0x1  }
0x13: {  	[smem:$0x3FAB] =	sst s0;
	s0 =	simm.s32 @!p1 $0x0  }
0x14: {  	s2 =	sld [smem:$0x3F8F];
	s0 =	simm.s32 @p1 $0x1  }
0x15: {  	[smem:$0x3FAC] =	sst s0;
	s0 =	simm.s32 @!p2 $0x0  }
0x16: {  	s3 =	sld [smem:$0x3FDB];
	s0 =	simm.s32 @p2 $0x1  }
0x17: {  	s4 =	simm.s32 $0x1BF5;
	[smem:$0x3FAE] =	sst s0  }
0x18: {  	s0 =	sld [smem:$0x3F91];
	_ =	swait.ge [sflag:s4], $0x0  }
0x19: {  	s7 =	sld [smem:$0x3F92]  }
0x1a: {  	s8 =	sadd.s32 $0xFFFFE003, lr  }
0x1b: {  	s9 =	sadd.s32 $0xFFFFFEF7, lr;
	s5 =	simm.s32 $0xFFFFFFFF;
	p2 =	slt.u32 s8, $0xFFFFF086  }
0x1c: {  	p1 =	slt.u32 s9, $0xF7A;
	s5 =	simm.s32 @!p2 $0x0  }
0x1d: {  	s5 =	simm.s32 @p1 $0x1;
	p0 =	seq.s32 s7, s2  }
0x1e: {  	s7 =	smul.u32 @!p0 $0xF7A, s2;
	p2 =	seq.s32 @!p0 s5, $0x0  }
0x1f: {  	s9 =	smul.u32 $0xF7A, s1;
	s8 =	simm.s32 @!p0 $0x1BF5;
	p2 =	por !p2, p0  }
0x20: {  	[sflag:s8] =	ssyncset.s32 @!p0 $0xFFFFF086;
	s6 =	sadd.s32 @!p0 s3, s7;
	s7 =	simm.s32 @!p0 $0x108  }
0x21: {  	s3 =	sadd.s32 s3, s9;
	s6 =	sadd.s32 @!p0 $0x88, s6;
	s7 =	simm.s32 @p2 $0x1082  }
0x22: {  	[simem:s7], [sflag:s8] =	dma.local @!p0 [hbm:s6], $0xF7A  }
0x23: {  	s9 =	sor.u32 $0xD0000000, s2;
	s6 =	simm.s32 $0x108;
	_ =	swait.ge @!p0 [sflag:s8], $0x0  }
0x24: {  	s3 =	sadd.s32 $0x88, s3;
	s6 =	simm.s32 @!p1 $0x1082;
	[sflag:s4] =	ssyncset.s32 $0xFFFFF086  }
0x25: {  	[simem:s6], [sflag:s4] =	dma.local [hbm:s3], $0xF7A  }
0x26: {  	[smem:$0x3F92] =	sst s1;
	(tag) =	ssettag s2;
	_ =	strace s9  }
0x27: {  	s1 =	sld [smem:$0x3FA2]  }
0x28: {  	s2 =	sld [smem:$0x3FA3]  }
0x29: {  	s4 =	sld [smem:$0x3FA5]  }
0x2a: {  	p0 =	seq.s32 s5, $0x0;
	s5 =	sld [smem:$0x3FA6]  }
0x2b: {  	s6 =	sld [smem:$0x3FA7]  }
0x2c: {  	s7 =	sld [smem:$0x3FA8]  }
0x2d: {  	s3 =	simm.s32 $0x108;
	s8 =	sld [smem:$0x3FA9]  }
0x2e: {  	s3 =	simm.s32 @!p0 $0x1082;
	s9 =	sld [smem:$0x3FAA]  }
0x2f: {  	lr =	sadd.s32 s0, s3;
	s0 =	sld [smem:$0x3FA1]  }
0x30: {  	s3 =	sld [smem:$0x3FA4]  }
0x31: {  	[smem:$0x3FAD] =	sst s10  }
0x32: {  	s10 =	sld [smem:$0x3FAB];
	_ =	sdelay $0x3  }
0x33: {  	p0 =	seq.s32 s10, $0x1;
	s10 =	sld [smem:$0x3FAD];
	_ =	sdelay $0x3  }
0x34: {  	[smem:$0x3FAD] =	sst s10  }
0x35: {  	s10 =	sld [smem:$0x3FAC];
	_ =	sdelay $0x3  }
0x36: {  	p1 =	seq.s32 s10, $0x1;
	s10 =	sld [smem:$0x3FAD];
	_ =	sdelay $0x3  }
0x37: {  	[smem:$0x3FAD] =	sst s10  }
0x38: {  	s10 =	sld [smem:$0x3FAE]  }
0x39: {  	_ = 	snop;
	(pc) =	sbr.ind lr, $3  }
0x3a: {  	_ = 	snop  }
0x3b: {  	_ = 	snop  }
0x3c: {  	p2 =	seq.s32 s10, $0x1;
	s10 =	sld [smem:$0x3FAD]  }
0x3d: {  	_ =	shalt  }
0x3e: {  	_ =	shalt  }
0x3f: {  	_ =	shalt  }
0x40: {  	_ =	shalt  }
0x41: {  	_ =	shalt  }
0x42: {  	_ =	shalt  }
0x43: {  	_ =	shalt  }
0x44: {  	_ =	shalt  }
0x45: {  	_ =	shalt  }
0x46: {  	_ =	shalt  }
0x47: {  	_ =	shalt  }
0x48: {  	_ =	shalt  }
0x49: {  	_ =	shalt  }
0x4a: {  	_ =	shalt  }
0x4b: {  	_ =	shalt  }
0x4c: {  	_ =	shalt  }
0x4d: {  	_ =	shalt  }
0x4e: {  	_ =	shalt  }
0x4f: {  	_ =	shalt  }
0x50: {  	_ =	shalt  }
0x51: {  	_ =	shalt  }
0x52: {  	_ =	shalt  }
0x53: {  	_ =	shalt  }
0x54: {  	_ =	shalt  }
0x55: {  	_ =	shalt  }
0x56: {  	_ =	shalt  }
0x57: {  	_ =	shalt  }
0x58: {  	_ =	shalt  }
0x59: {  	_ =	shalt  }
0x5a: {  	_ =	shalt  }
0x5b: {  	_ =	shalt  }
0x5c: {  	_ =	shalt  }
0x5d: {  	_ =	shalt  }
0x5e: {  	_ =	shalt  }
0x5f: {  	_ =	shalt  }
0x60: {  	_ =	shalt  }
0x61: {  	_ =	shalt  }
0x62: {  	_ =	shalt  }
0x63: {  	_ =	shalt  }
0x64: {  	_ =	shalt  }
0x65: {  	_ =	shalt  }
0x66: {  	_ =	shalt  }
0x67: {  	_ =	shalt  }
0x68: {  	_ =	shalt  }
0x69: {  	_ =	shalt  }
0x6a: {  	_ =	shalt  }
0x6b: {  	_ =	shalt  }
0x6c: {  	_ =	shalt  }
0x6d: {  	_ =	shalt  }
0x6e: {  	_ =	shalt  }
0x6f: {  	_ =	shalt  }
0x70: {  	_ =	shalt  }
0x71: {  	_ =	shalt  }
0x72: {  	_ =	shalt  }
0x73: {  	_ =	shalt  }
0x74: {  	_ =	shalt  }
0x75: {  	_ =	shalt  }
0x76: {  	_ =	shalt  }
0x77: {  	_ =	shalt  }
0x78: {  	_ =	shalt  }
0x79: {  	_ =	shalt  }
0x7a: {  	_ =	shalt  }
0x7b: {  	_ =	shalt  }
0x7c: {  	_ =	shalt  }
0x7d: {  	_ =	shalt  }
0x7e: {  	_ =	shalt  }
0x7f: {  	_ =	shalt  }
0x80: {  	_ =	shalt  }
0x81: {  	_ =	shalt  }
0x82: {  	_ =	shalt  }
0x83: {  	_ =	shalt  }
0x84: {  	_ =	shalt  }
0x85: {  	_ =	shalt  }
0x86: {  	_ =	shalt  }
0x87: {  	_ =	shalt  }
.Lfunc_end0:
.L_simem_size_0:
called_computation_lowered:
.L_overlay_start_0:
0x88: {  	s2 =	sld [smem:$0x3FD9]  }
0x89: {  	s3 =	sld [smem:$0x3FFE];
	_ =	sdelay $0x1  }
0x8a: {  	s1 =	srdreg.scid  }
0x8b: {  	s0 =	sand.u32 $0x1, s1  }
0x8c: {  	s16 =	sshll.u32 s0, $0xA;
	s2 =	sadd.s32 s3, s2  }
0x8d: {  	s2 =	sadd.s32 s2, s16  }
0x8e: {  	[smem:$0x3FB9] =	sst s2  }
0x8f: {  	_ = 	snop  }
0x90: {  	(tm) =	ssettm $0x1  }
0x91: {  	s17 =	sld [smem:$0x3FFB];
	_ =	sdelay $0x3  }
0x92: {  	_ =	strace s17  }
0x93: {  	s2 =	sld [smem:$0x3FFC];
	_ =	sdelay $0x3  }
0x94: {  	_ =	strace s2  }
0x95: {  	s2 =	sld [smem:$0x3FFD];
	_ =	sdelay $0x3  }
0x96: {  	_ =	strace s2  }
0x97: {  	_ =	strace $0x8FFFFFFF  }
0x98: {  	s18 =	sld [smem:$0x3FDB];
	_ =	sdelay $0x1  }
0x99: {  	s19 =	simm.s32 $_scs_section_size  }
0x9a: {  	s4 =	simm.s32 $_size__tile_overlayer_lowered;
	s5 =	simm.s32 $_tile_overlayer_lowered  }
0x9b: {  	s22 =	simm.s32 $0x1BFF;
	s21 =	sshll.u32 s5, $0x1;
	s2 =	sadd.s32 s19, s18  }
0x9c: {  	s6 =	simm.s32 $0x0;
	s20 =	sshll.u32 s4, $0x1;
	s4 =	sadd.s32 s21, s2  }
0x9d: {  	[timem:s6], [sflag:s22] =	dma.local [hbm:s4], s20  }
0x9e: {  	_ =	swait.ge [sflag:s22], s20  }
0x9f: {  	s3 =	ssub.s32 $0x0, s20;
	[sflag:s22] =	ssyncset.done $0x0  }
0xa0: {  	[sflag:s22] =	ssyncadd.s32 s3;
	_ =	sdelay $0x1  }
0xa1: {  	s23 =	simm.s32 $0x1B8B  }
0xa2: {  	_ =	swait.ge [sflag:s23], $0x1  }
0xa3: {  	[sflag:s23] =	ssyncset.done $0x0  }
0xa4: {  	s25 =	simm.s32 $0x1B8E;
	s24 =	sld [smem:$0x3FFE];
	[sflag:s23] =	ssyncadd.s32 $0xFFFFFFFF  }
0xa5: {  	s26 =	simm.s32 $execute0_lowered;
	[smem:$0x3FD2] =	sst s25  }
0xa6: {  	s4 =	sshll.u32 s26, $0x1;
	_ =	strace $0x80000046;
	[dreg:$0x1] =	wrdreg $0xFFFFFFFF  }
0xa7: {  	s28 =	simm.s32 $_size_execute0_lowered;
	s2 =	sadd.s32 s2, s4;
	[dreg:$0x0] =	wrdreg $0x0  }
0xa8: {  	s4 =	sshll.u32 s28, $0x1;
	[dreg:$0x2] =	wrdreg s2  }
0xa9: {  	[dreg:$0x3] =	wrdreg s4  }
0xaa: {  	[dreg:$0x4] =	wrdreg $0xC0  }
0xab: {  	_ =	task [dreg:s6], $0x5FFFF  }
0xac: {  	[dreg:$0x1] =	wrdreg $0xFFFFFFFF  }
0xad: {  	[dreg:$0x0] =	wrdreg $0x60  }
0xae: {  	[dreg:$0x2] =	wrdreg s24  }
0xaf: {  	[dreg:$0x3] =	wrdreg $0xB000  }
0xb0: {  	[dreg:$0x4] =	wrdreg $0x9  }
0xb1: {  	_ =	task.clear_ibuf [dreg:s6], $0x5FFFF;
	_ =	strace $0x90000046  }
0xb2: {  	s29 =	simm.s32 $0x9;
	_ =	strace $0x80000048  }
0xb3: {  	_ =	swait.ge [sflag:s29], $0x1  }
0xb4: {  	[sflag:s29] =	ssyncadd.s32 $0xFFFFFFFF  }
0xb5: {  	_ =	strace $0x90000048  }
0xb6: {  	_ =	sfence  }
0xb7: {  	s30 =	sld [smem:$0x0];
	_ =	sdelay $0x2  }
0xb8: {  	s31 =	sshll.u32 s1, $0xD;
	s1 =	sshrl.u32 s1, $0x2  }
0xb9: {  	s3 =	sand.u32 $0x4000, s31;
	s1 =	sadd.s32 s1, s30  }
0xba: {  	s0 =	sor.u32 s3, s0;
	s1 =	sshll.u32 s1, $0x11  }
0xbb: {  	s0 =	sor.u32 s1, s0  }
0xbc: {  	s0 =	sadd.s32 $0x8F2B, s0  }
0xbd: {  	[sflag:s0] =	ssyncadd.remote.s32 $0x1  }
0xbe: {  	_ =	sfence.sel $0xFFFF  }
0xbf: {  	[dreg:$0x0] =	wrdreg $0xFFFFFFFF;
	(pc) =	sbr.abs _section_cstart, $3  }
0xc0: {  	[dreg:$0x1] =	wrdreg $0xFFFFFFFF  }
0xc1: {  	_ =	task.clear_ibuf [dreg:s6], $0x2FFFF;
	_ =	strace $0x9FFFFFFF  }
0xc2: {  	(tm) =	ssettm $0x7FFFFFFF  }
0xc3: {  	_ =	shalt  }
tec
execute0_lowered:
.L_overlay_start_1:
0x0: {  	(tag) =	ssettag $0x1  }
0x1: {  	s0 =	srdreg.scid;
	s1 =	rddreg [dreg:$0x0]  }
0x2: {  	s8 =	stileid.u32;
	s2 =	rddreg [dreg:$0x1]  }
0x3: {  	s3 =	simm.s32 $0x0;
	s9 =	simm.s32 $0x1;
	s10 =	simm.s32 $0x80  }
0x4: {  	s11 =	simm.s32 $0x800;
	s12 =	simm.s32 $0x100;
	s13 =	simm.s32 $0x180  }
0x5: {  	s14 =	simm.s32 $0x200;
	s15 =	simm.s32 $0x280;
	s16 =	simm.s32 $0x300  }
0x6: {  	s17 =	simm.s32 $0x380;
	s18 =	simm.s32 $0x400;
	s19 =	simm.s32 $0x480  }
0x7: {  	s20 =	simm.s32 $0x500;
	s21 =	simm.s32 $0x580;
	s4 =	smul.u32 $0x5000, s8  }
0x8: {  	s28 =	simm.s32 $0x20;
	s29 =	simm.s32 $0x10;
	s22 =	smul.u32 $0x500, s8  }
0x9: {  	s30 =	simm.s32 $0x0;
	s0 =	sand.u32 $0x1, s0;
	s23 =	smul.u32 $0xA00, s8  }
0xa: {  	[smem:$0x7FF] =	sst s3;
	s31 =	sshll.u32 s8, $0x6;
	s5 =	smul.u32 $0x2800, s0  }
0xb: {  	_ =	strace $0x80000047;
	s6 =	sshll.u32 s0, $0x7;
	s0 =	ssub.s32 $0x2, s0  }
0xc: {  	s25 =	sshrl.u32 s0, $0x1;
	s26 =	sshrl.u32 s23, $0x2;
	s23 =	simm.s32 $0x680  }
0xd: {  	s4 =	sadd.s32 s5, s4;
	s5 =	sor.u32 s6, s22;
	s0 =	ssub.s32 s0, s25  }
0xe: {  	s22 =	simm.s32 $0x600;
	s25 =	sor.u32 $0x1C01, s31;
	s4 =	sshrl.u32 s4, $0x3  }
0xf: {  	s24 =	sshrl.u32 s5, $0x3;
	s6 =	smax.u32 s0, $0x1;
	s7 =	sadd.s32 s4, s1  }
0x10: {  	s1 =	sadd.s32 s24, s1;
	s4 =	sadd.s32 s26, s2;
	s24 =	simm.s32 $0x700  }
0x11: {  	v0 =	vimm.f32 $1.000000000e+00;
	v1 =	vimm.f32 $0.0e+00;
	s26 =	simm.s32 $0x780;
	s5 =	sadd.s32 $0x17C00, s1;
	s7 =	sadd.s32 $0x3C00, s7  }
.LBB2_1:
0x12: {  	[tilespmem:$0x800] =	vst v0  }
0x13: {  	[tilespmem:$0x810] =	vst v0  }
0x14: {  	[tilespmem:$0x820] =	vst v0  }
0x15: {  	[tilespmem:$0x830] =	vst v0  }
0x16: {  	[tilespmem:$0x840] =	vst v0  }
0x17: {  	[tilespmem:$0x850] =	vst v0  }
0x18: {  	[tilespmem:$0x860] =	vst v0  }
0x19: {  	[tilespmem:$0x870] =	vst v0  }
0x1a: {  	[tilespmem:$0x880] =	vst v1  }
0x1b: {  	[tilespmem:$0x890] =	vst v1  }
0x1c: {  	[tilespmem:$0x8A0] =	vst v1  }
0x1d: {  	[tilespmem:$0x8B0] =	vst v1  }
0x1e: {  	[tilespmem:$0x8C0] =	vst v1  }
0x1f: {  	[tilespmem:$0x8D0] =	vst v1  }
0x20: {  	[tilespmem:$0x8E0] =	vst v1  }
0x21: {  	[tilespmem:$0x8F0] =	vst v1  }
0x22: {  	[tilespmem:$0x900] =	vst v1  }
0x23: {  	[tilespmem:$0x910] =	vst v1  }
0x24: {  	[tilespmem:$0x920] =	vst v1  }
0x25: {  	[tilespmem:$0x930] =	vst v1  }
0x26: {  	[tilespmem:$0x940] =	vst v1  }
0x27: {  	[tilespmem:$0x950] =	vst v1  }
0x28: {  	[tilespmem:$0x960] =	vst v1  }
0x29: {  	[tilespmem:$0x970] =	vst v1  }
0x2a: {  	[tilespmem:$0x980] =	vst v1  }
0x2b: {  	[tilespmem:$0x990] =	vst v1  }
0x2c: {  	[tilespmem:$0x9A0] =	vst v1  }
0x2d: {  	[tilespmem:$0x9B0] =	vst v1  }
0x2e: {  	[tilespmem:$0x9C0] =	vst v1  }
0x2f: {  	[tilespmem:$0x9D0] =	vst v1  }
0x30: {  	[tilespmem:$0x9E0] =	vst v1  }
0x31: {  	[tilespmem:$0x9F0] =	vst v1  }
0x32: {  	[tilespmem:$0xA00] =	vst v1  }
0x33: {  	[tilespmem:$0xA10] =	vst v1  }
0x34: {  	[tilespmem:$0xA20] =	vst v1  }
0x35: {  	[tilespmem:$0xA30] =	vst v1  }
0x36: {  	[tilespmem:$0xA40] =	vst v1  }
0x37: {  	[tilespmem:$0xA50] =	vst v1  }
0x38: {  	[tilespmem:$0xA60] =	vst v1  }
0x39: {  	[tilespmem:$0xA70] =	vst v1  }
0x3a: {  	[tilespmem:$0xA80] =	vst v1  }
0x3b: {  	[tilespmem:$0xA90] =	vst v1  }
0x3c: {  	[tilespmem:$0xAA0] =	vst v1  }
0x3d: {  	[tilespmem:$0xAB0] =	vst v1  }
0x3e: {  	[tilespmem:$0xAC0] =	vst v1  }
0x3f: {  	[tilespmem:$0xAD0] =	vst v1  }
0x40: {  	[tilespmem:$0xAE0] =	vst v1  }
0x41: {  	[tilespmem:$0xAF0] =	vst v1;
	s0 =	simm.s32 $0x880  }
0x42: {  	[spmem:s4] =	stream.linear.scatter [tilespmem:s0], [sflag:$0x1], $0x280, $0x38;
	[tilespmem:$0xD80] =	vst v63  }
0x43: {  	_ =	swait.ge [sflag:s9], $0x280  }
0x44: {  	[sflag:s9] =	ssyncset.done $0x0  }
0x45: {  	[sflag:s9] =	ssyncadd.s32 $0xFFFFFD80  }
0x46: {  	s8 =	sadd.s32 $0x0, s7;
	[bflag:$0x0] =	sbarrier.arrive $0xFFFF  }
0x47: {  	[tilespmem:s3], [sflag:$0x1] =	stream.linear.gather [hbm4b:s8+s3], $0x800, $0x38;
	[tilespmem:$0xD80] =	vst v63  }
0x48: {  	_ =	swait.ge [sflag:s9], $0x800  }
0x49: {  	[sflag:s9] =	ssyncset.done $0x0  }
0x4a: {  	[sflag:s9] =	ssyncadd.s32 $0xFFFFF800  }
0x4b: {  	[spmem:s2] =	stream.indirect.scatter.add.f32 [tilespmem:s11], [sflag:$0x1], $0x1, s3, s10, $0xb8;
	[tilespmem:$0xD80] =	vst v63  }
0x4c: {  	_ =	swait.ge [sflag:s9], $0x80  }
0x4d: {  	[sflag:s9] =	ssyncset.done $0x0  }
0x4e: {  	[sflag:s9] =	ssyncadd.s32 $0xFFFFFF80  }
0x4f: {  	[spmem:s2] =	stream.indirect.scatter.add.f32 [tilespmem:s11], [sflag:$0x1], $0x1, s10, s10, $0xb8;
	[tilespmem:$0xD80] =	vst v63  }
0x50: {  	_ =	swait.ge [sflag:s9], $0x80  }
0x51: {  	[sflag:s9] =	ssyncset.done $0x0  }
0x52: {  	[sflag:s9] =	ssyncadd.s32 $0xFFFFFF80  }
0x53: {  	[spmem:s2] =	stream.indirect.scatter.add.f32 [tilespmem:s11], [sflag:$0x1], $0x1, s12, s10, $0xb8;
	[tilespmem:$0xD80] =	vst v63  }
0x54: {  	_ =	swait.ge [sflag:s9], $0x80  }
0x55: {  	[sflag:s9] =	ssyncset.done $0x0  }
0x56: {  	[sflag:s9] =	ssyncadd.s32 $0xFFFFFF80  }
0x57: {  	[spmem:s2] =	stream.indirect.scatter.add.f32 [tilespmem:s11], [sflag:$0x1], $0x1, s13, s10, $0xb8;
	[tilespmem:$0xD80] =	vst v63  }
0x58: {  	_ =	swait.ge [sflag:s9], $0x80  }
0x59: {  	[sflag:s9] =	ssyncset.done $0x0  }
0x5a: {  	[sflag:s9] =	ssyncadd.s32 $0xFFFFFF80  }
0x5b: {  	[spmem:s2] =	stream.indirect.scatter.add.f32 [tilespmem:s11], [sflag:$0x1], $0x1, s14, s10, $0xb8;
	[tilespmem:$0xD80] =	vst v63  }
0x5c: {  	_ =	swait.ge [sflag:s9], $0x80  }
0x5d: {  	[sflag:s9] =	ssyncset.done $0x0  }
0x5e: {  	[sflag:s9] =	ssyncadd.s32 $0xFFFFFF80  }
0x5f: {  	[spmem:s2] =	stream.indirect.scatter.add.f32 [tilespmem:s11], [sflag:$0x1], $0x1, s15, s10, $0xb8;
	[tilespmem:$0xD80] =	vst v63  }
0x60: {  	_ =	swait.ge [sflag:s9], $0x80  }
0x61: {  	[sflag:s9] =	ssyncset.done $0x0  }
0x62: {  	[sflag:s9] =	ssyncadd.s32 $0xFFFFFF80  }
0x63: {  	[spmem:s2] =	stream.indirect.scatter.add.f32 [tilespmem:s11], [sflag:$0x1], $0x1, s16, s10, $0xb8;
	[tilespmem:$0xD80] =	vst v63  }
0x64: {  	_ =	swait.ge [sflag:s9], $0x80  }
0x65: {  	[sflag:s9] =	ssyncset.done $0x0  }
0x66: {  	[sflag:s9] =	ssyncadd.s32 $0xFFFFFF80  }
0x67: {  	[spmem:s2] =	stream.indirect.scatter.add.f32 [tilespmem:s11], [sflag:$0x1], $0x1, s17, s10, $0xb8;
	[tilespmem:$0xD80] =	vst v63  }
0x68: {  	_ =	swait.ge [sflag:s9], $0x80  }
0x69: {  	[sflag:s9] =	ssyncset.done $0x0  }
0x6a: {  	[sflag:s9] =	ssyncadd.s32 $0xFFFFFF80  }
0x6b: {  	[spmem:s2] =	stream.indirect.scatter.add.f32 [tilespmem:s11], [sflag:$0x1], $0x1, s18, s10, $0xb8;
	[tilespmem:$0xD80] =	vst v63  }
0x6c: {  	_ =	swait.ge [sflag:s9], $0x80  }
0x6d: {  	[sflag:s9] =	ssyncset.done $0x0  }
0x6e: {  	[sflag:s9] =	ssyncadd.s32 $0xFFFFFF80  }
0x6f: {  	[spmem:s2] =	stream.indirect.scatter.add.f32 [tilespmem:s11], [sflag:$0x1], $0x1, s19, s10, $0xb8;
	[tilespmem:$0xD80] =	vst v63  }
0x70: {  	_ =	swait.ge [sflag:s9], $0x80  }
0x71: {  	[sflag:s9] =	ssyncset.done $0x0  }
0x72: {  	[sflag:s9] =	ssyncadd.s32 $0xFFFFFF80  }
0x73: {  	[spmem:s2] =	stream.indirect.scatter.add.f32 [tilespmem:s11], [sflag:$0x1], $0x1, s20, s10, $0xb8;
	[tilespmem:$0xD80] =	vst v63  }
0x74: {  	_ =	swait.ge [sflag:s9], $0x80  }
0x75: {  	[sflag:s9] =	ssyncset.done $0x0  }
0x76: {  	[sflag:s9] =	ssyncadd.s32 $0xFFFFFF80  }
0x77: {  	[spmem:s2] =	stream.indirect.scatter.add.f32 [tilespmem:s11], [sflag:$0x1], $0x1, s21, s10, $0xb8;
	[tilespmem:$0xD80] =	vst v63  }
0x78: {  	_ =	swait.ge [sflag:s9], $0x80  }
0x79: {  	[sflag:s9] =	ssyncset.done $0x0  }
0x7a: {  	[sflag:s9] =	ssyncadd.s32 $0xFFFFFF80  }
0x7b: {  	[spmem:s2] =	stream.indirect.scatter.add.f32 [tilespmem:s11], [sflag:$0x1], $0x1, s22, s10, $0xb8;
	[tilespmem:$0xD80] =	vst v63  }
0x7c: {  	_ =	swait.ge [sflag:s9], $0x80  }
0x7d: {  	[sflag:s9] =	ssyncset.done $0x0  }
0x7e: {  	[sflag:s9] =	ssyncadd.s32 $0xFFFFFF80  }
0x7f: {  	[spmem:s2] =	stream.indirect.scatter.add.f32 [tilespmem:s11], [sflag:$0x1], $0x1, s23, s10, $0xb8;
	[tilespmem:$0xD80] =	vst v63  }
0x80: {  	_ =	swait.ge [sflag:s9], $0x80  }
0x81: {  	[sflag:s9] =	ssyncset.done $0x0  }
0x82: {  	[sflag:s9] =	ssyncadd.s32 $0xFFFFFF80  }
0x83: {  	[spmem:s2] =	stream.indirect.scatter.add.f32 [tilespmem:s11], [sflag:$0x1], $0x1, s24, s10, $0xb8;
	[tilespmem:$0xD80] =	vst v63  }
0x84: {  	_ =	swait.ge [sflag:s9], $0x80  }
0x85: {  	[sflag:s9] =	ssyncset.done $0x0  }
0x86: {  	[sflag:s9] =	ssyncadd.s32 $0xFFFFFF80  }
0x87: {  	[spmem:s2] =	stream.indirect.scatter.add.f32 [tilespmem:s11], [sflag:$0x1], $0x1, s26, s10, $0xb8;
	[tilespmem:$0xD80] =	vst v63  }
0x88: {  	_ =	swait.ge [sflag:s9], $0x80  }
0x89: {  	s31 =	simm.s32 $0x100;
	s1 =	simm.s32 $0x200;
	[sflag:s9] =	ssyncset.done $0x0  }
.LBB2_2:
0x8a: {  	s8 =	sadd.s32 s31, s7  }
0x8b: {  	[sflag:s9] =	ssyncadd.s32 $0xFFFFFF80;
	s31 =	smov.u32 s1;
	s0 =	sadd.s32 $0x100, s1  }
0x8c: {  	[tilespmem:s3], [sflag:$0x1] =	stream.linear.gather [hbm4b:s8+s3], $0x800, $0x38;
	[tilespmem:$0xD80] =	vst v63  }
0x8d: {  	p0 =	sne.s32 s1, $0x400;
	_ =	swait.ge [sflag:s9], $0x800  }
0x8e: {  	[sflag:s9] =	ssyncset.done $0x0  }
0x8f: {  	[sflag:s9] =	ssyncadd.s32 $0xFFFFF800  }
0x90: {  	[spmem:s2] =	stream.indirect.scatter.add.f32 [tilespmem:s11], [sflag:$0x1], $0x1, s3, s10, $0xb8;
	[tilespmem:$0xD80] =	vst v63  }
0x91: {  	_ =	swait.ge [sflag:s9], $0x80  }
0x92: {  	[sflag:s9] =	ssyncset.done $0x0  }
0x93: {  	[sflag:s9] =	ssyncadd.s32 $0xFFFFFF80  }
0x94: {  	[spmem:s2] =	stream.indirect.scatter.add.f32 [tilespmem:s11], [sflag:$0x1], $0x1, s10, s10, $0xb8;
	[tilespmem:$0xD80] =	vst v63  }
0x95: {  	_ =	swait.ge [sflag:s9], $0x80  }
0x96: {  	[sflag:s9] =	ssyncset.done $0x0  }
0x97: {  	[sflag:s9] =	ssyncadd.s32 $0xFFFFFF80  }
0x98: {  	[spmem:s2] =	stream.indirect.scatter.add.f32 [tilespmem:s11], [sflag:$0x1], $0x1, s12, s10, $0xb8;
	[tilespmem:$0xD80] =	vst v63  }
0x99: {  	_ =	swait.ge [sflag:s9], $0x80  }
0x9a: {  	[sflag:s9] =	ssyncset.done $0x0  }
0x9b: {  	[sflag:s9] =	ssyncadd.s32 $0xFFFFFF80  }
0x9c: {  	[spmem:s2] =	stream.indirect.scatter.add.f32 [tilespmem:s11], [sflag:$0x1], $0x1, s13, s10, $0xb8;
	[tilespmem:$0xD80] =	vst v63  }
0x9d: {  	_ =	swait.ge [sflag:s9], $0x80  }
0x9e: {  	[sflag:s9] =	ssyncset.done $0x0  }
0x9f: {  	[sflag:s9] =	ssyncadd.s32 $0xFFFFFF80  }
0xa0: {  	[spmem:s2] =	stream.indirect.scatter.add.f32 [tilespmem:s11], [sflag:$0x1], $0x1, s14, s10, $0xb8;
	[tilespmem:$0xD80] =	vst v63  }
0xa1: {  	_ =	swait.ge [sflag:s9], $0x80  }
0xa2: {  	[sflag:s9] =	ssyncset.done $0x0  }
0xa3: {  	[sflag:s9] =	ssyncadd.s32 $0xFFFFFF80  }
0xa4: {  	[spmem:s2] =	stream.indirect.scatter.add.f32 [tilespmem:s11], [sflag:$0x1], $0x1, s15, s10, $0xb8;
	[tilespmem:$0xD80] =	vst v63  }
0xa5: {  	_ =	swait.ge [sflag:s9], $0x80  }
0xa6: {  	[sflag:s9] =	ssyncset.done $0x0  }
0xa7: {  	[sflag:s9] =	ssyncadd.s32 $0xFFFFFF80  }
0xa8: {  	[spmem:s2] =	stream.indirect.scatter.add.f32 [tilespmem:s11], [sflag:$0x1], $0x1, s16, s10, $0xb8;
	[tilespmem:$0xD80] =	vst v63  }
0xa9: {  	_ =	swait.ge [sflag:s9], $0x80  }
0xaa: {  	[sflag:s9] =	ssyncset.done $0x0  }
0xab: {  	[sflag:s9] =	ssyncadd.s32 $0xFFFFFF80  }
0xac: {  	[spmem:s2] =	stream.indirect.scatter.add.f32 [tilespmem:s11], [sflag:$0x1], $0x1, s17, s10, $0xb8;
	[tilespmem:$0xD80] =	vst v63  }
0xad: {  	_ =	swait.ge [sflag:s9], $0x80  }
0xae: {  	[sflag:s9] =	ssyncset.done $0x0  }
0xaf: {  	[sflag:s9] =	ssyncadd.s32 $0xFFFFFF80  }
0xb0: {  	[spmem:s2] =	stream.indirect.scatter.add.f32 [tilespmem:s11], [sflag:$0x1], $0x1, s18, s10, $0xb8;
	[tilespmem:$0xD80] =	vst v63  }
0xb1: {  	_ =	swait.ge [sflag:s9], $0x80  }
0xb2: {  	[sflag:s9] =	ssyncset.done $0x0  }
0xb3: {  	[sflag:s9] =	ssyncadd.s32 $0xFFFFFF80  }
0xb4: {  	[spmem:s2] =	stream.indirect.scatter.add.f32 [tilespmem:s11], [sflag:$0x1], $0x1, s19, s10, $0xb8;
	[tilespmem:$0xD80] =	vst v63  }
0xb5: {  	_ =	swait.ge [sflag:s9], $0x80  }
0xb6: {  	[sflag:s9] =	ssyncset.done $0x0  }
0xb7: {  	[sflag:s9] =	ssyncadd.s32 $0xFFFFFF80  }
0xb8: {  	[spmem:s2] =	stream.indirect.scatter.add.f32 [tilespmem:s11], [sflag:$0x1], $0x1, s20, s10, $0xb8;
	[tilespmem:$0xD80] =	vst v63  }
0xb9: {  	_ =	swait.ge [sflag:s9], $0x80  }
0xba: {  	[sflag:s9] =	ssyncset.done $0x0  }
0xbb: {  	[sflag:s9] =	ssyncadd.s32 $0xFFFFFF80  }
0xbc: {  	[spmem:s2] =	stream.indirect.scatter.add.f32 [tilespmem:s11], [sflag:$0x1], $0x1, s21, s10, $0xb8;
	[tilespmem:$0xD80] =	vst v63  }
0xbd: {  	_ =	swait.ge [sflag:s9], $0x80  }
0xbe: {  	[sflag:s9] =	ssyncset.done $0x0  }
0xbf: {  	[sflag:s9] =	ssyncadd.s32 $0xFFFFFF80  }
0xc0: {  	[spmem:s2] =	stream.indirect.scatter.add.f32 [tilespmem:s11], [sflag:$0x1], $0x1, s22, s10, $0xb8;
	[tilespmem:$0xD80] =	vst v63  }
0xc1: {  	_ =	swait.ge [sflag:s9], $0x80  }
0xc2: {  	[sflag:s9] =	ssyncset.done $0x0  }
0xc3: {  	[sflag:s9] =	ssyncadd.s32 $0xFFFFFF80  }
0xc4: {  	[spmem:s2] =	stream.indirect.scatter.add.f32 [tilespmem:s11], [sflag:$0x1], $0x1, s23, s10, $0xb8;
	[tilespmem:$0xD80] =	vst v63  }
0xc5: {  	_ =	swait.ge [sflag:s9], $0x80  }
0xc6: {  	[sflag:s9] =	ssyncset.done $0x0  }
0xc7: {  	[sflag:s9] =	ssyncadd.s32 $0xFFFFFF80  }
0xc8: {  	[spmem:s2] =	stream.indirect.scatter.add.f32 [tilespmem:s11], [sflag:$0x1], $0x1, s24, s10, $0xb8;
	[tilespmem:$0xD80] =	vst v63  }
0xc9: {  	_ =	swait.ge [sflag:s9], $0x80  }
.Ltmp0:
0xca: {  	[sflag:s9] =	ssyncset.done $0x0;
	(pc) =	sbr.rel @p0 .LBB2_2-.Ltmp0, $4  }
0xcb: {  	[sflag:s9] =	ssyncadd.s32 $0xFFFFFF80  }
0xcc: {  	[spmem:s2] =	stream.indirect.scatter.add.f32 [tilespmem:s11], [sflag:$0x1], $0x1, s26, s10, $0xb8;
	[tilespmem:$0xD80] =	vst v63  }
0xcd: {  	_ =	swait.ge [sflag:s9], $0x80  }
0xce: {  	s1 =	smov.u32 s0;
	[sflag:s9] =	ssyncset.done $0x0  }
0xcf: {  	s0 =	sadd.s32 s31, s7;
	[sflag:s9] =	ssyncadd.s32 $0xFFFFFF80  }
0xd0: {  	[tilespmem:s3], [sflag:$0x1] =	stream.linear.gather [hbm4b:s0+s3], $0x800, $0x38;
	[tilespmem:$0xD80] =	vst v63  }
0xd1: {  	_ =	swait.ge [sflag:s9], $0x800  }
0xd2: {  	[sflag:s9] =	ssyncset.done $0x0  }
0xd3: {  	[sflag:s9] =	ssyncadd.s32 $0xFFFFF800  }
0xd4: {  	[spmem:s2] =	stream.indirect.scatter.add.f32 [tilespmem:s11], [sflag:$0x1], $0x1, s3, s10, $0xb8;
	[tilespmem:$0xD80] =	vst v63  }
0xd5: {  	_ =	swait.ge [sflag:s9], $0x80  }
0xd6: {  	[sflag:s9] =	ssyncset.done $0x0  }
0xd7: {  	[sflag:s9] =	ssyncadd.s32 $0xFFFFFF80  }
0xd8: {  	[spmem:s2] =	stream.indirect.scatter.add.f32 [tilespmem:s11], [sflag:$0x1], $0x1, s10, s10, $0xb8;
	[tilespmem:$0xD80] =	vst v63  }
0xd9: {  	_ =	swait.ge [sflag:s9], $0x80  }
0xda: {  	[sflag:s9] =	ssyncset.done $0x0  }
0xdb: {  	[sflag:s9] =	ssyncadd.s32 $0xFFFFFF80  }
0xdc: {  	[spmem:s2] =	stream.indirect.scatter.add.f32 [tilespmem:s11], [sflag:$0x1], $0x1, s12, s10, $0xb8;
	[tilespmem:$0xD80] =	vst v63  }
0xdd: {  	_ =	swait.ge [sflag:s9], $0x80  }
0xde: {  	[sflag:s9] =	ssyncset.done $0x0  }
0xdf: {  	[sflag:s9] =	ssyncadd.s32 $0xFFFFFF80  }
0xe0: {  	[spmem:s2] =	stream.indirect.scatter.add.f32 [tilespmem:s11], [sflag:$0x1], $0x1, s13, s10, $0xb8;
	[tilespmem:$0xD80] =	vst v63  }
0xe1: {  	_ =	swait.ge [sflag:s9], $0x80  }
0xe2: {  	[sflag:s9] =	ssyncset.done $0x0  }
0xe3: {  	[sflag:s9] =	ssyncadd.s32 $0xFFFFFF80  }
0xe4: {  	[spmem:s2] =	stream.indirect.scatter.add.f32 [tilespmem:s11], [sflag:$0x1], $0x1, s14, s10, $0xb8;
	[tilespmem:$0xD80] =	vst v63  }
0xe5: {  	_ =	swait.ge [sflag:s9], $0x80  }
0xe6: {  	[sflag:s9] =	ssyncset.done $0x0  }
0xe7: {  	[sflag:s9] =	ssyncadd.s32 $0xFFFFFF80  }
0xe8: {  	[spmem:s2] =	stream.indirect.scatter.add.f32 [tilespmem:s11], [sflag:$0x1], $0x1, s15, s10, $0xb8;
	[tilespmem:$0xD80] =	vst v63  }
0xe9: {  	_ =	swait.ge [sflag:s9], $0x80  }
0xea: {  	[sflag:s9] =	ssyncset.done $0x0  }
0xeb: {  	[sflag:s9] =	ssyncadd.s32 $0xFFFFFF80  }
0xec: {  	[spmem:s2] =	stream.indirect.scatter.add.f32 [tilespmem:s11], [sflag:$0x1], $0x1, s16, s10, $0xb8;
	[tilespmem:$0xD80] =	vst v63  }
0xed: {  	_ =	swait.ge [sflag:s9], $0x80  }
0xee: {  	[sflag:s9] =	ssyncset.done $0x0  }
0xef: {  	[sflag:s9] =	ssyncadd.s32 $0xFFFFFF80  }
0xf0: {  	[spmem:s2] =	stream.indirect.scatter.add.f32 [tilespmem:s11], [sflag:$0x1], $0x1, s17, s10, $0xb8;
	[tilespmem:$0xD80] =	vst v63  }
0xf1: {  	_ =	swait.ge [sflag:s9], $0x80  }
0xf2: {  	[sflag:s9] =	ssyncset.done $0x0  }
0xf3: {  	[sflag:s9] =	ssyncadd.s32 $0xFFFFFF80  }
0xf4: {  	[spmem:s2] =	stream.indirect.scatter.add.f32 [tilespmem:s11], [sflag:$0x1], $0x1, s18, s10, $0xb8;
	[tilespmem:$0xD80] =	vst v63  }
0xf5: {  	_ =	swait.ge [sflag:s9], $0x80  }
0xf6: {  	[sflag:s9] =	ssyncset.done $0x0  }
0xf7: {  	[sflag:s9] =	ssyncadd.s32 $0xFFFFFF80  }
0xf8: {  	[spmem:s2] =	stream.indirect.scatter.add.f32 [tilespmem:s11], [sflag:$0x1], $0x1, s19, s10, $0xb8;
	[tilespmem:$0xD80] =	vst v63  }
0xf9: {  	_ =	swait.ge [sflag:s9], $0x80  }
0xfa: {  	[sflag:s9] =	ssyncset.done $0x0  }
0xfb: {  	[sflag:s9] =	ssyncadd.s32 $0xFFFFFF80  }
0xfc: {  	[spmem:s2] =	stream.indirect.scatter.add.f32 [tilespmem:s11], [sflag:$0x1], $0x1, s20, s10, $0xb8;
	[tilespmem:$0xD80] =	vst v63  }
0xfd: {  	_ =	swait.ge [sflag:s9], $0x80  }
0xfe: {  	[sflag:s9] =	ssyncset.done $0x0  }
0xff: {  	[sflag:s9] =	ssyncadd.s32 $0xFFFFFF80  }
0x100: {  	[spmem:s2] =	stream.indirect.scatter.add.f32 [tilespmem:s11], [sflag:$0x1], $0x1, s21, s10, $0xb8;
	[tilespmem:$0xD80] =	vst v63  }
0x101: {  	_ =	swait.ge [sflag:s9], $0x80  }
0x102: {  	[sflag:s9] =	ssyncset.done $0x0  }
0x103: {  	[sflag:s9] =	ssyncadd.s32 $0xFFFFFF80  }
0x104: {  	[spmem:s2] =	stream.indirect.scatter.add.f32 [tilespmem:s11], [sflag:$0x1], $0x1, s22, s10, $0xb8;
	[tilespmem:$0xD80] =	vst v63  }
0x105: {  	_ =	swait.ge [sflag:s9], $0x80  }
0x106: {  	[sflag:s9] =	ssyncset.done $0x0  }
0x107: {  	[sflag:s9] =	ssyncadd.s32 $0xFFFFFF80  }
0x108: {  	[spmem:s2] =	stream.indirect.scatter.add.f32 [tilespmem:s11], [sflag:$0x1], $0x1, s23, s10, $0xb8;
	[tilespmem:$0xD80] =	vst v63  }
0x109: {  	_ =	swait.ge [sflag:s9], $0x80  }
0x10a: {  	[sflag:s9] =	ssyncset.done $0x0  }
0x10b: {  	[sflag:s9] =	ssyncadd.s32 $0xFFFFFF80  }
0x10c: {  	[spmem:s2] =	stream.indirect.scatter.add.f32 [tilespmem:s11], [sflag:$0x1], $0x1, s24, s10, $0xb8;
	[tilespmem:$0xD80] =	vst v63  }
0x10d: {  	_ =	swait.ge [sflag:s9], $0x80  }
0x10e: {  	[sflag:s9] =	ssyncset.done $0x0  }
0x10f: {  	[sflag:s9] =	ssyncadd.s32 $0xFFFFFF80  }
0x110: {  	[spmem:s2] =	stream.indirect.scatter.add.f32 [tilespmem:s11], [sflag:$0x1], $0x1, s26, s10, $0xb8;
	[tilespmem:$0xD80] =	vst v63  }
0x111: {  	_ =	swait.ge [sflag:s9], $0x80  }
0x112: {  	s30 =	sadd.s32 $0x1, s30;
	[sflag:s9] =	ssyncset.done $0x0  }
0x113: {  	p0 =	sne.s32 s30, s6;
	[sflag:s9] =	ssyncadd.s32 $0xFFFFFF80  }
.Ltmp1:
0x114: {  	s31 =	sshrl.u32 s4, $0x3;
	[bflag:$0x0] =	sbarrier.arrive $0xFFFF;
	(pc) =	sbr.rel @p0 .LBB2_1-.Ltmp1, $4  }
0x115: {  	[hbm:s5@s28], [sflag:s25] =	dma.strided [spmem:s31@s29], $0x50, s9, $0x10   }
0x116: {  	_ =	swait.ge [sflag:s9], $0x50  }
0x117: {  	[sflag:s9] =	ssyncset.done $0x0  }
0x118: {  	[sflag:s9] =	ssyncadd.s32 $0xFFFFFFB0  }
0x119: {  	_ =	sfence.sel $0x180000  }
0x11a: {  	[bflag:$0x0] =	sbarrier.arrive $0xFFFF  }
0x11b: {  	_ =	strace $0x90000047  }
0x11c: {  	s0 =	stileid.u32;
	[bflag:$0x2] =	sbarrier.arrive $0xFFFF  }
0x11d: {  	p0 =	sne.s32 s0, $0x0;
	s0 =	rddreg [dreg:$0x2]  }
0x11e: {  	s0 =	sadd.s32 @!p0 $0x100000, s0  }
0x11f: {  	[sflag:s0] =	ssyncadd.tile.s32 @!p0 $0x1;
	_ =	shalt  }
.Lfunc_end2:
_tile_overlayer_lowered:
.L_overlay_start_2:
0x120: {  	(tag) =	ssettag $0x2  }
0x121: {  	s0 =	rddreg [dreg:$0x0];
	s2 =	stileid.u32  }
0x122: {  	s1 =	rddreg [dreg:$0x1];
	p0 =	sne.s32 s2, $0x0  }
0x123: {  	s3 =	rddreg [dreg:$0x2];
	[bflag:$0x3] =	sbarrier.arrive $0xFFFF;
	s2 =	simm.s32 @!p0 $0x1C01  }
0x124: {  	[timem:s3], [sflag:s2] =	dma.local @!p0 [hbm:s0], s1  }
0x125: {  	s0 =	simm.s32 @!p0 $0x1  }
0x126: {  	_ =	swait.ge @!p0 [sflag:s0], s1  }
0x127: {  	s1 =	ssub.s32 @!p0 $0x0, s1;
	[sflag:s0] =	ssyncset.done @!p0 $0x0  }
0x128: {  	[sflag:s0] =	ssyncadd.s32 @!p0 s1  }
0x129: {  	[bflag:$0x3] =	sbarrier.arrive $0xFFFF  }
0x12a: {  	_ =	shalt  }

// kernel: kernel.13.cloned.1.call-start
scs
__scs_entry_jumppad:
0x0: {  	(pc) =	sbr.rel $0x88, $3  }
0x1: {  	(tag) =	ssettag $0x0;
	lr =	simm.s32 $0x1  }
0x2: {  	[smem:$0x3F92] =	sst lr;
	_ =	strace $0xD0000000  }
0x3: {  	_ = 	snop  }
0x4: {  	_ = 	snop  }
0x5: {  	_ = 	snop  }
0x6: {  	_ = 	snop  }
0x7: {  	_ = 	snop  }
__scs_overlays_trampoline_lowered:
0x8: {  	[smem:$0x3FA1] =	sst s0  }
0x9: {  	[smem:$0x3FA2] =	sst s1  }
0xa: {  	[smem:$0x3FA3] =	sst s2  }
0xb: {  	[smem:$0x3FA4] =	sst s3  }
0xc: {  	[smem:$0x3FA5] =	sst s4  }
0xd: {  	[smem:$0x3FA6] =	sst s5  }
0xe: {  	[smem:$0x3FA7] =	sst s6  }
0xf: {  	[smem:$0x3FA8] =	sst s7  }
0x10: {  	[smem:$0x3FA9] =	sst s8  }
0x11: {  	[smem:$0x3FAA] =	sst s9;
	s0 =	simm.s32 @!p0 $0x0  }
0x12: {  	s1 =	sld [smem:$0x3F90];
	s0 =	simm.s32 @p0 $0x1  }
0x13: {  	[smem:$0x3FAB] =	sst s0;
	s0 =	simm.s32 @!p1 $0x0  }
0x14: {  	s2 =	sld [smem:$0x3F8F];
	s0 =	simm.s32 @p1 $0x1  }
0x15: {  	[smem:$0x3FAC] =	sst s0;
	s0 =	simm.s32 @!p2 $0x0  }
0x16: {  	s3 =	sld [smem:$0x3FDB];
	s0 =	simm.s32 @p2 $0x1  }
0x17: {  	s4 =	simm.s32 $0x1BF5;
	[smem:$0x3FAE] =	sst s0  }
0x18: {  	s0 =	sld [smem:$0x3F91];
	_ =	swait.ge [sflag:s4], $0x0  }
0x19: {  	s7 =	sld [smem:$0x3F92]  }
0x1a: {  	s8 =	sadd.s32 $0xFFFFE003, lr  }
0x1b: {  	s9 =	sadd.s32 $0xFFFFFEF7, lr;
	s5 =	simm.s32 $0xFFFFFFFF;
	p2 =	slt.u32 s8, $0xFFFFF086  }
0x1c: {  	p1 =	slt.u32 s9, $0xF7A;
	s5 =	simm.s32 @!p2 $0x0  }
0x1d: {  	s5 =	simm.s32 @p1 $0x1;
	p0 =	seq.s32 s7, s2  }
0x1e: {  	s7 =	smul.u32 @!p0 $0xF7A, s2;
	p2 =	seq.s32 @!p0 s5, $0x0  }
0x1f: {  	s9 =	smul.u32 $0xF7A, s1;
	s8 =	simm.s32 @!p0 $0x1BF5;
	p2 =	por !p2, p0  }
0x20: {  	[sflag:s8] =	ssyncset.s32 @!p0 $0xFFFFF086;
	s6 =	sadd.s32 @!p0 s3, s7;
	s7 =	simm.s32 @!p0 $0x108  }
0x21: {  	s3 =	sadd.s32 s3, s9;
	s6 =	sadd.s32 @!p0 $0x88, s6;
	s7 =	simm.s32 @p2 $0x1082  }
0x22: {  	[simem:s7], [sflag:s8] =	dma.local @!p0 [hbm:s6], $0xF7A  }
0x23: {  	s9 =	sor.u32 $0xD0000000, s2;
	s6 =	simm.s32 $0x108;
	_ =	swait.ge @!p0 [sflag:s8], $0x0  }
0x24: {  	s3 =	sadd.s32 $0x88, s3;
	s6 =	simm.s32 @!p1 $0x1082;
	[sflag:s4] =	ssyncset.s32 $0xFFFFF086  }
0x25: {  	[simem:s6], [sflag:s4] =	dma.local [hbm:s3], $0xF7A  }
0x26: {  	[smem:$0x3F92] =	sst s1;
	(tag) =	ssettag s2;
	_ =	strace s9  }
0x27: {  	s1 =	sld [smem:$0x3FA2]  }
0x28: {  	s2 =	sld [smem:$0x3FA3]  }
0x29: {  	s4 =	sld [smem:$0x3FA5]  }
0x2a: {  	p0 =	seq.s32 s5, $0x0;
	s5 =	sld [smem:$0x3FA6]  }
0x2b: {  	s6 =	sld [smem:$0x3FA7]  }
0x2c: {  	s7 =	sld [smem:$0x3FA8]  }
0x2d: {  	s3 =	simm.s32 $0x108;
	s8 =	sld [smem:$0x3FA9]  }
0x2e: {  	s3 =	simm.s32 @!p0 $0x1082;
	s9 =	sld [smem:$0x3FAA]  }
0x2f: {  	lr =	sadd.s32 s0, s3;
	s0 =	sld [smem:$0x3FA1]  }
0x30: {  	s3 =	sld [smem:$0x3FA4]  }
0x31: {  	[smem:$0x3FAD] =	sst s10  }
0x32: {  	s10 =	sld [smem:$0x3FAB];
	_ =	sdelay $0x3  }
0x33: {  	p0 =	seq.s32 s10, $0x1;
	s10 =	sld [smem:$0x3FAD];
	_ =	sdelay $0x3  }
0x34: {  	[smem:$0x3FAD] =	sst s10  }
0x35: {  	s10 =	sld [smem:$0x3FAC];
	_ =	sdelay $0x3  }
0x36: {  	p1 =	seq.s32 s10, $0x1;
	s10 =	sld [smem:$0x3FAD];
	_ =	sdelay $0x3  }
0x37: {  	[smem:$0x3FAD] =	sst s10  }
0x38: {  	s10 =	sld [smem:$0x3FAE]  }
0x39: {  	_ = 	snop;
	(pc) =	sbr.ind lr, $3  }
0x3a: {  	_ = 	snop  }
0x3b: {  	_ = 	snop  }
0x3c: {  	p2 =	seq.s32 s10, $0x1;
	s10 =	sld [smem:$0x3FAD]  }
0x3d: {  	_ =	shalt  }
0x3e: {  	_ =	shalt  }
0x3f: {  	_ =	shalt  }
0x40: {  	_ =	shalt  }
0x41: {  	_ =	shalt  }
0x42: {  	_ =	shalt  }
0x43: {  	_ =	shalt  }
0x44: {  	_ =	shalt  }
0x45: {  	_ =	shalt  }
0x46: {  	_ =	shalt  }
0x47: {  	_ =	shalt  }
0x48: {  	_ =	shalt  }
0x49: {  	_ =	shalt  }
0x4a: {  	_ =	shalt  }
0x4b: {  	_ =	shalt  }
0x4c: {  	_ =	shalt  }
0x4d: {  	_ =	shalt  }
0x4e: {  	_ =	shalt  }
0x4f: {  	_ =	shalt  }
0x50: {  	_ =	shalt  }
0x51: {  	_ =	shalt  }
0x52: {  	_ =	shalt  }
0x53: {  	_ =	shalt  }
0x54: {  	_ =	shalt  }
0x55: {  	_ =	shalt  }
0x56: {  	_ =	shalt  }
0x57: {  	_ =	shalt  }
0x58: {  	_ =	shalt  }
0x59: {  	_ =	shalt  }
0x5a: {  	_ =	shalt  }
0x5b: {  	_ =	shalt  }
0x5c: {  	_ =	shalt  }
0x5d: {  	_ =	shalt  }
0x5e: {  	_ =	shalt  }
0x5f: {  	_ =	shalt  }
0x60: {  	_ =	shalt  }
0x61: {  	_ =	shalt  }
0x62: {  	_ =	shalt  }
0x63: {  	_ =	shalt  }
0x64: {  	_ =	shalt  }
0x65: {  	_ =	shalt  }
0x66: {  	_ =	shalt  }
0x67: {  	_ =	shalt  }
0x68: {  	_ =	shalt  }
0x69: {  	_ =	shalt  }
0x6a: {  	_ =	shalt  }
0x6b: {  	_ =	shalt  }
0x6c: {  	_ =	shalt  }
0x6d: {  	_ =	shalt  }
0x6e: {  	_ =	shalt  }
0x6f: {  	_ =	shalt  }
0x70: {  	_ =	shalt  }
0x71: {  	_ =	shalt  }
0x72: {  	_ =	shalt  }
0x73: {  	_ =	shalt  }
0x74: {  	_ =	shalt  }
0x75: {  	_ =	shalt  }
0x76: {  	_ =	shalt  }
0x77: {  	_ =	shalt  }
0x78: {  	_ =	shalt  }
0x79: {  	_ =	shalt  }
0x7a: {  	_ =	shalt  }
0x7b: {  	_ =	shalt  }
0x7c: {  	_ =	shalt  }
0x7d: {  	_ =	shalt  }
0x7e: {  	_ =	shalt  }
0x7f: {  	_ =	shalt  }
0x80: {  	_ =	shalt  }
0x81: {  	_ =	shalt  }
0x82: {  	_ =	shalt  }
0x83: {  	_ =	shalt  }
0x84: {  	_ =	shalt  }
0x85: {  	_ =	shalt  }
0x86: {  	_ =	shalt  }
0x87: {  	_ =	shalt  }
.Lfunc_end0:
.L_simem_size_0:
called_computation.1_lowered:
.L_overlay_start_0:
0x88: {  	s2 =	sld [smem:$0x3FD9]  }
0x89: {  	s3 =	sld [smem:$0x3FFE];
	_ =	sdelay $0x1  }
0x8a: {  	s1 =	srdreg.scid  }
0x8b: {  	s0 =	sand.u32 $0x1, s1  }
0x8c: {  	s17 =	sshll.u32 s0, $0xA;
	s2 =	sadd.s32 s3, s2  }
0x8d: {  	s2 =	sadd.s32 s2, s17  }
0x8e: {  	[smem:$0x3FB9] =	sst s2  }
0x8f: {  	_ = 	snop  }
0x90: {  	(tm) =	ssettm $0x1  }
0x91: {  	s18 =	sld [smem:$0x3FFB];
	_ =	sdelay $0x3  }
0x92: {  	_ =	strace s18  }
0x93: {  	s2 =	sld [smem:$0x3FFC];
	_ =	sdelay $0x3  }
0x94: {  	_ =	strace s2  }
0x95: {  	s2 =	sld [smem:$0x3FFD];
	_ =	sdelay $0x3  }
0x96: {  	_ =	strace s2  }
0x97: {  	_ =	strace $0x8FFFFFFF  }
0x98: {  	s19 =	sld [smem:$0x3FDB];
	_ =	sdelay $0x1  }
0x99: {  	s20 =	simm.s32 $_scs_section_size  }
0x9a: {  	s4 =	simm.s32 $_size__tile_overlayer_lowered;
	s5 =	simm.s32 $_tile_overlayer_lowered  }
0x9b: {  	s6 =	simm.s32 $0x1BFF;
	s21 =	sshll.u32 s5, $0x1;
	s3 =	sadd.s32 s20, s19  }
0x9c: {  	s22 =	simm.s32 $0x0;
	s4 =	sshll.u32 s4, $0x1;
	s5 =	sadd.s32 s21, s3  }
0x9d: {  	[timem:s22], [sflag:s6] =	dma.local [hbm:s5], s4  }
0x9e: {  	_ =	swait.ge [sflag:s6], s4  }
0x9f: {  	s4 =	ssub.s32 $0x0, s4;
	[sflag:s6] =	ssyncset.done $0x0  }
0xa0: {  	[sflag:s6] =	ssyncadd.s32 s4;
	_ =	sdelay $0x1  }
0xa1: {  	s23 =	simm.s32 $0x1B8B  }
0xa2: {  	_ =	swait.ge [sflag:s23], $0x1  }
0xa3: {  	[sflag:s23] =	ssyncset.done $0x0  }
0xa4: {  	[sflag:s23] =	ssyncadd.s32 $0xFFFFFFFF  }
0xa5: {  	s4 =	sld [smem:$0x0]  }
0xa6: {  	s5 =	sand.u32 $0xFFFFFFFE, s1  }
0xa7: {  	p0 =	sne.s32 s1, s5  }
0xa8: {  	s5 =	sshll.u32 @p0 s5, $0xE  }
0xa9: {  	s5 =	sadd.s32 @p0 $0x11B8D, s5;
	s6 =	sshll.u32 @p0 s4, $0x11  }
0xaa: {  	s5 =	sor.u32 @p0 s6, s5  }
0xab: {  	[sflag:s5] =	ssyncadd.remote.s32 @p0 $0x1;
	_ =	sdelay $0x1  }
0xac: {  	s5 =	simm.s32 @p0 $0x1B8D  }
0xad: {  	_ =	swait.eq @p0 [sflag:s5], $0x1  }
0xae: {  	[sflag:s5] =	ssyncadd.s32 @p0 $0xFFFFFFFF  }
0xaf: {  	s6 =	sshll.u32 @!p0 s1, $0xE  }
0xb0: {  	s6 =	sor.u32 @!p0 $0x4000, s6;
	s5 =	simm.s32 @!p0 $0x1B8D  }
0xb1: {  	s4 =	sshll.u32 @!p0 s4, $0x11;
	s6 =	sadd.s32 @!p0 $0x11B8D, s6;
	_ =	swait.eq @!p0 [sflag:s5], $0x1  }
0xb2: {  	s4 =	sor.u32 @!p0 s4, s6;
	[sflag:s5] =	ssyncadd.s32 @!p0 $0xFFFFFFFF  }
0xb3: {  	s25 =	simm.s32 $0x1B8E;
	s24 =	sld [smem:$0x3FFE];
	[sflag:s4] =	ssyncadd.remote.s32 @!p0 $0x1  }
0xb4: {  	s26 =	simm.s32 $execute0_lowered;
	[smem:$0x3FD2] =	sst s25  }
0xb5: {  	s5 =	sshll.u32 s26, $0x1;
	_ =	strace $0x8000004C;
	[dreg:$0x1] =	wrdreg $0xFFFFFFFF  }
0xb6: {  	s28 =	simm.s32 $_size_execute0_lowered;
	s3 =	sadd.s32 s3, s5;
	[dreg:$0x0] =	wrdreg $0x0  }
0xb7: {  	s5 =	sshll.u32 s28, $0x1;
	[dreg:$0x2] =	wrdreg s3  }
0xb8: {  	[dreg:$0x3] =	wrdreg s5  }
0xb9: {  	[dreg:$0x4] =	wrdreg $0xC0  }
0xba: {  	_ =	task [dreg:s22], $0x5FFFF  }
0xbb: {  	[dreg:$0x1] =	wrdreg $0xFFFFFFFF  }
0xbc: {  	[dreg:$0x0] =	wrdreg $0x60  }
0xbd: {  	[dreg:$0x2] =	wrdreg s24  }
0xbe: {  	[dreg:$0x3] =	wrdreg $0x13000  }
0xbf: {  	[dreg:$0x4] =	wrdreg $0x9  }
0xc0: {  	_ =	task.clear_ibuf [dreg:s22], $0x5FFFF;
	_ =	strace $0x9000004C  }
0xc1: {  	s29 =	simm.s32 $0x9;
	_ =	strace $0x8000004E  }
0xc2: {  	_ =	swait.ge [sflag:s29], $0x1  }
0xc3: {  	[sflag:s29] =	ssyncadd.s32 $0xFFFFFFFF  }
0xc4: {  	_ =	strace $0x9000004E  }
0xc5: {  	_ =	sfence  }
0xc6: {  	s30 =	sld [smem:$0x0];
	_ =	sdelay $0x2  }
0xc7: {  	s31 =	sshll.u32 s1, $0xD;
	s1 =	sshrl.u32 s1, $0x2  }
0xc8: {  	s4 =	sand.u32 $0x4000, s31;
	s1 =	sadd.s32 s1, s30  }
0xc9: {  	s0 =	sor.u32 s4, s0;
	s1 =	sshll.u32 s1, $0x11  }
0xca: {  	s0 =	sor.u32 s1, s0  }
0xcb: {  	s0 =	sadd.s32 $0x8F2B, s0  }
0xcc: {  	[sflag:s0] =	ssyncadd.remote.s32 $0x1  }
0xcd: {  	_ =	sfence.sel $0xFFFF  }
0xce: {  	[dreg:$0x0] =	wrdreg $0xFFFFFFFF;
	(pc) =	sbr.abs _section_cstart, $3  }
0xcf: {  	[dreg:$0x1] =	wrdreg $0xFFFFFFFF  }
0xd0: {  	_ =	task.clear_ibuf [dreg:s22], $0x2FFFF;
	_ =	strace $0x9FFFFFFF  }
0xd1: {  	(tm) =	ssettm $0x7FFFFFFF  }
tec
execute0_lowered:
.L_overlay_start_1:
0x0: {  	(tag) =	ssettag $0x1  }
0x1: {  	s7 =	rddreg [dreg:$0x0]  }
0x2: {  	s2 =	rddreg [dreg:$0x1]  }
0x3: {  	s0 =	rddreg [dreg:$0x2]  }
0x4: {  	s3 =	simm.s32 $0x0;
	s4 =	srdreg.scid;
	s1 =	stileid.u32  }
0x5: {  	s13 =	simm.s32 $0x800;
	s14 =	simm.s32 $0x80;
	s15 =	simm.s32 $0x1000  }
0x6: {  	s16 =	simm.s32 $0x1;
	s19 =	simm.s32 $0x20;
	s20 =	simm.s32 $0x10  }
0x7: {  	[smem:$0x7FF] =	sst s3;
	s8 =	sand.u32 $0x1, s4;
	s9 =	smul.u32 $0x500, s1  }
0x8: {  	s4 =	sadd.s32 $0x17C00, s7;
	s5 =	sadd.s32 $0xDC00, s7;
	s6 =	sadd.s32 $0x3C00, s7  }
0x9: {  	s11 =	smul.u32 $0xA00, s1;
	s12 =	sshll.u32 s1, $0x1;
	s17 =	sshll.u32 s1, $0x6  }
0xa: {  	_ =	strace $0x8000004D;
	s10 =	sshll.u32 s8, $0x7;
	s29 =	ssub.s32 $0x2, s8  }
0xb: {  	s8 =	sor.u32 s8, s12;
	s12 =	simm.s32 $0x2;
	s17 =	sor.u32 $0x1C02, s17  }
0xc: {  	s9 =	sor.u32 s10, s9;
	s30 =	sshrl.u32 s29, $0x1;
	s31 =	sshrl.u32 s11, $0x2  }
0xd: {  	s8 =	smul.u32 $0x2800, s8;
	s11 =	simm.s32 $0x1080;
	s9 =	sshrl.u32 s9, $0x3  }
0xe: {  	s10 =	ssub.s32 s29, s30;
	s9 =	sadd.s32 s9, s7;
	s7 =	sadd.s32 s31, s2  }
0xf: {  	v0 =	vimm.f32 $0.0e+00;
	s10 =	smax.u32 s10, $0x1;
	s9 =	sadd.s32 $0x90600, s9;
	s18 =	sshrl.u32 s7, $0x3  }
.LBB2_1:
0x10: {  	[tilespmem:$0x1080] =	vst v0  }
0x11: {  	[tilespmem:$0x1090] =	vst v0  }
0x12: {  	[tilespmem:$0x10A0] =	vst v0  }
0x13: {  	[tilespmem:$0x10B0] =	vst v0  }
0x14: {  	[tilespmem:$0x10C0] =	vst v0  }
0x15: {  	[tilespmem:$0x10D0] =	vst v0  }
0x16: {  	[tilespmem:$0x10E0] =	vst v0  }
0x17: {  	[tilespmem:$0x10F0] =	vst v0  }
0x18: {  	[tilespmem:$0x1100] =	vst v0  }
0x19: {  	[tilespmem:$0x1110] =	vst v0  }
0x1a: {  	[tilespmem:$0x1120] =	vst v0  }
0x1b: {  	[tilespmem:$0x1130] =	vst v0  }
0x1c: {  	[tilespmem:$0x1140] =	vst v0  }
0x1d: {  	[tilespmem:$0x1150] =	vst v0  }
0x1e: {  	[tilespmem:$0x1160] =	vst v0  }
0x1f: {  	[tilespmem:$0x1170] =	vst v0  }
0x20: {  	[tilespmem:$0x1180] =	vst v0  }
0x21: {  	[tilespmem:$0x1190] =	vst v0  }
0x22: {  	[tilespmem:$0x11A0] =	vst v0  }
0x23: {  	[tilespmem:$0x11B0] =	vst v0  }
0x24: {  	[tilespmem:$0x11C0] =	vst v0  }
0x25: {  	[tilespmem:$0x11D0] =	vst v0  }
0x26: {  	[tilespmem:$0x11E0] =	vst v0  }
0x27: {  	[tilespmem:$0x11F0] =	vst v0  }
0x28: {  	[tilespmem:$0x1200] =	vst v0  }
0x29: {  	[tilespmem:$0x1210] =	vst v0  }
0x2a: {  	[tilespmem:$0x1220] =	vst v0  }
0x2b: {  	[tilespmem:$0x1230] =	vst v0  }
0x2c: {  	[tilespmem:$0x1240] =	vst v0  }
0x2d: {  	[tilespmem:$0x1250] =	vst v0  }
0x2e: {  	[tilespmem:$0x1260] =	vst v0  }
0x2f: {  	[tilespmem:$0x1270] =	vst v0  }
0x30: {  	[tilespmem:$0x1280] =	vst v0  }
0x31: {  	[tilespmem:$0x1290] =	vst v0  }
0x32: {  	[tilespmem:$0x12A0] =	vst v0  }
0x33: {  	[tilespmem:$0x12B0] =	vst v0  }
0x34: {  	[tilespmem:$0x12C0] =	vst v0  }
0x35: {  	[tilespmem:$0x12D0] =	vst v0  }
0x36: {  	[tilespmem:$0x12E0] =	vst v0  }
0x37: {  	[tilespmem:$0x12F0] =	vst v0  }
0x38: {  	[spmem:s7] =	stream.linear.scatter [tilespmem:s11], [sflag:$0x2], $0x280, $0x38;
	[tilespmem:$0x1580] =	vst v63  }
0x39: {  	_ =	swait.ge [sflag:s12], $0x280  }
0x3a: {  	[sflag:s12] =	ssyncset.done $0x0  }
0x3b: {  	[sflag:s12] =	ssyncadd.s32 $0xFFFFFD80  }
0x3c: {  	s21 =	simm.s32 $0x0;
	[bflag:$0x0] =	sbarrier.arrive $0xFFFF  }
.LBB2_2:
0x3d: {  	s22 =	sshll.u32 s21, $0xB  }
0x3e: {  	s22 =	sadd.s32 s8, s22  }
0x3f: {  	s22 =	sshrl.u32 s22, $0x3  }
0x40: {  	s24 =	simm.s32 $0x0;
	s23 =	sadd.s32 s5, s22  }
0x41: {  	[tilespmem:s24], [sflag:$0x2] =	stream.linear.gather [hbm4b:s23+s24], $0x800, $0x38;
	[tilespmem:$0x1580] =	vst v63  }
0x42: {  	_ =	swait.ge [sflag:s12], $0x800  }
0x43: {  	[sflag:s12] =	ssyncset.done $0x0  }
0x44: {  	s22 =	sadd.s32 s6, s22;
	[sflag:s12] =	ssyncadd.s32 $0xFFFFF800  }
0x45: {  	[tilespmem:s13], [sflag:$0x2] =	stream.linear.gather [hbm4b:s22+s24], $0x800, $0x38;
	[tilespmem:$0x1580] =	vst v63  }
0x46: {  	_ =	swait.ge [sflag:s12], $0x800  }
0x47: {  	[sflag:s12] =	ssyncset.done $0x0  }
0x48: {  	s30 =	simm.s32 $0x800;
	[sflag:s12] =	ssyncadd.s32 $0xFFFFF800  }
0x49: {  	[tilespmem:s15], [sflag:$0x1] =	stream.indirect.gather [hbm4b:s4+s14], $0x1, s30, s14, $0xb8;
	[tilespmem:$0x1580] =	vst v63  }
0x4a: {  	_ =	swait.ge [sflag:s16], $0x80  }
0x4b: {  	[sflag:s16] =	ssyncset.done $0x0  }
0x4c: {  	s31 =	simm.s32 $0x0;
	[sflag:s16] =	ssyncadd.s32 $0xFFFFFF80  }
0x4d: {  	[spmem:s2] =	stream.indirect.scatter.add.f32 [tilespmem:s15], [sflag:$0x2], $0x1, s31, s14, $0xb8;
	[tilespmem:$0x1580] =	vst v63  }
0x4e: {  	_ =	swait.ge [sflag:s12], $0x80  }
0x4f: {  	s23 =	simm.s32 $0x400;
	s22 =	simm.s32 $0x80;
	[sflag:s12] =	ssyncset.done $0x0  }
.LBB2_3:
0x50: {  	s24 =	sadd.s32 $0x800, s22  }
0x51: {  	[sflag:s12] =	ssyncadd.s32 $0xFFFFFF80;
	s25 =	smov.u32 s23;
	s26 =	sadd.s32 $0x200, s23  }
0x52: {  	[tilespmem:s15], [sflag:$0x1] =	stream.indirect.gather [hbm4b:s4+s14], $0x1, s24, s14, $0xb8;
	[tilespmem:$0x1580] =	vst v63  }
0x53: {  	p0 =	sne.s32 s23, $0x1E00;
	_ =	swait.ge [sflag:s16], $0x80  }
.Ltmp0:
0x54: {  	[sflag:s16] =	ssyncset.done $0x0;
	(pc) =	sbr.rel @p0 .LBB2_3-.Ltmp0, $4  }
0x55: {  	[sflag:s16] =	ssyncadd.s32 $0xFFFFFF80  }
0x56: {  	[spmem:s2] =	stream.indirect.scatter.add.f32 [tilespmem:s15], [sflag:$0x2], $0x1, s22, s14, $0xb8;
	[tilespmem:$0x1580] =	vst v63  }
0x57: {  	_ =	swait.ge [sflag:s12], $0x80  }
0x58: {  	s23 =	smov.u32 s26;
	s22 =	sshra.s32 s25, $0x2;
	[sflag:s12] =	ssyncset.done $0x0  }
0x59: {  	s23 =	sadd.s32 $0x800, s22;
	[sflag:s12] =	ssyncadd.s32 $0xFFFFFF80  }
0x5a: {  	[tilespmem:s15], [sflag:$0x1] =	stream.indirect.gather [hbm4b:s4+s14], $0x1, s23, s14, $0xb8;
	[tilespmem:$0x1580] =	vst v63  }
0x5b: {  	s21 =	sadd.s32 $0x1, s21;
	_ =	swait.ge [sflag:s16], $0x80  }
0x5c: {  	p0 =	sne.s32 s21, $0x5;
	[sflag:s16] =	ssyncset.done $0x0  }
.Ltmp1:
0x5d: {  	[sflag:s16] =	ssyncadd.s32 $0xFFFFFF80;
	(pc) =	sbr.rel @p0 .LBB2_2-.Ltmp1, $4  }
0x5e: {  	[spmem:s2] =	stream.indirect.scatter.add.f32 [tilespmem:s15], [sflag:$0x2], $0x1, s22, s14, $0xb8;
	[tilespmem:$0x1580] =	vst v63  }
0x5f: {  	_ =	swait.ge [sflag:s12], $0x80  }
0x60: {  	[sflag:s12] =	ssyncset.done $0x0  }
0x61: {  	[sflag:s12] =	ssyncadd.s32 $0xFFFFFF80  }
0x62: {  	s3 =	sadd.s32 $0x1, s3  }
0x63: {  	p0 =	sne.s32 s3, s10  }
.Ltmp2:
0x64: {  	[bflag:$0x0] =	sbarrier.arrive $0xFFFF;
	(pc) =	sbr.rel @p0 .LBB2_1-.Ltmp2, $4  }
0x65: {  	[hbm:s9@s19], [sflag:s17] =	dma.strided [spmem:s18@s20], $0x50, s16, $0x10   }
0x66: {  	_ =	swait.ge [sflag:s12], $0x50  }
0x67: {  	[sflag:s12] =	ssyncset.done $0x0  }
0x68: {  	[sflag:s12] =	ssyncadd.s32 $0xFFFFFFB0  }
0x69: {  	_ =	sfence.sel $0x180000  }
0x6a: {  	[bflag:$0x0] =	sbarrier.arrive $0xFFFF  }
0x6b: {  	p0 =	sne.s32 s1, $0x0;
	_ =	strace $0x9000004D  }
0x6c: {  	s0 =	sadd.s32 @!p0 $0x100000, s0;
	[bflag:$0x2] =	sbarrier.arrive $0xFFFF  }
0x6d: {  	[sflag:s0] =	ssyncadd.tile.s32 @!p0 $0x1;
	_ =	shalt  }
.Lfunc_end2:
_tile_overlayer_lowered:
.L_overlay_start_2:
0x6e: {  	(tag) =	ssettag $0x2  }
0x6f: {  	s0 =	rddreg [dreg:$0x0];
	s2 =	stileid.u32  }
0x70: {  	s1 =	rddreg [dreg:$0x1];
	p0 =	sne.s32 s2, $0x0  }
0x71: {  	s3 =	rddreg [dreg:$0x2];
	[bflag:$0x3] =	sbarrier.arrive $0xFFFF;
	s2 =	simm.s32 @!p0 $0x1C02  }
0x72: {  	[timem:s3], [sflag:s2] =	dma.local @!p0 [hbm:s0], s1  }
0x73: {  	s0 =	simm.s32 @!p0 $0x2  }
0x74: {  	_ =	swait.ge @!p0 [sflag:s0], s1  }
0x75: {  	s1 =	ssub.s32 @!p0 $0x0, s1;
	[sflag:s0] =	ssyncset.done @!p0 $0x0  }
0x76: {  	[sflag:s0] =	ssyncadd.s32 @!p0 s1  }
0x77: {  	[bflag:$0x3] =	sbarrier.arrive $0xFFFF  }
0x78: {  	_ =	shalt  }

// kernel: kernel.16.cloned.1.call-start
scs
__scs_entry_jumppad:
0x0: {  	(pc) =	sbr.rel $0x88, $3  }
0x1: {  	(tag) =	ssettag $0x0;
	lr =	simm.s32 $0x1  }
0x2: {  	[smem:$0x3F92] =	sst lr;
	_ =	strace $0xD0000000  }
0x3: {  	_ = 	snop  }
0x4: {  	_ = 	snop  }
0x5: {  	_ = 	snop  }
0x6: {  	_ = 	snop  }
0x7: {  	_ = 	snop  }
__scs_overlays_trampoline_lowered:
0x8: {  	[smem:$0x3FA1] =	sst s0  }
0x9: {  	[smem:$0x3FA2] =	sst s1  }
0xa: {  	[smem:$0x3FA3] =	sst s2  }
0xb: {  	[smem:$0x3FA4] =	sst s3  }
0xc: {  	[smem:$0x3FA5] =	sst s4  }
0xd: {  	[smem:$0x3FA6] =	sst s5  }
0xe: {  	[smem:$0x3FA7] =	sst s6  }
0xf: {  	[smem:$0x3FA8] =	sst s7  }
0x10: {  	[smem:$0x3FA9] =	sst s8  }
0x11: {  	[smem:$0x3FAA] =	sst s9;
	s0 =	simm.s32 @!p0 $0x0  }
0x12: {  	s1 =	sld [smem:$0x3F90];
	s0 =	simm.s32 @p0 $0x1  }
0x13: {  	[smem:$0x3FAB] =	sst s0;
	s0 =	simm.s32 @!p1 $0x0  }
0x14: {  	s2 =	sld [smem:$0x3F8F];
	s0 =	simm.s32 @p1 $0x1  }
0x15: {  	[smem:$0x3FAC] =	sst s0;
	s0 =	simm.s32 @!p2 $0x0  }
0x16: {  	s3 =	sld [smem:$0x3FDB];
	s0 =	simm.s32 @p2 $0x1  }
0x17: {  	s4 =	simm.s32 $0x1BF5;
	[smem:$0x3FAE] =	sst s0  }
0x18: {  	s0 =	sld [smem:$0x3F91];
	_ =	swait.ge [sflag:s4], $0x0  }
0x19: {  	s7 =	sld [smem:$0x3F92]  }
0x1a: {  	s8 =	sadd.s32 $0xFFFFE003, lr  }
0x1b: {  	s9 =	sadd.s32 $0xFFFFFEF7, lr;
	s5 =	simm.s32 $0xFFFFFFFF;
	p2 =	slt.u32 s8, $0xFFFFF086  }
0x1c: {  	p1 =	slt.u32 s9, $0xF7A;
	s5 =	simm.s32 @!p2 $0x0  }
0x1d: {  	s5 =	simm.s32 @p1 $0x1;
	p0 =	seq.s32 s7, s2  }
0x1e: {  	s7 =	smul.u32 @!p0 $0xF7A, s2;
	p2 =	seq.s32 @!p0 s5, $0x0  }
0x1f: {  	s9 =	smul.u32 $0xF7A, s1;
	s8 =	simm.s32 @!p0 $0x1BF5;
	p2 =	por !p2, p0  }
0x20: {  	[sflag:s8] =	ssyncset.s32 @!p0 $0xFFFFF086;
	s6 =	sadd.s32 @!p0 s3, s7;
	s7 =	simm.s32 @!p0 $0x108  }
0x21: {  	s3 =	sadd.s32 s3, s9;
	s6 =	sadd.s32 @!p0 $0x88, s6;
	s7 =	simm.s32 @p2 $0x1082  }
0x22: {  	[simem:s7], [sflag:s8] =	dma.local @!p0 [hbm:s6], $0xF7A  }
0x23: {  	s9 =	sor.u32 $0xD0000000, s2;
	s6 =	simm.s32 $0x108;
	_ =	swait.ge @!p0 [sflag:s8], $0x0  }
0x24: {  	s3 =	sadd.s32 $0x88, s3;
	s6 =	simm.s32 @!p1 $0x1082;
	[sflag:s4] =	ssyncset.s32 $0xFFFFF086  }
0x25: {  	[simem:s6], [sflag:s4] =	dma.local [hbm:s3], $0xF7A  }
0x26: {  	[smem:$0x3F92] =	sst s1;
	(tag) =	ssettag s2;
	_ =	strace s9  }
0x27: {  	s1 =	sld [smem:$0x3FA2]  }
0x28: {  	s2 =	sld [smem:$0x3FA3]  }
0x29: {  	s4 =	sld [smem:$0x3FA5]  }
0x2a: {  	p0 =	seq.s32 s5, $0x0;
	s5 =	sld [smem:$0x3FA6]  }
0x2b: {  	s6 =	sld [smem:$0x3FA7]  }
0x2c: {  	s7 =	sld [smem:$0x3FA8]  }
0x2d: {  	s3 =	simm.s32 $0x108;
	s8 =	sld [smem:$0x3FA9]  }
0x2e: {  	s3 =	simm.s32 @!p0 $0x1082;
	s9 =	sld [smem:$0x3FAA]  }
0x2f: {  	lr =	sadd.s32 s0, s3;
	s0 =	sld [smem:$0x3FA1]  }
0x30: {  	s3 =	sld [smem:$0x3FA4]  }
0x31: {  	[smem:$0x3FAD] =	sst s10  }
0x32: {  	s10 =	sld [smem:$0x3FAB];
	_ =	sdelay $0x3  }
0x33: {  	p0 =	seq.s32 s10, $0x1;
	s10 =	sld [smem:$0x3FAD];
	_ =	sdelay $0x3  }
0x34: {  	[smem:$0x3FAD] =	sst s10  }
0x35: {  	s10 =	sld [smem:$0x3FAC];
	_ =	sdelay $0x3  }
0x36: {  	p1 =	seq.s32 s10, $0x1;
	s10 =	sld [smem:$0x3FAD];
	_ =	sdelay $0x3  }
0x37: {  	[smem:$0x3FAD] =	sst s10  }
0x38: {  	s10 =	sld [smem:$0x3FAE]  }
0x39: {  	_ = 	snop;
	(pc) =	sbr.ind lr, $3  }
0x3a: {  	_ = 	snop  }
0x3b: {  	_ = 	snop  }
0x3c: {  	p2 =	seq.s32 s10, $0x1;
	s10 =	sld [smem:$0x3FAD]  }
0x3d: {  	_ =	shalt  }
0x3e: {  	_ =	shalt  }
0x3f: {  	_ =	shalt  }
0x40: {  	_ =	shalt  }
0x41: {  	_ =	shalt  }
0x42: {  	_ =	shalt  }
0x43: {  	_ =	shalt  }
0x44: {  	_ =	shalt  }
0x45: {  	_ =	shalt  }
0x46: {  	_ =	shalt  }
0x47: {  	_ =	shalt  }
0x48: {  	_ =	shalt  }
0x49: {  	_ =	shalt  }
0x4a: {  	_ =	shalt  }
0x4b: {  	_ =	shalt  }
0x4c: {  	_ =	shalt  }
0x4d: {  	_ =	shalt  }
0x4e: {  	_ =	shalt  }
0x4f: {  	_ =	shalt  }
0x50: {  	_ =	shalt  }
0x51: {  	_ =	shalt  }
0x52: {  	_ =	shalt  }
0x53: {  	_ =	shalt  }
0x54: {  	_ =	shalt  }
0x55: {  	_ =	shalt  }
0x56: {  	_ =	shalt  }
0x57: {  	_ =	shalt  }
0x58: {  	_ =	shalt  }
0x59: {  	_ =	shalt  }
0x5a: {  	_ =	shalt  }
0x5b: {  	_ =	shalt  }
0x5c: {  	_ =	shalt  }
0x5d: {  	_ =	shalt  }
0x5e: {  	_ =	shalt  }
0x5f: {  	_ =	shalt  }
0x60: {  	_ =	shalt  }
0x61: {  	_ =	shalt  }
0x62: {  	_ =	shalt  }
0x63: {  	_ =	shalt  }
0x64: {  	_ =	shalt  }
0x65: {  	_ =	shalt  }
0x66: {  	_ =	shalt  }
0x67: {  	_ =	shalt  }
0x68: {  	_ =	shalt  }
0x69: {  	_ =	shalt  }
0x6a: {  	_ =	shalt  }
0x6b: {  	_ =	shalt  }
0x6c: {  	_ =	shalt  }
0x6d: {  	_ =	shalt  }
0x6e: {  	_ =	shalt  }
0x6f: {  	_ =	shalt  }
0x70: {  	_ =	shalt  }
0x71: {  	_ =	shalt  }
0x72: {  	_ =	shalt  }
0x73: {  	_ =	shalt  }
0x74: {  	_ =	shalt  }
0x75: {  	_ =	shalt  }
0x76: {  	_ =	shalt  }
0x77: {  	_ =	shalt  }
0x78: {  	_ =	shalt  }
0x79: {  	_ =	shalt  }
0x7a: {  	_ =	shalt  }
0x7b: {  	_ =	shalt  }
0x7c: {  	_ =	shalt  }
0x7d: {  	_ =	shalt  }
0x7e: {  	_ =	shalt  }
0x7f: {  	_ =	shalt  }
0x80: {  	_ =	shalt  }
0x81: {  	_ =	shalt  }
0x82: {  	_ =	shalt  }
0x83: {  	_ =	shalt  }
0x84: {  	_ =	shalt  }
0x85: {  	_ =	shalt  }
0x86: {  	_ =	shalt  }
0x87: {  	_ =	shalt  }
.Lfunc_end0:
.L_simem_size_0:
called_computation.2_lowered:
.L_overlay_start_0:
0x88: {  	s2 =	sld [smem:$0x3FD9]  }
0x89: {  	s3 =	sld [smem:$0x3FFE];
	_ =	sdelay $0x1  }
0x8a: {  	s1 =	srdreg.scid  }
0x8b: {  	s0 =	sand.u32 $0x1, s1  }
0x8c: {  	s17 =	sshll.u32 s0, $0xA;
	s2 =	sadd.s32 s3, s2  }
0x8d: {  	s2 =	sadd.s32 s2, s17  }
0x8e: {  	[smem:$0x3FB9] =	sst s2  }
0x8f: {  	_ = 	snop  }
0x90: {  	(tm) =	ssettm $0x1  }
0x91: {  	s18 =	sld [smem:$0x3FFB];
	_ =	sdelay $0x3  }
0x92: {  	_ =	strace s18  }
0x93: {  	s2 =	sld [smem:$0x3FFC];
	_ =	sdelay $0x3  }
0x94: {  	_ =	strace s2  }
0x95: {  	s2 =	sld [smem:$0x3FFD];
	_ =	sdelay $0x3  }
0x96: {  	_ =	strace s2  }
0x97: {  	_ =	strace $0x8FFFFFFF  }
0x98: {  	s19 =	sld [smem:$0x3FDB];
	_ =	sdelay $0x1  }
0x99: {  	s20 =	simm.s32 $_scs_section_size  }
0x9a: {  	s4 =	simm.s32 $_size__tile_overlayer_lowered;
	s5 =	simm.s32 $_tile_overlayer_lowered  }
0x9b: {  	s6 =	simm.s32 $0x1BFF;
	s21 =	sshll.u32 s5, $0x1;
	s3 =	sadd.s32 s20, s19  }
0x9c: {  	s22 =	simm.s32 $0x0;
	s4 =	sshll.u32 s4, $0x1;
	s5 =	sadd.s32 s21, s3  }
0x9d: {  	[timem:s22], [sflag:s6] =	dma.local [hbm:s5], s4  }
0x9e: {  	_ =	swait.ge [sflag:s6], s4  }
0x9f: {  	s4 =	ssub.s32 $0x0, s4;
	[sflag:s6] =	ssyncset.done $0x0  }
0xa0: {  	[sflag:s6] =	ssyncadd.s32 s4;
	_ =	sdelay $0x1  }
0xa1: {  	s23 =	simm.s32 $0x1B8B  }
0xa2: {  	_ =	swait.ge [sflag:s23], $0x1  }
0xa3: {  	[sflag:s23] =	ssyncset.done $0x0  }
0xa4: {  	[sflag:s23] =	ssyncadd.s32 $0xFFFFFFFF  }
0xa5: {  	s4 =	sld [smem:$0x0]  }
0xa6: {  	s5 =	sand.u32 $0xFFFFFFFE, s1  }
0xa7: {  	p0 =	sne.s32 s1, s5  }
0xa8: {  	s5 =	sshll.u32 @p0 s5, $0xE  }
0xa9: {  	s5 =	sadd.s32 @p0 $0x11B8D, s5;
	s6 =	sshll.u32 @p0 s4, $0x11  }
0xaa: {  	s5 =	sor.u32 @p0 s6, s5  }
0xab: {  	[sflag:s5] =	ssyncadd.remote.s32 @p0 $0x1;
	_ =	sdelay $0x1  }
0xac: {  	s5 =	simm.s32 @p0 $0x1B8D  }
0xad: {  	_ =	swait.eq @p0 [sflag:s5], $0x1  }
0xae: {  	[sflag:s5] =	ssyncadd.s32 @p0 $0xFFFFFFFF  }
0xaf: {  	s6 =	sshll.u32 @!p0 s1, $0xE  }
0xb0: {  	s6 =	sor.u32 @!p0 $0x4000, s6;
	s5 =	simm.s32 @!p0 $0x1B8D  }
0xb1: {  	s4 =	sshll.u32 @!p0 s4, $0x11;
	s6 =	sadd.s32 @!p0 $0x11B8D, s6;
	_ =	swait.eq @!p0 [sflag:s5], $0x1  }
0xb2: {  	s4 =	sor.u32 @!p0 s4, s6;
	[sflag:s5] =	ssyncadd.s32 @!p0 $0xFFFFFFFF  }
0xb3: {  	s25 =	simm.s32 $0x1B8E;
	s24 =	sld [smem:$0x3FFE];
	[sflag:s4] =	ssyncadd.remote.s32 @!p0 $0x1  }
0xb4: {  	s26 =	simm.s32 $execute0_lowered;
	[smem:$0x3FD2] =	sst s25  }
0xb5: {  	s5 =	sshll.u32 s26, $0x1;
	_ =	strace $0x80000049;
	[dreg:$0x1] =	wrdreg $0xFFFFFFFF  }
0xb6: {  	s28 =	simm.s32 $_size_execute0_lowered;
	s3 =	sadd.s32 s3, s5;
	[dreg:$0x0] =	wrdreg $0x0  }
0xb7: {  	s5 =	sshll.u32 s28, $0x1;
	[dreg:$0x2] =	wrdreg s3  }
0xb8: {  	[dreg:$0x3] =	wrdreg s5  }
0xb9: {  	[dreg:$0x4] =	wrdreg $0xC0  }
0xba: {  	_ =	task [dreg:s22], $0x5FFFF  }
0xbb: {  	[dreg:$0x1] =	wrdreg $0xFFFFFFFF  }
0xbc: {  	[dreg:$0x0] =	wrdreg $0x60  }
0xbd: {  	[dreg:$0x2] =	wrdreg s24  }
0xbe: {  	[dreg:$0x3] =	wrdreg $0x90000  }
0xbf: {  	[dreg:$0x4] =	wrdreg $0xA  }
0xc0: {  	_ =	task.clear_ibuf [dreg:s22], $0x5FFFF;
	_ =	strace $0x90000049  }
0xc1: {  	s29 =	simm.s32 $0xA;
	_ =	strace $0x8000004B  }
0xc2: {  	_ =	swait.ge [sflag:s29], $0x1  }
0xc3: {  	[sflag:s29] =	ssyncadd.s32 $0xFFFFFFFF  }
0xc4: {  	_ =	strace $0x9000004B  }
0xc5: {  	_ =	sfence  }
0xc6: {  	s30 =	sld [smem:$0x0];
	_ =	sdelay $0x2  }
0xc7: {  	s31 =	sshll.u32 s1, $0xD;
	s1 =	sshrl.u32 s1, $0x2  }
0xc8: {  	s4 =	sand.u32 $0x4000, s31;
	s1 =	sadd.s32 s1, s30  }
0xc9: {  	s0 =	sor.u32 s4, s0;
	s1 =	sshll.u32 s1, $0x11  }
0xca: {  	s0 =	sor.u32 s1, s0  }
0xcb: {  	s0 =	sadd.s32 $0x8F2B, s0  }
0xcc: {  	[sflag:s0] =	ssyncadd.remote.s32 $0x1  }
0xcd: {  	_ =	sfence.sel $0xFFFF  }
0xce: {  	[dreg:$0x0] =	wrdreg $0xFFFFFFFF;
	(pc) =	sbr.abs _section_cstart, $3  }
0xcf: {  	[dreg:$0x1] =	wrdreg $0xFFFFFFFF  }
0xd0: {  	_ =	task.clear_ibuf [dreg:s22], $0x2FFFF;
	_ =	strace $0x9FFFFFFF  }
0xd1: {  	(tm) =	ssettm $0x7FFFFFFF  }
tec
execute0_lowered:
.L_overlay_start_1:
0x0: {  	(tag) =	ssettag $0x1  }
0x1: {  	s0 =	srdreg.scid;
	s1 =	rddreg [dreg:$0x0]  }
0x2: {  	s8 =	stileid.u32;
	s2 =	rddreg [dreg:$0x1]  }
0x3: {  	s3 =	simm.s32 $0x0;
	s13 =	simm.s32 $0x880;
	s14 =	simm.s32 $0x100  }
0x4: {  	s16 =	simm.s32 $0x180;
	s18 =	simm.s32 $0x900;
	[smem:$0x7FF] =	sst s3  }
0x5: {  	s19 =	simm.s32 $0x980;
	_ =	strace $0x8000004A;
	[dreg:$0x5] =	wrdreg s13  }
0x6: {  	s20 =	simm.s32 $0x200;
	s21 =	simm.s32 $0x280;
	[dreg:$0x6] =	wrdreg s14  }
0x7: {  	s22 =	simm.s32 $0xA00;
	s23 =	simm.s32 $0xA80;
	[dreg:$0x7] =	wrdreg s16  }
0x8: {  	s24 =	simm.s32 $0x300;
	s25 =	simm.s32 $0x380;
	[dreg:$0x8] =	wrdreg s18  }
0x9: {  	s26 =	simm.s32 $0xB00;
	s28 =	simm.s32 $0xD80;
	[dreg:$0x9] =	wrdreg s19  }
0xa: {  	s29 =	simm.s32 $0x600;
	s4 =	smul.u32 $0x5000, s8;
	[dreg:$0xa] =	wrdreg s20  }
0xb: {  	s30 =	simm.s32 $0x680;
	s7 =	smul.u32 $0x14000, s8;
	[dreg:$0xb] =	wrdreg s21  }
0xc: {  	s0 =	sand.u32 $0x1, s0;
	s8 =	smul.u32 $0x50000, s8;
	[dreg:$0xc] =	wrdreg s22  }
0xd: {  	s31 =	simm.s32 $0xE00;
	s5 =	smul.u32 $0x2800, s0;
	[dreg:$0xd] =	wrdreg s23  }
0xe: {  	s6 =	smul.u32 $0x140000, s0;
	s0 =	ssub.s32 $0x2, s0;
	[dreg:$0xe] =	wrdreg s24  }
0xf: {  	s13 =	simm.s32 $0x3;
	s14 =	simm.s32 $0x800;
	[dreg:$0xf] =	wrdreg s25  }
0x10: {  	s16 =	simm.s32 $0x5000;
	s18 =	simm.s32 $0x2;
	[dreg:$0x10] =	wrdreg s26  }
0x11: {  	s19 =	simm.s32 $0xB80;
	s20 =	simm.s32 $0x400;
	s21 =	simm.s32 $0x480  }
0x12: {  	s22 =	simm.s32 $0xC00;
	s23 =	simm.s32 $0xC80;
	s24 =	simm.s32 $0x500  }
0x13: {  	s25 =	simm.s32 $0x580;
	s26 =	simm.s32 $0xD00;
	s9 =	sshrl.u32 s0, $0x1  }
0x14: {  	s11 =	sshrl.u32 s8, $0x2;
	s8 =	simm.s32 $0xF80;
	s5 =	sadd.s32 s5, s4  }
0x15: {  	s4 =	sadd.s32 $0x18600, s1;
	s6 =	sadd.s32 s7, s6;
	s0 =	ssub.s32 s0, s9  }
0x16: {  	s12 =	sadd.s32 s11, s2;
	s9 =	simm.s32 $0x0;
	s5 =	sshrl.u32 s5, $0x3  }
0x17: {  	s6 =	sshrl.u32 s6, $0x3;
	s7 =	sadd.s32 $0x4000, s12;
	[dreg:$0x11] =	wrdreg s12  }
0x18: {  	s15 =	sadd.s32 $0x8000, s12;
	s17 =	sadd.s32 $0xC000, s12;
	[dreg:$0x12] =	wrdreg s7  }
0x19: {  	s0 =	smax.u32 s0, $0x1;
	s5 =	sadd.s32 s5, s1;
	[dreg:$0x13] =	wrdreg s15  }
0x1a: {  	s1 =	sadd.s32 s6, s1;
	[dreg:$0x14] =	wrdreg s17;
	s6 =	sadd.s32 $0x10000, s12  }
0x1b: {  	[dreg:$0x17] =	wrdreg s0;
	s12 =	simm.s32 $0x1000;
	s15 =	simm.s32 $0x80  }
0x1c: {  	s17 =	simm.s32 $0x1;
	s10 =	sadd.s32 $0x3C00, s5;
	[dreg:$0x15] =	wrdreg s6  }
0x1d: {  	s0 =	simm.s32 $0x700;
	s5 =	sadd.s32 $0xDC00, s5;
	[dreg:$0x3] =	wrdreg s10  }
0x1e: {  	s7 =	simm.s32 $0xF00;
	s1 =	sadd.s32 $0x40600, s1;
	[dreg:$0x4] =	wrdreg s5  }
0x1f: {  	v0 =	vimm.f32 $0.0e+00;
	s6 =	simm.s32 $0x780;
	[dreg:$0x16] =	wrdreg s1;
	s1 =	simm.s32 $0xE80  }
.LBB2_1:
0x20: {  	s10 =	simm.s32 $0x0;
	s11 =	simm.s32 $0x200  }
.LBB2_2:
0x21: {  	p0 =	sne.s32 s11, $0xFE00;
	[tilespmem:s10+$0x1070] =	vst v0  }
0x22: {  	[tilespmem:s10+$0x1000] =	vst v0  }
0x23: {  	[tilespmem:s10+$0x1010] =	vst v0  }
.Ltmp0:
0x24: {  	[tilespmem:s10+$0x1020] =	vst v0;
	(pc) =	sbr.rel @p0 .LBB2_2-.Ltmp0, $4  }
0x25: {  	[tilespmem:s10+$0x1030] =	vst v0  }
0x26: {  	[tilespmem:s10+$0x1040] =	vst v0  }
0x27: {  	[tilespmem:s10+$0x1050] =	vst v0  }
0x28: {  	[tilespmem:s10+$0x1060] =	vst v0;
	s10 =	sshra.s32 s11, $0x2;
	s11 =	sadd.s32 $0x200, s11  }
0x29: {  	[tilespmem:s10+$0x1070] =	vst v0  }
0x2a: {  	[tilespmem:s10+$0x1000] =	vst v0  }
0x2b: {  	[tilespmem:s10+$0x1010] =	vst v0  }
0x2c: {  	[tilespmem:s10+$0x1020] =	vst v0  }
0x2d: {  	[tilespmem:s10+$0x1030] =	vst v0  }
0x2e: {  	[tilespmem:s10+$0x1040] =	vst v0  }
0x2f: {  	[dreg:$0x18] =	wrdreg s9;
	[tilespmem:s10+$0x1050] =	vst v0  }
0x30: {  	[tilespmem:s10+$0x1060] =	vst v0;
	s5 =	rddreg [dreg:$0x11]  }
0x31: {  	[spmem:s5] =	stream.linear.scatter [tilespmem:s12], [sflag:$0x3], $0x4000, $0x38;
	[tilespmem:$0x1D000] =	vst v63  }
0x32: {  	_ =	swait.ge [sflag:s13], $0x4000  }
0x33: {  	[sflag:s13] =	ssyncset.done $0x0  }
0x34: {  	s10 =	rddreg [dreg:$0x12];
	[sflag:s13] =	ssyncadd.s32 $0xFFFFC000  }
0x35: {  	[spmem:s10] =	stream.linear.scatter [tilespmem:s12], [sflag:$0x3], $0x4000, $0x38;
	[tilespmem:$0x1D000] =	vst v63  }
0x36: {  	_ =	swait.ge [sflag:s13], $0x4000  }
0x37: {  	[sflag:s13] =	ssyncset.done $0x0  }
0x38: {  	s11 =	rddreg [dreg:$0x13];
	[sflag:s13] =	ssyncadd.s32 $0xFFFFC000  }
0x39: {  	[spmem:s11] =	stream.linear.scatter [tilespmem:s12], [sflag:$0x3], $0x4000, $0x38;
	[tilespmem:$0x1D000] =	vst v63  }
0x3a: {  	_ =	swait.ge [sflag:s13], $0x4000  }
0x3b: {  	[sflag:s13] =	ssyncset.done $0x0  }
0x3c: {  	s9 =	rddreg [dreg:$0x14];
	[sflag:s13] =	ssyncadd.s32 $0xFFFFC000  }
0x3d: {  	[spmem:s9] =	stream.linear.scatter [tilespmem:s12], [sflag:$0x3], $0x4000, $0x38;
	[tilespmem:$0x1D000] =	vst v63  }
0x3e: {  	_ =	swait.ge [sflag:s13], $0x4000  }
0x3f: {  	[sflag:s13] =	ssyncset.done $0x0  }
0x40: {  	s10 =	rddreg [dreg:$0x15];
	[sflag:s13] =	ssyncadd.s32 $0xFFFFC000  }
0x41: {  	[spmem:s10] =	stream.linear.scatter [tilespmem:s12], [sflag:$0x3], $0x4000, $0x38;
	[tilespmem:$0x1D000] =	vst v63  }
0x42: {  	_ =	swait.ge [sflag:s13], $0x4000  }
0x43: {  	[sflag:s13] =	ssyncset.done $0x0  }
0x44: {  	[sflag:s13] =	ssyncadd.s32 $0xFFFFC000  }
0x45: {  	[bflag:$0x0] =	sbarrier.arrive $0xFFFF  }
0x46: {  	s11 =	rddreg [dreg:$0x4]  }
0x47: {  	s5 =	sadd.s32 $0x0, s11  }
0x48: {  	[tilespmem:s3], [sflag:$0x3] =	stream.linear.gather [hbm4b:s5+s3], $0x800, $0x38;
	[tilespmem:$0x1D000] =	vst v63  }
0x49: {  	_ =	swait.ge [sflag:s13], $0x800  }
0x4a: {  	s9 =	rddreg [dreg:$0x3];
	[sflag:s13] =	ssyncset.done $0x0  }
0x4b: {  	[sflag:s13] =	ssyncadd.s32 $0xFFFFF800;
	s5 =	sadd.s32 $0x0, s9  }
0x4c: {  	[tilespmem:s14], [sflag:$0x3] =	stream.linear.gather [hbm4b:s5+s3], $0x800, $0x38;
	[tilespmem:$0x1D000] =	vst v63  }
0x4d: {  	_ =	swait.ge [sflag:s13], $0x800  }
0x4e: {  	[sflag:s13] =	ssyncset.done $0x0  }
0x4f: {  	[sflag:s13] =	ssyncadd.s32 $0xFFFFF800  }
0x50: {  	[tilespmem:s12], [sflag:$0x1] =	stream.indirect.gather [hbm4b:s4+s15], $0x80, s3, s15, $0xb8;
	[tilespmem:$0x1D000] =	vst v63  }
0x51: {  	_ = 	snop  }
0x52: {  	[tilespmem:s16], [sflag:$0x2] =	stream.indirect.gather [hbm4b:s4+s15], $0x80, s15, s15, $0xb8;
	[tilespmem:$0x1D000] =	vst v63  }
0x53: {  	_ =	swait.ge [sflag:s17], $0x4000  }
0x54: {  	[sflag:s17] =	ssyncset.done $0x0  }
0x55: {  	[sflag:s17] =	ssyncadd.s32 $0xFFFFC000  }
0x56: {  	[spmem:s2] =	stream.indirect.scatter.add.f32 [tilespmem:s12], [sflag:$0x3], $0x80, s14, s15, $0xb8;
	[tilespmem:$0x1D000] =	vst v63  }
0x57: {  	_ =	swait.ge [sflag:s13], $0x4000  }
0x58: {  	[sflag:s13] =	ssyncset.done $0x0  }
0x59: {  	[sflag:s13] =	ssyncadd.s32 $0xFFFFC000  }
0x5a: {  	_ =	swait.ge [sflag:s18], $0x4000  }
0x5b: {  	[sflag:s18] =	ssyncset.done $0x0  }
0x5c: {  	s10 =	rddreg [dreg:$0x5];
	[sflag:s18] =	ssyncadd.s32 $0xFFFFC000  }
0x5d: {  	[spmem:s2] =	stream.indirect.scatter.add.f32 [tilespmem:s16], [sflag:$0x3], $0x80, s10, s15, $0xb8;
	[tilespmem:$0x1D000] =	vst v63  }
0x5e: {  	_ =	swait.ge [sflag:s13], $0x4000  }
0x5f: {  	[sflag:s13] =	ssyncset.done $0x0  }
0x60: {  	s11 =	rddreg [dreg:$0x6];
	[sflag:s13] =	ssyncadd.s32 $0xFFFFC000  }
0x61: {  	[tilespmem:s12], [sflag:$0x1] =	stream.indirect.gather [hbm4b:s4+s15], $0x80, s11, s15, $0xb8;
	[tilespmem:$0x1D000] =	vst v63  }
0x62: {  	s9 =	rddreg [dreg:$0x7]  }
0x63: {  	[tilespmem:s16], [sflag:$0x2] =	stream.indirect.gather [hbm4b:s4+s15], $0x80, s9, s15, $0xb8;
	[tilespmem:$0x1D000] =	vst v63  }
0x64: {  	_ =	swait.ge [sflag:s17], $0x4000  }
0x65: {  	[sflag:s17] =	ssyncset.done $0x0  }
0x66: {  	s11 =	rddreg [dreg:$0x8];
	[sflag:s17] =	ssyncadd.s32 $0xFFFFC000  }
0x67: {  	[spmem:s2] =	stream.indirect.scatter.add.f32 [tilespmem:s12], [sflag:$0x3], $0x80, s11, s15, $0xb8;
	[tilespmem:$0x1D000] =	vst v63  }
0x68: {  	_ =	swait.ge [sflag:s13], $0x4000  }
0x69: {  	[sflag:s13] =	ssyncset.done $0x0  }
0x6a: {  	[sflag:s13] =	ssyncadd.s32 $0xFFFFC000  }
0x6b: {  	_ =	swait.ge [sflag:s18], $0x4000  }
0x6c: {  	[sflag:s18] =	ssyncset.done $0x0  }
0x6d: {  	s9 =	rddreg [dreg:$0x9];
	[sflag:s18] =	ssyncadd.s32 $0xFFFFC000  }
0x6e: {  	[spmem:s2] =	stream.indirect.scatter.add.f32 [tilespmem:s16], [sflag:$0x3], $0x80, s9, s15, $0xb8;
	[tilespmem:$0x1D000] =	vst v63  }
0x6f: {  	_ =	swait.ge [sflag:s13], $0x4000  }
0x70: {  	[sflag:s13] =	ssyncset.done $0x0  }
0x71: {  	s10 =	rddreg [dreg:$0xa];
	[sflag:s13] =	ssyncadd.s32 $0xFFFFC000  }
0x72: {  	[tilespmem:s12], [sflag:$0x1] =	stream.indirect.gather [hbm4b:s4+s15], $0x80, s10, s15, $0xb8;
	[tilespmem:$0x1D000] =	vst v63  }
0x73: {  	s11 =	rddreg [dreg:$0xb]  }
0x74: {  	[tilespmem:s16], [sflag:$0x2] =	stream.indirect.gather [hbm4b:s4+s15], $0x80, s11, s15, $0xb8;
	[tilespmem:$0x1D000] =	vst v63  }
0x75: {  	_ =	swait.ge [sflag:s17], $0x4000  }
0x76: {  	[sflag:s17] =	ssyncset.done $0x0  }
0x77: {  	s9 =	rddreg [dreg:$0xc];
	[sflag:s17] =	ssyncadd.s32 $0xFFFFC000  }
0x78: {  	[spmem:s2] =	stream.indirect.scatter.add.f32 [tilespmem:s12], [sflag:$0x3], $0x80, s9, s15, $0xb8;
	[tilespmem:$0x1D000] =	vst v63  }
0x79: {  	_ =	swait.ge [sflag:s13], $0x4000  }
0x7a: {  	[sflag:s13] =	ssyncset.done $0x0  }
0x7b: {  	[sflag:s13] =	ssyncadd.s32 $0xFFFFC000  }
0x7c: {  	_ =	swait.ge [sflag:s18], $0x4000  }
0x7d: {  	[sflag:s18] =	ssyncset.done $0x0  }
0x7e: {  	s10 =	rddreg [dreg:$0xd];
	[sflag:s18] =	ssyncadd.s32 $0xFFFFC000  }
0x7f: {  	[spmem:s2] =	stream.indirect.scatter.add.f32 [tilespmem:s16], [sflag:$0x3], $0x80, s10, s15, $0xb8;
	[tilespmem:$0x1D000] =	vst v63  }
0x80: {  	_ =	swait.ge [sflag:s13], $0x4000  }
0x81: {  	[sflag:s13] =	ssyncset.done $0x0  }
0x82: {  	s11 =	rddreg [dreg:$0xe];
	[sflag:s13] =	ssyncadd.s32 $0xFFFFC000  }
0x83: {  	[tilespmem:s12], [sflag:$0x1] =	stream.indirect.gather [hbm4b:s4+s15], $0x80, s11, s15, $0xb8;
	[tilespmem:$0x1D000] =	vst v63  }
0x84: {  	s9 =	rddreg [dreg:$0xf]  }
0x85: {  	[tilespmem:s16], [sflag:$0x2] =	stream.indirect.gather [hbm4b:s4+s15], $0x80, s9, s15, $0xb8;
	[tilespmem:$0x1D000] =	vst v63  }
0x86: {  	_ =	swait.ge [sflag:s17], $0x4000  }
0x87: {  	[sflag:s17] =	ssyncset.done $0x0  }
0x88: {  	s11 =	rddreg [dreg:$0x10];
	[sflag:s17] =	ssyncadd.s32 $0xFFFFC000  }
0x89: {  	[spmem:s2] =	stream.indirect.scatter.add.f32 [tilespmem:s12], [sflag:$0x3], $0x80, s11, s15, $0xb8;
	[tilespmem:$0x1D000] =	vst v63  }
0x8a: {  	_ =	swait.ge [sflag:s13], $0x4000  }
0x8b: {  	[sflag:s13] =	ssyncset.done $0x0  }
0x8c: {  	[sflag:s13] =	ssyncadd.s32 $0xFFFFC000  }
0x8d: {  	_ =	swait.ge [sflag:s18], $0x4000  }
0x8e: {  	[sflag:s18] =	ssyncset.done $0x0  }
0x8f: {  	[sflag:s18] =	ssyncadd.s32 $0xFFFFC000  }
0x90: {  	[spmem:s2] =	stream.indirect.scatter.add.f32 [tilespmem:s16], [sflag:$0x3], $0x80, s19, s15, $0xb8;
	[tilespmem:$0x1D000] =	vst v63  }
0x91: {  	_ =	swait.ge [sflag:s13], $0x4000  }
0x92: {  	[sflag:s13] =	ssyncset.done $0x0  }
0x93: {  	[sflag:s13] =	ssyncadd.s32 $0xFFFFC000  }
0x94: {  	[tilespmem:s12], [sflag:$0x1] =	stream.indirect.gather [hbm4b:s4+s15], $0x80, s20, s15, $0xb8;
	[tilespmem:$0x1D000] =	vst v63  }
0x95: {  	_ = 	snop  }
0x96: {  	[tilespmem:s16], [sflag:$0x2] =	stream.indirect.gather [hbm4b:s4+s15], $0x80, s21, s15, $0xb8;
	[tilespmem:$0x1D000] =	vst v63  }
0x97: {  	_ =	swait.ge [sflag:s17], $0x4000  }
0x98: {  	[sflag:s17] =	ssyncset.done $0x0  }
0x99: {  	[sflag:s17] =	ssyncadd.s32 $0xFFFFC000  }
0x9a: {  	[spmem:s2] =	stream.indirect.scatter.add.f32 [tilespmem:s12], [sflag:$0x3], $0x80, s22, s15, $0xb8;
	[tilespmem:$0x1D000] =	vst v63  }
0x9b: {  	_ =	swait.ge [sflag:s13], $0x4000  }
0x9c: {  	[sflag:s13] =	ssyncset.done $0x0  }
0x9d: {  	[sflag:s13] =	ssyncadd.s32 $0xFFFFC000  }
0x9e: {  	_ =	swait.ge [sflag:s18], $0x4000  }
0x9f: {  	[sflag:s18] =	ssyncset.done $0x0  }
0xa0: {  	[sflag:s18] =	ssyncadd.s32 $0xFFFFC000  }
0xa1: {  	[spmem:s2] =	stream.indirect.scatter.add.f32 [tilespmem:s16], [sflag:$0x3], $0x80, s23, s15, $0xb8;
	[tilespmem:$0x1D000] =	vst v63  }
0xa2: {  	_ =	swait.ge [sflag:s13], $0x4000  }
0xa3: {  	[sflag:s13] =	ssyncset.done $0x0  }
0xa4: {  	[sflag:s13] =	ssyncadd.s32 $0xFFFFC000  }
0xa5: {  	[tilespmem:s12], [sflag:$0x1] =	stream.indirect.gather [hbm4b:s4+s15], $0x80, s24, s15, $0xb8;
	[tilespmem:$0x1D000] =	vst v63  }
0xa6: {  	_ = 	snop  }
0xa7: {  	[tilespmem:s16], [sflag:$0x2] =	stream.indirect.gather [hbm4b:s4+s15], $0x80, s25, s15, $0xb8;
	[tilespmem:$0x1D000] =	vst v63  }
0xa8: {  	_ =	swait.ge [sflag:s17], $0x4000  }
0xa9: {  	[sflag:s17] =	ssyncset.done $0x0  }
0xaa: {  	[sflag:s17] =	ssyncadd.s32 $0xFFFFC000  }
0xab: {  	[spmem:s2] =	stream.indirect.scatter.add.f32 [tilespmem:s12], [sflag:$0x3], $0x80, s26, s15, $0xb8;
	[tilespmem:$0x1D000] =	vst v63  }
0xac: {  	_ =	swait.ge [sflag:s13], $0x4000  }
0xad: {  	[sflag:s13] =	ssyncset.done $0x0  }
0xae: {  	[sflag:s13] =	ssyncadd.s32 $0xFFFFC000  }
0xaf: {  	_ =	swait.ge [sflag:s18], $0x4000  }
0xb0: {  	[sflag:s18] =	ssyncset.done $0x0  }
0xb1: {  	[sflag:s18] =	ssyncadd.s32 $0xFFFFC000  }
0xb2: {  	[spmem:s2] =	stream.indirect.scatter.add.f32 [tilespmem:s16], [sflag:$0x3], $0x80, s28, s15, $0xb8;
	[tilespmem:$0x1D000] =	vst v63  }
0xb3: {  	_ =	swait.ge [sflag:s13], $0x4000  }
0xb4: {  	[sflag:s13] =	ssyncset.done $0x0  }
0xb5: {  	[sflag:s13] =	ssyncadd.s32 $0xFFFFC000  }
0xb6: {  	[tilespmem:s12], [sflag:$0x1] =	stream.indirect.gather [hbm4b:s4+s15], $0x80, s29, s15, $0xb8;
	[tilespmem:$0x1D000] =	vst v63  }
0xb7: {  	_ = 	snop  }
0xb8: {  	[tilespmem:s16], [sflag:$0x2] =	stream.indirect.gather [hbm4b:s4+s15], $0x80, s30, s15, $0xb8;
	[tilespmem:$0x1D000] =	vst v63  }
0xb9: {  	_ =	swait.ge [sflag:s17], $0x4000  }
0xba: {  	[sflag:s17] =	ssyncset.done $0x0  }
0xbb: {  	[sflag:s17] =	ssyncadd.s32 $0xFFFFC000  }
0xbc: {  	[spmem:s2] =	stream.indirect.scatter.add.f32 [tilespmem:s12], [sflag:$0x3], $0x80, s31, s15, $0xb8;
	[tilespmem:$0x1D000] =	vst v63  }
0xbd: {  	_ =	swait.ge [sflag:s13], $0x4000  }
0xbe: {  	[sflag:s13] =	ssyncset.done $0x0  }
0xbf: {  	[sflag:s13] =	ssyncadd.s32 $0xFFFFC000  }
0xc0: {  	_ =	swait.ge [sflag:s18], $0x4000  }
0xc1: {  	[sflag:s18] =	ssyncset.done $0x0  }
0xc2: {  	[sflag:s18] =	ssyncadd.s32 $0xFFFFC000  }
0xc3: {  	[spmem:s2] =	stream.indirect.scatter.add.f32 [tilespmem:s16], [sflag:$0x3], $0x80, s1, s15, $0xb8;
	[tilespmem:$0x1D000] =	vst v63  }
0xc4: {  	_ =	swait.ge [sflag:s13], $0x4000  }
0xc5: {  	[sflag:s13] =	ssyncset.done $0x0  }
0xc6: {  	[sflag:s13] =	ssyncadd.s32 $0xFFFFC000  }
0xc7: {  	[tilespmem:s12], [sflag:$0x1] =	stream.indirect.gather [hbm4b:s4+s15], $0x80, s0, s15, $0xb8;
	[tilespmem:$0x1D000] =	vst v63  }
0xc8: {  	_ = 	snop  }
0xc9: {  	[tilespmem:s16], [sflag:$0x2] =	stream.indirect.gather [hbm4b:s4+s15], $0x80, s6, s15, $0xb8;
	[tilespmem:$0x1D000] =	vst v63  }
0xca: {  	_ =	swait.ge [sflag:s17], $0x4000  }
0xcb: {  	[sflag:s17] =	ssyncset.done $0x0  }
0xcc: {  	[sflag:s17] =	ssyncadd.s32 $0xFFFFC000  }
0xcd: {  	[spmem:s2] =	stream.indirect.scatter.add.f32 [tilespmem:s12], [sflag:$0x3], $0x80, s7, s15, $0xb8;
	[tilespmem:$0x1D000] =	vst v63  }
0xce: {  	_ =	swait.ge [sflag:s13], $0x4000  }
0xcf: {  	[sflag:s13] =	ssyncset.done $0x0  }
0xd0: {  	[sflag:s13] =	ssyncadd.s32 $0xFFFFC000  }
0xd1: {  	_ =	swait.ge [sflag:s18], $0x4000  }
0xd2: {  	[sflag:s18] =	ssyncset.done $0x0  }
0xd3: {  	[sflag:s18] =	ssyncadd.s32 $0xFFFFC000  }
0xd4: {  	[spmem:s2] =	stream.indirect.scatter.add.f32 [tilespmem:s16], [sflag:$0x3], $0x80, s8, s15, $0xb8;
	[tilespmem:$0x1D000] =	vst v63  }
0xd5: {  	s10 =	simm.s32 $0x100;
	_ =	swait.ge [sflag:s13], $0x4000  }
0xd6: {  	s11 =	simm.s32 $0x200;
	s5 =	rddreg [dreg:$0x4];
	[sflag:s13] =	ssyncset.done $0x0  }
.LBB2_4:
0xd7: {  	[sflag:s13] =	ssyncadd.s32 $0xFFFFC000;
	s5 =	sadd.s32 s10, s5  }
0xd8: {  	[tilespmem:s3], [sflag:$0x3] =	stream.linear.gather [hbm4b:s5+s3], $0x800, $0x38;
	[tilespmem:$0x1D000] =	vst v63  }
0xd9: {  	_ =	swait.ge [sflag:s13], $0x800  }
0xda: {  	s5 =	rddreg [dreg:$0x3];
	[sflag:s13] =	ssyncset.done $0x0  }
0xdb: {  	[sflag:s13] =	ssyncadd.s32 $0xFFFFF800;
	s5 =	sadd.s32 s10, s5  }
0xdc: {  	[tilespmem:s14], [sflag:$0x3] =	stream.linear.gather [hbm4b:s5+s3], $0x800, $0x38;
	[tilespmem:$0x1D000] =	vst v63  }
0xdd: {  	_ =	swait.ge [sflag:s13], $0x800  }
0xde: {  	[sflag:s13] =	ssyncset.done $0x0  }
0xdf: {  	[sflag:s13] =	ssyncadd.s32 $0xFFFFF800  }
0xe0: {  	[tilespmem:s12], [sflag:$0x1] =	stream.indirect.gather [hbm4b:s4+s15], $0x80, s3, s15, $0xb8;
	[tilespmem:$0x1D000] =	vst v63  }
0xe1: {  	_ = 	snop  }
0xe2: {  	[tilespmem:s16], [sflag:$0x2] =	stream.indirect.gather [hbm4b:s4+s15], $0x80, s15, s15, $0xb8;
	[tilespmem:$0x1D000] =	vst v63  }
0xe3: {  	_ =	swait.ge [sflag:s17], $0x4000  }
0xe4: {  	[sflag:s17] =	ssyncset.done $0x0  }
0xe5: {  	[sflag:s17] =	ssyncadd.s32 $0xFFFFC000  }
0xe6: {  	[spmem:s2] =	stream.indirect.scatter.add.f32 [tilespmem:s12], [sflag:$0x3], $0x80, s14, s15, $0xb8;
	[tilespmem:$0x1D000] =	vst v63  }
0xe7: {  	_ =	swait.ge [sflag:s13], $0x4000  }
0xe8: {  	[sflag:s13] =	ssyncset.done $0x0  }
0xe9: {  	[sflag:s13] =	ssyncadd.s32 $0xFFFFC000  }
0xea: {  	_ =	swait.ge [sflag:s18], $0x4000  }
0xeb: {  	s9 =	smov.u32 s11;
	[sflag:s18] =	ssyncset.done $0x0  }
0xec: {  	s10 =	smov.u32 s9;
	s9 =	rddreg [dreg:$0x5];
	[sflag:s18] =	ssyncadd.s32 $0xFFFFC000  }
0xed: {  	[spmem:s2] =	stream.indirect.scatter.add.f32 [tilespmem:s16], [sflag:$0x3], $0x80, s9, s15, $0xb8;
	[tilespmem:$0x1D000] =	vst v63  }
0xee: {  	_ =	swait.ge [sflag:s13], $0x4000  }
0xef: {  	[sflag:s13] =	ssyncset.done $0x0  }
0xf0: {  	s5 =	rddreg [dreg:$0x6];
	[sflag:s13] =	ssyncadd.s32 $0xFFFFC000  }
0xf1: {  	[tilespmem:s12], [sflag:$0x1] =	stream.indirect.gather [hbm4b:s4+s15], $0x80, s5, s15, $0xb8;
	[tilespmem:$0x1D000] =	vst v63  }
0xf2: {  	s9 =	rddreg [dreg:$0x7]  }
0xf3: {  	[tilespmem:s16], [sflag:$0x2] =	stream.indirect.gather [hbm4b:s4+s15], $0x80, s9, s15, $0xb8;
	[tilespmem:$0x1D000] =	vst v63  }
0xf4: {  	_ =	swait.ge [sflag:s17], $0x4000  }
0xf5: {  	[sflag:s17] =	ssyncset.done $0x0  }
0xf6: {  	s9 =	rddreg [dreg:$0x8];
	[sflag:s17] =	ssyncadd.s32 $0xFFFFC000  }
0xf7: {  	[spmem:s2] =	stream.indirect.scatter.add.f32 [tilespmem:s12], [sflag:$0x3], $0x80, s9, s15, $0xb8;
	[tilespmem:$0x1D000] =	vst v63  }
0xf8: {  	_ =	swait.ge [sflag:s13], $0x4000  }
0xf9: {  	[sflag:s13] =	ssyncset.done $0x0  }
0xfa: {  	[sflag:s13] =	ssyncadd.s32 $0xFFFFC000  }
0xfb: {  	_ =	swait.ge [sflag:s18], $0x4000  }
0xfc: {  	[sflag:s18] =	ssyncset.done $0x0  }
0xfd: {  	s9 =	rddreg [dreg:$0x9];
	[sflag:s18] =	ssyncadd.s32 $0xFFFFC000  }
0xfe: {  	[spmem:s2] =	stream.indirect.scatter.add.f32 [tilespmem:s16], [sflag:$0x3], $0x80, s9, s15, $0xb8;
	[tilespmem:$0x1D000] =	vst v63  }
0xff: {  	_ =	swait.ge [sflag:s13], $0x4000  }
0x100: {  	[sflag:s13] =	ssyncset.done $0x0  }
0x101: {  	s5 =	rddreg [dreg:$0xa];
	[sflag:s13] =	ssyncadd.s32 $0xFFFFC000  }
0x102: {  	[tilespmem:s12], [sflag:$0x1] =	stream.indirect.gather [hbm4b:s4+s15], $0x80, s5, s15, $0xb8;
	[tilespmem:$0x1D000] =	vst v63  }
0x103: {  	s9 =	rddreg [dreg:$0xb]  }
0x104: {  	[tilespmem:s16], [sflag:$0x2] =	stream.indirect.gather [hbm4b:s4+s15], $0x80, s9, s15, $0xb8;
	[tilespmem:$0x1D000] =	vst v63  }
0x105: {  	_ =	swait.ge [sflag:s17], $0x4000  }
0x106: {  	[sflag:s17] =	ssyncset.done $0x0  }
0x107: {  	s9 =	rddreg [dreg:$0xc];
	[sflag:s17] =	ssyncadd.s32 $0xFFFFC000  }
0x108: {  	[spmem:s2] =	stream.indirect.scatter.add.f32 [tilespmem:s12], [sflag:$0x3], $0x80, s9, s15, $0xb8;
	[tilespmem:$0x1D000] =	vst v63  }
0x109: {  	_ =	swait.ge [sflag:s13], $0x4000  }
0x10a: {  	[sflag:s13] =	ssyncset.done $0x0  }
0x10b: {  	[sflag:s13] =	ssyncadd.s32 $0xFFFFC000  }
0x10c: {  	_ =	swait.ge [sflag:s18], $0x4000  }
0x10d: {  	[sflag:s18] =	ssyncset.done $0x0  }
0x10e: {  	s9 =	rddreg [dreg:$0xd];
	[sflag:s18] =	ssyncadd.s32 $0xFFFFC000  }
0x10f: {  	[spmem:s2] =	stream.indirect.scatter.add.f32 [tilespmem:s16], [sflag:$0x3], $0x80, s9, s15, $0xb8;
	[tilespmem:$0x1D000] =	vst v63  }
0x110: {  	_ =	swait.ge [sflag:s13], $0x4000  }
0x111: {  	[sflag:s13] =	ssyncset.done $0x0  }
0x112: {  	s5 =	rddreg [dreg:$0xe];
	[sflag:s13] =	ssyncadd.s32 $0xFFFFC000  }
0x113: {  	[tilespmem:s12], [sflag:$0x1] =	stream.indirect.gather [hbm4b:s4+s15], $0x80, s5, s15, $0xb8;
	[tilespmem:$0x1D000] =	vst v63  }
0x114: {  	s9 =	rddreg [dreg:$0xf]  }
0x115: {  	[tilespmem:s16], [sflag:$0x2] =	stream.indirect.gather [hbm4b:s4+s15], $0x80, s9, s15, $0xb8;
	[tilespmem:$0x1D000] =	vst v63  }
0x116: {  	_ =	swait.ge [sflag:s17], $0x4000  }
0x117: {  	[sflag:s17] =	ssyncset.done $0x0  }
0x118: {  	s9 =	rddreg [dreg:$0x10];
	[sflag:s17] =	ssyncadd.s32 $0xFFFFC000  }
0x119: {  	[spmem:s2] =	stream.indirect.scatter.add.f32 [tilespmem:s12], [sflag:$0x3], $0x80, s9, s15, $0xb8;
	[tilespmem:$0x1D000] =	vst v63  }
0x11a: {  	_ =	swait.ge [sflag:s13], $0x4000  }
0x11b: {  	[sflag:s13] =	ssyncset.done $0x0  }
0x11c: {  	[sflag:s13] =	ssyncadd.s32 $0xFFFFC000  }
0x11d: {  	_ =	swait.ge [sflag:s18], $0x4000  }
0x11e: {  	[sflag:s18] =	ssyncset.done $0x0  }
0x11f: {  	[sflag:s18] =	ssyncadd.s32 $0xFFFFC000  }
0x120: {  	[spmem:s2] =	stream.indirect.scatter.add.f32 [tilespmem:s16], [sflag:$0x3], $0x80, s19, s15, $0xb8;
	[tilespmem:$0x1D000] =	vst v63  }
0x121: {  	_ =	swait.ge [sflag:s13], $0x4000  }
0x122: {  	[sflag:s13] =	ssyncset.done $0x0  }
0x123: {  	[sflag:s13] =	ssyncadd.s32 $0xFFFFC000  }
0x124: {  	[tilespmem:s12], [sflag:$0x1] =	stream.indirect.gather [hbm4b:s4+s15], $0x80, s20, s15, $0xb8;
	[tilespmem:$0x1D000] =	vst v63  }
0x125: {  	_ = 	snop  }
0x126: {  	[tilespmem:s16], [sflag:$0x2] =	stream.indirect.gather [hbm4b:s4+s15], $0x80, s21, s15, $0xb8;
	[tilespmem:$0x1D000] =	vst v63  }
0x127: {  	_ =	swait.ge [sflag:s17], $0x4000  }
0x128: {  	[sflag:s17] =	ssyncset.done $0x0  }
0x129: {  	[sflag:s17] =	ssyncadd.s32 $0xFFFFC000  }
0x12a: {  	[spmem:s2] =	stream.indirect.scatter.add.f32 [tilespmem:s12], [sflag:$0x3], $0x80, s22, s15, $0xb8;
	[tilespmem:$0x1D000] =	vst v63  }
0x12b: {  	_ =	swait.ge [sflag:s13], $0x4000  }
0x12c: {  	[sflag:s13] =	ssyncset.done $0x0  }
0x12d: {  	[sflag:s13] =	ssyncadd.s32 $0xFFFFC000  }
0x12e: {  	_ =	swait.ge [sflag:s18], $0x4000  }
0x12f: {  	[sflag:s18] =	ssyncset.done $0x0  }
0x130: {  	[sflag:s18] =	ssyncadd.s32 $0xFFFFC000  }
0x131: {  	[spmem:s2] =	stream.indirect.scatter.add.f32 [tilespmem:s16], [sflag:$0x3], $0x80, s23, s15, $0xb8;
	[tilespmem:$0x1D000] =	vst v63  }
0x132: {  	_ =	swait.ge [sflag:s13], $0x4000  }
0x133: {  	[sflag:s13] =	ssyncset.done $0x0  }
0x134: {  	[sflag:s13] =	ssyncadd.s32 $0xFFFFC000  }
0x135: {  	[tilespmem:s12], [sflag:$0x1] =	stream.indirect.gather [hbm4b:s4+s15], $0x80, s24, s15, $0xb8;
	[tilespmem:$0x1D000] =	vst v63  }
0x136: {  	_ = 	snop  }
0x137: {  	[tilespmem:s16], [sflag:$0x2] =	stream.indirect.gather [hbm4b:s4+s15], $0x80, s25, s15, $0xb8;
	[tilespmem:$0x1D000] =	vst v63  }
0x138: {  	_ =	swait.ge [sflag:s17], $0x4000  }
0x139: {  	[sflag:s17] =	ssyncset.done $0x0  }
0x13a: {  	[sflag:s17] =	ssyncadd.s32 $0xFFFFC000  }
0x13b: {  	[spmem:s2] =	stream.indirect.scatter.add.f32 [tilespmem:s12], [sflag:$0x3], $0x80, s26, s15, $0xb8;
	[tilespmem:$0x1D000] =	vst v63  }
0x13c: {  	_ =	swait.ge [sflag:s13], $0x4000  }
0x13d: {  	[sflag:s13] =	ssyncset.done $0x0  }
0x13e: {  	[sflag:s13] =	ssyncadd.s32 $0xFFFFC000  }
0x13f: {  	_ =	swait.ge [sflag:s18], $0x4000  }
0x140: {  	[sflag:s18] =	ssyncset.done $0x0  }
0x141: {  	[sflag:s18] =	ssyncadd.s32 $0xFFFFC000  }
0x142: {  	[spmem:s2] =	stream.indirect.scatter.add.f32 [tilespmem:s16], [sflag:$0x3], $0x80, s28, s15, $0xb8;
	[tilespmem:$0x1D000] =	vst v63  }
0x143: {  	_ =	swait.ge [sflag:s13], $0x4000  }
0x144: {  	[sflag:s13] =	ssyncset.done $0x0  }
0x145: {  	[sflag:s13] =	ssyncadd.s32 $0xFFFFC000  }
0x146: {  	[tilespmem:s12], [sflag:$0x1] =	stream.indirect.gather [hbm4b:s4+s15], $0x80, s29, s15, $0xb8;
	[tilespmem:$0x1D000] =	vst v63  }
0x147: {  	_ = 	snop  }
0x148: {  	[tilespmem:s16], [sflag:$0x2] =	stream.indirect.gather [hbm4b:s4+s15], $0x80, s30, s15, $0xb8;
	[tilespmem:$0x1D000] =	vst v63  }
0x149: {  	_ =	swait.ge [sflag:s17], $0x4000  }
0x14a: {  	[sflag:s17] =	ssyncset.done $0x0  }
0x14b: {  	[sflag:s17] =	ssyncadd.s32 $0xFFFFC000  }
0x14c: {  	[spmem:s2] =	stream.indirect.scatter.add.f32 [tilespmem:s12], [sflag:$0x3], $0x80, s31, s15, $0xb8;
	[tilespmem:$0x1D000] =	vst v63  }
0x14d: {  	_ =	swait.ge [sflag:s13], $0x4000  }
0x14e: {  	[sflag:s13] =	ssyncset.done $0x0  }
0x14f: {  	[sflag:s13] =	ssyncadd.s32 $0xFFFFC000  }
0x150: {  	_ =	swait.ge [sflag:s18], $0x4000  }
0x151: {  	[sflag:s18] =	ssyncset.done $0x0  }
0x152: {  	[sflag:s18] =	ssyncadd.s32 $0xFFFFC000  }
0x153: {  	[spmem:s2] =	stream.indirect.scatter.add.f32 [tilespmem:s16], [sflag:$0x3], $0x80, s1, s15, $0xb8;
	[tilespmem:$0x1D000] =	vst v63  }
0x154: {  	_ =	swait.ge [sflag:s13], $0x4000  }
0x155: {  	[sflag:s13] =	ssyncset.done $0x0  }
0x156: {  	[sflag:s13] =	ssyncadd.s32 $0xFFFFC000  }
0x157: {  	[tilespmem:s12], [sflag:$0x1] =	stream.indirect.gather [hbm4b:s4+s15], $0x80, s0, s15, $0xb8;
	[tilespmem:$0x1D000] =	vst v63  }
0x158: {  	_ = 	snop  }
0x159: {  	[tilespmem:s16], [sflag:$0x2] =	stream.indirect.gather [hbm4b:s4+s15], $0x80, s6, s15, $0xb8;
	[tilespmem:$0x1D000] =	vst v63  }
0x15a: {  	_ =	swait.ge [sflag:s17], $0x4000  }
0x15b: {  	[sflag:s17] =	ssyncset.done $0x0  }
0x15c: {  	[sflag:s17] =	ssyncadd.s32 $0xFFFFC000  }
0x15d: {  	[spmem:s2] =	stream.indirect.scatter.add.f32 [tilespmem:s12], [sflag:$0x3], $0x80, s7, s15, $0xb8;
	[tilespmem:$0x1D000] =	vst v63  }
0x15e: {  	_ =	swait.ge [sflag:s13], $0x4000  }
0x15f: {  	[sflag:s13] =	ssyncset.done $0x0  }
0x160: {  	[sflag:s13] =	ssyncadd.s32 $0xFFFFC000  }
0x161: {  	p0 =	sne.s32 s11, $0x400;
	_ =	swait.ge [sflag:s18], $0x4000  }
.Ltmp1:
0x162: {  	[sflag:s18] =	ssyncset.done $0x0;
	(pc) =	sbr.rel @p0 .LBB2_4-.Ltmp1, $4  }
0x163: {  	[sflag:s18] =	ssyncadd.s32 $0xFFFFC000  }
0x164: {  	[spmem:s2] =	stream.indirect.scatter.add.f32 [tilespmem:s16], [sflag:$0x3], $0x80, s8, s15, $0xb8;
	[tilespmem:$0x1D000] =	vst v63  }
0x165: {  	_ =	swait.ge [sflag:s13], $0x4000  }
0x166: {  	s11 =	sadd.s32 $0x100, s11;
	s5 =	rddreg [dreg:$0x4];
	[sflag:s13] =	ssyncset.done $0x0  }
0x167: {  	[sflag:s13] =	ssyncadd.s32 $0xFFFFC000;
	s5 =	sadd.s32 s10, s5  }
0x168: {  	[tilespmem:s3], [sflag:$0x3] =	stream.linear.gather [hbm4b:s5+s3], $0x800, $0x38;
	[tilespmem:$0x1D000] =	vst v63  }
0x169: {  	_ =	swait.ge [sflag:s13], $0x800  }
0x16a: {  	s11 =	rddreg [dreg:$0x3];
	[sflag:s13] =	ssyncset.done $0x0  }
0x16b: {  	[sflag:s13] =	ssyncadd.s32 $0xFFFFF800;
	s5 =	sadd.s32 s10, s11  }
0x16c: {  	[tilespmem:s14], [sflag:$0x3] =	stream.linear.gather [hbm4b:s5+s3], $0x800, $0x38;
	[tilespmem:$0x1D000] =	vst v63  }
0x16d: {  	_ =	swait.ge [sflag:s13], $0x800  }
0x16e: {  	[sflag:s13] =	ssyncset.done $0x0  }
0x16f: {  	[sflag:s13] =	ssyncadd.s32 $0xFFFFF800  }
0x170: {  	[tilespmem:s12], [sflag:$0x1] =	stream.indirect.gather [hbm4b:s4+s15], $0x80, s3, s15, $0xb8;
	[tilespmem:$0x1D000] =	vst v63  }
0x171: {  	_ = 	snop  }
0x172: {  	[tilespmem:s16], [sflag:$0x2] =	stream.indirect.gather [hbm4b:s4+s15], $0x80, s15, s15, $0xb8;
	[tilespmem:$0x1D000] =	vst v63  }
0x173: {  	_ =	swait.ge [sflag:s17], $0x4000  }
0x174: {  	[sflag:s17] =	ssyncset.done $0x0  }
0x175: {  	[sflag:s17] =	ssyncadd.s32 $0xFFFFC000  }
0x176: {  	[spmem:s2] =	stream.indirect.scatter.add.f32 [tilespmem:s12], [sflag:$0x3], $0x80, s14, s15, $0xb8;
	[tilespmem:$0x1D000] =	vst v63  }
0x177: {  	_ =	swait.ge [sflag:s13], $0x4000  }
0x178: {  	[sflag:s13] =	ssyncset.done $0x0  }
0x179: {  	[sflag:s13] =	ssyncadd.s32 $0xFFFFC000  }
0x17a: {  	_ =	swait.ge [sflag:s18], $0x4000  }
0x17b: {  	[sflag:s18] =	ssyncset.done $0x0  }
0x17c: {  	s9 =	rddreg [dreg:$0x5];
	[sflag:s18] =	ssyncadd.s32 $0xFFFFC000  }
0x17d: {  	[spmem:s2] =	stream.indirect.scatter.add.f32 [tilespmem:s16], [sflag:$0x3], $0x80, s9, s15, $0xb8;
	[tilespmem:$0x1D000] =	vst v63  }
0x17e: {  	_ =	swait.ge [sflag:s13], $0x4000  }
0x17f: {  	[sflag:s13] =	ssyncset.done $0x0  }
0x180: {  	s10 =	rddreg [dreg:$0x6];
	[sflag:s13] =	ssyncadd.s32 $0xFFFFC000  }
0x181: {  	[tilespmem:s12], [sflag:$0x1] =	stream.indirect.gather [hbm4b:s4+s15], $0x80, s10, s15, $0xb8;
	[tilespmem:$0x1D000] =	vst v63  }
0x182: {  	s9 =	rddreg [dreg:$0x7]  }
0x183: {  	[tilespmem:s16], [sflag:$0x2] =	stream.indirect.gather [hbm4b:s4+s15], $0x80, s9, s15, $0xb8;
	[tilespmem:$0x1D000] =	vst v63  }
0x184: {  	_ =	swait.ge [sflag:s17], $0x4000  }
0x185: {  	[sflag:s17] =	ssyncset.done $0x0  }
0x186: {  	s11 =	rddreg [dreg:$0x8];
	[sflag:s17] =	ssyncadd.s32 $0xFFFFC000  }
0x187: {  	[spmem:s2] =	stream.indirect.scatter.add.f32 [tilespmem:s12], [sflag:$0x3], $0x80, s11, s15, $0xb8;
	[tilespmem:$0x1D000] =	vst v63  }
0x188: {  	_ =	swait.ge [sflag:s13], $0x4000  }
0x189: {  	[sflag:s13] =	ssyncset.done $0x0  }
0x18a: {  	[sflag:s13] =	ssyncadd.s32 $0xFFFFC000  }
0x18b: {  	_ =	swait.ge [sflag:s18], $0x4000  }
0x18c: {  	[sflag:s18] =	ssyncset.done $0x0  }
0x18d: {  	s9 =	rddreg [dreg:$0x9];
	[sflag:s18] =	ssyncadd.s32 $0xFFFFC000  }
0x18e: {  	[spmem:s2] =	stream.indirect.scatter.add.f32 [tilespmem:s16], [sflag:$0x3], $0x80, s9, s15, $0xb8;
	[tilespmem:$0x1D000] =	vst v63  }
0x18f: {  	_ =	swait.ge [sflag:s13], $0x4000  }
0x190: {  	[sflag:s13] =	ssyncset.done $0x0  }
0x191: {  	s10 =	rddreg [dreg:$0xa];
	[sflag:s13] =	ssyncadd.s32 $0xFFFFC000  }
0x192: {  	[tilespmem:s12], [sflag:$0x1] =	stream.indirect.gather [hbm4b:s4+s15], $0x80, s10, s15, $0xb8;
	[tilespmem:$0x1D000] =	vst v63  }
0x193: {  	s11 =	rddreg [dreg:$0xb]  }
0x194: {  	[tilespmem:s16], [sflag:$0x2] =	stream.indirect.gather [hbm4b:s4+s15], $0x80, s11, s15, $0xb8;
	[tilespmem:$0x1D000] =	vst v63  }
0x195: {  	_ =	swait.ge [sflag:s17], $0x4000  }
0x196: {  	[sflag:s17] =	ssyncset.done $0x0  }
0x197: {  	s10 =	rddreg [dreg:$0xc];
	[sflag:s17] =	ssyncadd.s32 $0xFFFFC000  }
0x198: {  	[spmem:s2] =	stream.indirect.scatter.add.f32 [tilespmem:s12], [sflag:$0x3], $0x80, s10, s15, $0xb8;
	[tilespmem:$0x1D000] =	vst v63  }
0x199: {  	_ =	swait.ge [sflag:s13], $0x4000  }
0x19a: {  	[sflag:s13] =	ssyncset.done $0x0  }
0x19b: {  	[sflag:s13] =	ssyncadd.s32 $0xFFFFC000  }
0x19c: {  	_ =	swait.ge [sflag:s18], $0x4000  }
0x19d: {  	[sflag:s18] =	ssyncset.done $0x0  }
0x19e: {  	s11 =	rddreg [dreg:$0xd];
	[sflag:s18] =	ssyncadd.s32 $0xFFFFC000  }
0x19f: {  	[spmem:s2] =	stream.indirect.scatter.add.f32 [tilespmem:s16], [sflag:$0x3], $0x80, s11, s15, $0xb8;
	[tilespmem:$0x1D000] =	vst v63  }
0x1a0: {  	_ =	swait.ge [sflag:s13], $0x4000  }
0x1a1: {  	[sflag:s13] =	ssyncset.done $0x0  }
0x1a2: {  	s9 =	rddreg [dreg:$0xe];
	[sflag:s13] =	ssyncadd.s32 $0xFFFFC000  }
0x1a3: {  	[tilespmem:s12], [sflag:$0x1] =	stream.indirect.gather [hbm4b:s4+s15], $0x80, s9, s15, $0xb8;
	[tilespmem:$0x1D000] =	vst v63  }
0x1a4: {  	s10 =	rddreg [dreg:$0xf]  }
0x1a5: {  	[tilespmem:s16], [sflag:$0x2] =	stream.indirect.gather [hbm4b:s4+s15], $0x80, s10, s15, $0xb8;
	[tilespmem:$0x1D000] =	vst v63  }
0x1a6: {  	_ =	swait.ge [sflag:s17], $0x4000  }
0x1a7: {  	[sflag:s17] =	ssyncset.done $0x0  }
0x1a8: {  	s11 =	rddreg [dreg:$0x10];
	[sflag:s17] =	ssyncadd.s32 $0xFFFFC000  }
0x1a9: {  	[spmem:s2] =	stream.indirect.scatter.add.f32 [tilespmem:s12], [sflag:$0x3], $0x80, s11, s15, $0xb8;
	[tilespmem:$0x1D000] =	vst v63  }
0x1aa: {  	_ =	swait.ge [sflag:s13], $0x4000  }
0x1ab: {  	[sflag:s13] =	ssyncset.done $0x0  }
0x1ac: {  	[sflag:s13] =	ssyncadd.s32 $0xFFFFC000  }
0x1ad: {  	_ =	swait.ge [sflag:s18], $0x4000  }
0x1ae: {  	[sflag:s18] =	ssyncset.done $0x0  }
0x1af: {  	[sflag:s18] =	ssyncadd.s32 $0xFFFFC000  }
0x1b0: {  	[spmem:s2] =	stream.indirect.scatter.add.f32 [tilespmem:s16], [sflag:$0x3], $0x80, s19, s15, $0xb8;
	[tilespmem:$0x1D000] =	vst v63  }
0x1b1: {  	_ =	swait.ge [sflag:s13], $0x4000  }
0x1b2: {  	[sflag:s13] =	ssyncset.done $0x0  }
0x1b3: {  	[sflag:s13] =	ssyncadd.s32 $0xFFFFC000  }
0x1b4: {  	[tilespmem:s12], [sflag:$0x1] =	stream.indirect.gather [hbm4b:s4+s15], $0x80, s20, s15, $0xb8;
	[tilespmem:$0x1D000] =	vst v63  }
0x1b5: {  	_ = 	snop  }
0x1b6: {  	[tilespmem:s16], [sflag:$0x2] =	stream.indirect.gather [hbm4b:s4+s15], $0x80, s21, s15, $0xb8;
	[tilespmem:$0x1D000] =	vst v63  }
0x1b7: {  	_ =	swait.ge [sflag:s17], $0x4000  }
0x1b8: {  	[sflag:s17] =	ssyncset.done $0x0  }
0x1b9: {  	[sflag:s17] =	ssyncadd.s32 $0xFFFFC000  }
0x1ba: {  	[spmem:s2] =	stream.indirect.scatter.add.f32 [tilespmem:s12], [sflag:$0x3], $0x80, s22, s15, $0xb8;
	[tilespmem:$0x1D000] =	vst v63  }
0x1bb: {  	_ =	swait.ge [sflag:s13], $0x4000  }
0x1bc: {  	[sflag:s13] =	ssyncset.done $0x0  }
0x1bd: {  	[sflag:s13] =	ssyncadd.s32 $0xFFFFC000  }
0x1be: {  	_ =	swait.ge [sflag:s18], $0x4000  }
0x1bf: {  	[sflag:s18] =	ssyncset.done $0x0  }
0x1c0: {  	[sflag:s18] =	ssyncadd.s32 $0xFFFFC000  }
0x1c1: {  	[spmem:s2] =	stream.indirect.scatter.add.f32 [tilespmem:s16], [sflag:$0x3], $0x80, s23, s15, $0xb8;
	[tilespmem:$0x1D000] =	vst v63  }
0x1c2: {  	_ =	swait.ge [sflag:s13], $0x4000  }
0x1c3: {  	[sflag:s13] =	ssyncset.done $0x0  }
0x1c4: {  	[sflag:s13] =	ssyncadd.s32 $0xFFFFC000  }
0x1c5: {  	[tilespmem:s12], [sflag:$0x1] =	stream.indirect.gather [hbm4b:s4+s15], $0x80, s24, s15, $0xb8;
	[tilespmem:$0x1D000] =	vst v63  }
0x1c6: {  	_ = 	snop  }
0x1c7: {  	[tilespmem:s16], [sflag:$0x2] =	stream.indirect.gather [hbm4b:s4+s15], $0x80, s25, s15, $0xb8;
	[tilespmem:$0x1D000] =	vst v63  }
0x1c8: {  	_ =	swait.ge [sflag:s17], $0x4000  }
0x1c9: {  	[sflag:s17] =	ssyncset.done $0x0  }
0x1ca: {  	[sflag:s17] =	ssyncadd.s32 $0xFFFFC000  }
0x1cb: {  	[spmem:s2] =	stream.indirect.scatter.add.f32 [tilespmem:s12], [sflag:$0x3], $0x80, s26, s15, $0xb8;
	[tilespmem:$0x1D000] =	vst v63  }
0x1cc: {  	_ =	swait.ge [sflag:s13], $0x4000  }
0x1cd: {  	[sflag:s13] =	ssyncset.done $0x0  }
0x1ce: {  	[sflag:s13] =	ssyncadd.s32 $0xFFFFC000  }
0x1cf: {  	_ =	swait.ge [sflag:s18], $0x4000  }
0x1d0: {  	[sflag:s18] =	ssyncset.done $0x0  }
0x1d1: {  	[sflag:s18] =	ssyncadd.s32 $0xFFFFC000  }
0x1d2: {  	[spmem:s2] =	stream.indirect.scatter.add.f32 [tilespmem:s16], [sflag:$0x3], $0x80, s28, s15, $0xb8;
	[tilespmem:$0x1D000] =	vst v63  }
0x1d3: {  	_ =	swait.ge [sflag:s13], $0x4000  }
0x1d4: {  	[sflag:s13] =	ssyncset.done $0x0  }
0x1d5: {  	[sflag:s13] =	ssyncadd.s32 $0xFFFFC000  }
0x1d6: {  	[tilespmem:s12], [sflag:$0x1] =	stream.indirect.gather [hbm4b:s4+s15], $0x80, s29, s15, $0xb8;
	[tilespmem:$0x1D000] =	vst v63  }
0x1d7: {  	_ = 	snop  }
0x1d8: {  	[tilespmem:s16], [sflag:$0x2] =	stream.indirect.gather [hbm4b:s4+s15], $0x80, s30, s15, $0xb8;
	[tilespmem:$0x1D000] =	vst v63  }
0x1d9: {  	_ =	swait.ge [sflag:s17], $0x4000  }
0x1da: {  	[sflag:s17] =	ssyncset.done $0x0  }
0x1db: {  	[sflag:s17] =	ssyncadd.s32 $0xFFFFC000  }
0x1dc: {  	[spmem:s2] =	stream.indirect.scatter.add.f32 [tilespmem:s12], [sflag:$0x3], $0x80, s31, s15, $0xb8;
	[tilespmem:$0x1D000] =	vst v63  }
0x1dd: {  	_ =	swait.ge [sflag:s13], $0x4000  }
0x1de: {  	[sflag:s13] =	ssyncset.done $0x0  }
0x1df: {  	[sflag:s13] =	ssyncadd.s32 $0xFFFFC000  }
0x1e0: {  	_ =	swait.ge [sflag:s18], $0x4000  }
0x1e1: {  	[sflag:s18] =	ssyncset.done $0x0  }
0x1e2: {  	[sflag:s18] =	ssyncadd.s32 $0xFFFFC000  }
0x1e3: {  	[spmem:s2] =	stream.indirect.scatter.add.f32 [tilespmem:s16], [sflag:$0x3], $0x80, s1, s15, $0xb8;
	[tilespmem:$0x1D000] =	vst v63  }
0x1e4: {  	_ =	swait.ge [sflag:s13], $0x4000  }
0x1e5: {  	[sflag:s13] =	ssyncset.done $0x0  }
0x1e6: {  	[sflag:s13] =	ssyncadd.s32 $0xFFFFC000  }
0x1e7: {  	[tilespmem:s12], [sflag:$0x1] =	stream.indirect.gather [hbm4b:s4+s15], $0x80, s0, s15, $0xb8;
	[tilespmem:$0x1D000] =	vst v63  }
0x1e8: {  	_ = 	snop  }
0x1e9: {  	[tilespmem:s16], [sflag:$0x2] =	stream.indirect.gather [hbm4b:s4+s15], $0x80, s6, s15, $0xb8;
	[tilespmem:$0x1D000] =	vst v63  }
0x1ea: {  	_ =	swait.ge [sflag:s17], $0x4000  }
0x1eb: {  	[sflag:s17] =	ssyncset.done $0x0  }
0x1ec: {  	[sflag:s17] =	ssyncadd.s32 $0xFFFFC000  }
0x1ed: {  	[spmem:s2] =	stream.indirect.scatter.add.f32 [tilespmem:s12], [sflag:$0x3], $0x80, s7, s15, $0xb8;
	[tilespmem:$0x1D000] =	vst v63  }
0x1ee: {  	_ =	swait.ge [sflag:s13], $0x4000  }
0x1ef: {  	[sflag:s13] =	ssyncset.done $0x0  }
0x1f0: {  	[sflag:s13] =	ssyncadd.s32 $0xFFFFC000  }
0x1f1: {  	_ =	swait.ge [sflag:s18], $0x4000  }
0x1f2: {  	[sflag:s18] =	ssyncset.done $0x0  }
0x1f3: {  	[sflag:s18] =	ssyncadd.s32 $0xFFFFC000  }
0x1f4: {  	[spmem:s2] =	stream.indirect.scatter.add.f32 [tilespmem:s16], [sflag:$0x3], $0x80, s8, s15, $0xb8;
	[tilespmem:$0x1D000] =	vst v63  }
0x1f5: {  	_ =	swait.ge [sflag:s13], $0x4000  }
0x1f6: {  	[sflag:s13] =	ssyncset.done $0x0  }
0x1f7: {  	[sflag:s13] =	ssyncadd.s32 $0xFFFFC000  }
0x1f8: {  	s9 =	stileid.u32;
	[bflag:$0x0] =	sbarrier.arrive $0xFFFF  }
0x1f9: {  	s5 =	sshll.u32 s9, $0x6;
	s10 =	rddreg [dreg:$0x11]  }
0x1fa: {  	s5 =	sor.u32 $0x1C03, s5;
	s11 =	rddreg [dreg:$0x16];
	s9 =	sshrl.u32 s10, $0x3  }
0x1fb: {  	[hbm:s11], [sflag:s5] =	dma.local [spmem:s9], $0x2800  }
0x1fc: {  	_ =	swait.ge [sflag:s13], $0x2800  }
0x1fd: {  	s10 =	rddreg [dreg:$0x18]  }
0x1fe: {  	s11 =	rddreg [dreg:$0x17];
	s9 =	sadd.s32 $0x1, s10  }
0x1ff: {  	p0 =	sne.s32 s9, s11  }
.Ltmp2:
0x200: {  	_ = 	snop;
	(pc) =	sbr.rel @p0 .LBB2_1-.Ltmp2, $3  }
0x201: {  	_ =	sdelay $0x1  }
0x202: {  	[sflag:s13] =	ssyncset.done $0x0  }
0x203: {  	[sflag:s13] =	ssyncadd.s32 $0xFFFFD800  }
0x204: {  	_ =	sfence.sel $0x180000  }
0x205: {  	[bflag:$0x0] =	sbarrier.arrive $0xFFFF  }
0x206: {  	_ =	strace $0x9000004A  }
0x207: {  	s0 =	stileid.u32;
	[bflag:$0x2] =	sbarrier.arrive $0xFFFF  }
0x208: {  	p0 =	sne.s32 s0, $0x0;
	s0 =	rddreg [dreg:$0x2]  }
0x209: {  	s0 =	sadd.s32 @!p0 $0x100000, s0  }
0x20a: {  	[sflag:s0] =	ssyncadd.tile.s32 @!p0 $0x1;
	_ =	shalt  }
.Lfunc_end2:
_tile_overlayer_lowered:
.L_overlay_start_2:
0x20b: {  	(tag) =	ssettag $0x2  }
0x20c: {  	s0 =	rddreg [dreg:$0x0];
	s2 =	stileid.u32  }
0x20d: {  	s1 =	rddreg [dreg:$0x1];
	p0 =	sne.s32 s2, $0x0  }
0x20e: {  	s3 =	rddreg [dreg:$0x2];
	[bflag:$0x3] =	sbarrier.arrive $0xFFFF;
	s2 =	simm.s32 @!p0 $0x1C03  }
0x20f: {  	[timem:s3], [sflag:s2] =	dma.local @!p0 [hbm:s0], s1  }
0x210: {  	s0 =	simm.s32 @!p0 $0x3  }
0x211: {  	_ =	swait.ge @!p0 [sflag:s0], s1  }
0x212: {  	s1 =	ssub.s32 @!p0 $0x0, s1;
	[sflag:s0] =	ssyncset.done @!p0 $0x0  }
0x213: {  	[sflag:s0] =	ssyncadd.s32 @!p0 s1  }
0x214: {  	[bflag:$0x3] =	sbarrier.arrive $0xFFFF  }
0x215: {  	_ =	shalt  }

// kernel: kernel.19.cloned.1.call-start
scs
__scs_entry_jumppad:
0x0: {  	(pc) =	sbr.rel $0x88, $3  }
0x1: {  	(tag) =	ssettag $0x0;
	lr =	simm.s32 $0x1  }
0x2: {  	[smem:$0x3F92] =	sst lr;
	_ =	strace $0xD0000000  }
0x3: {  	_ = 	snop  }
0x4: {  	_ = 	snop  }
0x5: {  	_ = 	snop  }
0x6: {  	_ = 	snop  }
0x7: {  	_ = 	snop  }
__scs_overlays_trampoline_lowered:
0x8: {  	[smem:$0x3FA1] =	sst s0  }
0x9: {  	[smem:$0x3FA2] =	sst s1  }
0xa: {  	[smem:$0x3FA3] =	sst s2  }
0xb: {  	[smem:$0x3FA4] =	sst s3  }
0xc: {  	[smem:$0x3FA5] =	sst s4  }
0xd: {  	[smem:$0x3FA6] =	sst s5  }
0xe: {  	[smem:$0x3FA7] =	sst s6  }
0xf: {  	[smem:$0x3FA8] =	sst s7  }
0x10: {  	[smem:$0x3FA9] =	sst s8  }
0x11: {  	[smem:$0x3FAA] =	sst s9;
	s0 =	simm.s32 @!p0 $0x0  }
0x12: {  	s1 =	sld [smem:$0x3F90];
	s0 =	simm.s32 @p0 $0x1  }
0x13: {  	[smem:$0x3FAB] =	sst s0;
	s0 =	simm.s32 @!p1 $0x0  }
0x14: {  	s2 =	sld [smem:$0x3F8F];
	s0 =	simm.s32 @p1 $0x1  }
0x15: {  	[smem:$0x3FAC] =	sst s0;
	s0 =	simm.s32 @!p2 $0x0  }
0x16: {  	s3 =	sld [smem:$0x3FDB];
	s0 =	simm.s32 @p2 $0x1  }
0x17: {  	s4 =	simm.s32 $0x1BF5;
	[smem:$0x3FAE] =	sst s0  }
0x18: {  	s0 =	sld [smem:$0x3F91];
	_ =	swait.ge [sflag:s4], $0x0  }
0x19: {  	s7 =	sld [smem:$0x3F92]  }
0x1a: {  	s8 =	sadd.s32 $0xFFFFE003, lr  }
0x1b: {  	s9 =	sadd.s32 $0xFFFFFEF7, lr;
	s5 =	simm.s32 $0xFFFFFFFF;
	p2 =	slt.u32 s8, $0xFFFFF086  }
0x1c: {  	p1 =	slt.u32 s9, $0xF7A;
	s5 =	simm.s32 @!p2 $0x0  }
0x1d: {  	s5 =	simm.s32 @p1 $0x1;
	p0 =	seq.s32 s7, s2  }
0x1e: {  	s7 =	smul.u32 @!p0 $0xF7A, s2;
	p2 =	seq.s32 @!p0 s5, $0x0  }
0x1f: {  	s9 =	smul.u32 $0xF7A, s1;
	s8 =	simm.s32 @!p0 $0x1BF5;
	p2 =	por !p2, p0  }
0x20: {  	[sflag:s8] =	ssyncset.s32 @!p0 $0xFFFFF086;
	s6 =	sadd.s32 @!p0 s3, s7;
	s7 =	simm.s32 @!p0 $0x108  }
0x21: {  	s3 =	sadd.s32 s3, s9;
	s6 =	sadd.s32 @!p0 $0x88, s6;
	s7 =	simm.s32 @p2 $0x1082  }
0x22: {  	[simem:s7], [sflag:s8] =	dma.local @!p0 [hbm:s6], $0xF7A  }
0x23: {  	s9 =	sor.u32 $0xD0000000, s2;
	s6 =	simm.s32 $0x108;
	_ =	swait.ge @!p0 [sflag:s8], $0x0  }
0x24: {  	s3 =	sadd.s32 $0x88, s3;
	s6 =	simm.s32 @!p1 $0x1082;
	[sflag:s4] =	ssyncset.s32 $0xFFFFF086  }
0x25: {  	[simem:s6], [sflag:s4] =	dma.local [hbm:s3], $0xF7A  }
0x26: {  	[smem:$0x3F92] =	sst s1;
	(tag) =	ssettag s2;
	_ =	strace s9  }
0x27: {  	s1 =	sld [smem:$0x3FA2]  }
0x28: {  	s2 =	sld [smem:$0x3FA3]  }
0x29: {  	s4 =	sld [smem:$0x3FA5]  }
0x2a: {  	p0 =	seq.s32 s5, $0x0;
	s5 =	sld [smem:$0x3FA6]  }
0x2b: {  	s6 =	sld [smem:$0x3FA7]  }
0x2c: {  	s7 =	sld [smem:$0x3FA8]  }
0x2d: {  	s3 =	simm.s32 $0x108;
	s8 =	sld [smem:$0x3FA9]  }
0x2e: {  	s3 =	simm.s32 @!p0 $0x1082;
	s9 =	sld [smem:$0x3FAA]  }
0x2f: {  	lr =	sadd.s32 s0, s3;
	s0 =	sld [smem:$0x3FA1]  }
0x30: {  	s3 =	sld [smem:$0x3FA4]  }
0x31: {  	[smem:$0x3FAD] =	sst s10  }
0x32: {  	s10 =	sld [smem:$0x3FAB];
	_ =	sdelay $0x3  }
0x33: {  	p0 =	seq.s32 s10, $0x1;
	s10 =	sld [smem:$0x3FAD];
	_ =	sdelay $0x3  }
0x34: {  	[smem:$0x3FAD] =	sst s10  }
0x35: {  	s10 =	sld [smem:$0x3FAC];
	_ =	sdelay $0x3  }
0x36: {  	p1 =	seq.s32 s10, $0x1;
	s10 =	sld [smem:$0x3FAD];
	_ =	sdelay $0x3  }
0x37: {  	[smem:$0x3FAD] =	sst s10  }
0x38: {  	s10 =	sld [smem:$0x3FAE]  }
0x39: {  	_ = 	snop;
	(pc) =	sbr.ind lr, $3  }
0x3a: {  	_ = 	snop  }
0x3b: {  	_ = 	snop  }
0x3c: {  	p2 =	seq.s32 s10, $0x1;
	s10 =	sld [smem:$0x3FAD]  }
0x3d: {  	_ =	shalt  }
0x3e: {  	_ =	shalt  }
0x3f: {  	_ =	shalt  }
0x40: {  	_ =	shalt  }
0x41: {  	_ =	shalt  }
0x42: {  	_ =	shalt  }
0x43: {  	_ =	shalt  }
0x44: {  	_ =	shalt  }
0x45: {  	_ =	shalt  }
0x46: {  	_ =	shalt  }
0x47: {  	_ =	shalt  }
0x48: {  	_ =	shalt  }
0x49: {  	_ =	shalt  }
0x4a: {  	_ =	shalt  }
0x4b: {  	_ =	shalt  }
0x4c: {  	_ =	shalt  }
0x4d: {  	_ =	shalt  }
0x4e: {  	_ =	shalt  }
0x4f: {  	_ =	shalt  }
0x50: {  	_ =	shalt  }
0x51: {  	_ =	shalt  }
0x52: {  	_ =	shalt  }
0x53: {  	_ =	shalt  }
0x54: {  	_ =	shalt  }
0x55: {  	_ =	shalt  }
0x56: {  	_ =	shalt  }
0x57: {  	_ =	shalt  }
0x58: {  	_ =	shalt  }
0x59: {  	_ =	shalt  }
0x5a: {  	_ =	shalt  }
0x5b: {  	_ =	shalt  }
0x5c: {  	_ =	shalt  }
0x5d: {  	_ =	shalt  }
0x5e: {  	_ =	shalt  }
0x5f: {  	_ =	shalt  }
0x60: {  	_ =	shalt  }
0x61: {  	_ =	shalt  }
0x62: {  	_ =	shalt  }
0x63: {  	_ =	shalt  }
0x64: {  	_ =	shalt  }
0x65: {  	_ =	shalt  }
0x66: {  	_ =	shalt  }
0x67: {  	_ =	shalt  }
0x68: {  	_ =	shalt  }
0x69: {  	_ =	shalt  }
0x6a: {  	_ =	shalt  }
0x6b: {  	_ =	shalt  }
0x6c: {  	_ =	shalt  }
0x6d: {  	_ =	shalt  }
0x6e: {  	_ =	shalt  }
0x6f: {  	_ =	shalt  }
0x70: {  	_ =	shalt  }
0x71: {  	_ =	shalt  }
0x72: {  	_ =	shalt  }
0x73: {  	_ =	shalt  }
0x74: {  	_ =	shalt  }
0x75: {  	_ =	shalt  }
0x76: {  	_ =	shalt  }
0x77: {  	_ =	shalt  }
0x78: {  	_ =	shalt  }
0x79: {  	_ =	shalt  }
0x7a: {  	_ =	shalt  }
0x7b: {  	_ =	shalt  }
0x7c: {  	_ =	shalt  }
0x7d: {  	_ =	shalt  }
0x7e: {  	_ =	shalt  }
0x7f: {  	_ =	shalt  }
0x80: {  	_ =	shalt  }
0x81: {  	_ =	shalt  }
0x82: {  	_ =	shalt  }
0x83: {  	_ =	shalt  }
0x84: {  	_ =	shalt  }
0x85: {  	_ =	shalt  }
0x86: {  	_ =	shalt  }
0x87: {  	_ =	shalt  }
.Lfunc_end0:
.L_simem_size_0:
called_computation.3_lowered:
.L_overlay_start_0:
0x88: {  	s2 =	sld [smem:$0x3FD9]  }
0x89: {  	s3 =	sld [smem:$0x3FFE];
	_ =	sdelay $0x1  }
0x8a: {  	s1 =	srdreg.scid  }
0x8b: {  	s0 =	sand.u32 $0x1, s1  }
0x8c: {  	s17 =	sshll.u32 s0, $0xA;
	s2 =	sadd.s32 s3, s2  }
0x8d: {  	s2 =	sadd.s32 s2, s17  }
0x8e: {  	[smem:$0x3FB9] =	sst s2  }
0x8f: {  	_ = 	snop  }
0x90: {  	(tm) =	ssettm $0x1  }
0x91: {  	s18 =	sld [smem:$0x3FFB];
	_ =	sdelay $0x3  }
0x92: {  	_ =	strace s18  }
0x93: {  	s2 =	sld [smem:$0x3FFC];
	_ =	sdelay $0x3  }
0x94: {  	_ =	strace s2  }
0x95: {  	s2 =	sld [smem:$0x3FFD];
	_ =	sdelay $0x3  }
0x96: {  	_ =	strace s2  }
0x97: {  	_ =	strace $0x8FFFFFFF  }
0x98: {  	s19 =	sld [smem:$0x3FDB];
	_ =	sdelay $0x1  }
0x99: {  	s20 =	simm.s32 $_scs_section_size  }
0x9a: {  	s4 =	simm.s32 $_size__tile_overlayer_lowered;
	s5 =	simm.s32 $_tile_overlayer_lowered  }
0x9b: {  	s6 =	simm.s32 $0x1BFF;
	s21 =	sshll.u32 s5, $0x1;
	s3 =	sadd.s32 s20, s19  }
0x9c: {  	s22 =	simm.s32 $0x0;
	s4 =	sshll.u32 s4, $0x1;
	s5 =	sadd.s32 s21, s3  }
0x9d: {  	[timem:s22], [sflag:s6] =	dma.local [hbm:s5], s4  }
0x9e: {  	_ =	swait.ge [sflag:s6], s4  }
0x9f: {  	s4 =	ssub.s32 $0x0, s4;
	[sflag:s6] =	ssyncset.done $0x0  }
0xa0: {  	[sflag:s6] =	ssyncadd.s32 s4;
	_ =	sdelay $0x1  }
0xa1: {  	s23 =	simm.s32 $0x1B8B  }
0xa2: {  	_ =	swait.ge [sflag:s23], $0x1  }
0xa3: {  	[sflag:s23] =	ssyncset.done $0x0  }
0xa4: {  	[sflag:s23] =	ssyncadd.s32 $0xFFFFFFFF  }
0xa5: {  	s4 =	sld [smem:$0x0]  }
0xa6: {  	s5 =	sand.u32 $0xFFFFFFFE, s1  }
0xa7: {  	p0 =	sne.s32 s1, s5  }
0xa8: {  	s5 =	sshll.u32 @p0 s5, $0xE  }
0xa9: {  	s5 =	sadd.s32 @p0 $0x11B8D, s5;
	s6 =	sshll.u32 @p0 s4, $0x11  }
0xaa: {  	s5 =	sor.u32 @p0 s6, s5  }
0xab: {  	[sflag:s5] =	ssyncadd.remote.s32 @p0 $0x1;
	_ =	sdelay $0x1  }
0xac: {  	s5 =	simm.s32 @p0 $0x1B8D  }
0xad: {  	_ =	swait.eq @p0 [sflag:s5], $0x1  }
0xae: {  	[sflag:s5] =	ssyncadd.s32 @p0 $0xFFFFFFFF  }
0xaf: {  	s6 =	sshll.u32 @!p0 s1, $0xE  }
0xb0: {  	s6 =	sor.u32 @!p0 $0x4000, s6;
	s5 =	simm.s32 @!p0 $0x1B8D  }
0xb1: {  	s4 =	sshll.u32 @!p0 s4, $0x11;
	s6 =	sadd.s32 @!p0 $0x11B8D, s6;
	_ =	swait.eq @!p0 [sflag:s5], $0x1  }
0xb2: {  	s4 =	sor.u32 @!p0 s4, s6;
	[sflag:s5] =	ssyncadd.s32 @!p0 $0xFFFFFFFF  }
0xb3: {  	s25 =	simm.s32 $0x1B8E;
	s24 =	sld [smem:$0x3FFE];
	[sflag:s4] =	ssyncadd.remote.s32 @!p0 $0x1  }
0xb4: {  	s26 =	simm.s32 $execute0_lowered;
	[smem:$0x3FD2] =	sst s25  }
0xb5: {  	s5 =	sshll.u32 s26, $0x1;
	_ =	strace $0x8000004F;
	[dreg:$0x1] =	wrdreg $0xFFFFFFFF  }
0xb6: {  	s28 =	simm.s32 $_size_execute0_lowered;
	s3 =	sadd.s32 s3, s5;
	[dreg:$0x0] =	wrdreg $0x0  }
0xb7: {  	s5 =	sshll.u32 s28, $0x1;
	[dreg:$0x2] =	wrdreg s3  }
0xb8: {  	[dreg:$0x3] =	wrdreg s5  }
0xb9: {  	[dreg:$0x4] =	wrdreg $0xC0  }
0xba: {  	_ =	task [dreg:s22], $0x5FFFF  }
0xbb: {  	[dreg:$0x1] =	wrdreg $0xFFFFFFFF  }
0xbc: {  	[dreg:$0x0] =	wrdreg $0x60  }
0xbd: {  	[dreg:$0x2] =	wrdreg s24  }
0xbe: {  	[dreg:$0x3] =	wrdreg $0x90000  }
0xbf: {  	[dreg:$0x4] =	wrdreg $0xA  }
0xc0: {  	_ =	task.clear_ibuf [dreg:s22], $0x5FFFF;
	_ =	strace $0x9000004F  }
0xc1: {  	s29 =	simm.s32 $0xA;
	_ =	strace $0x80000051  }
0xc2: {  	_ =	swait.ge [sflag:s29], $0x1  }
0xc3: {  	[sflag:s29] =	ssyncadd.s32 $0xFFFFFFFF  }
0xc4: {  	_ =	strace $0x90000051  }
0xc5: {  	_ =	sfence  }
0xc6: {  	s30 =	sld [smem:$0x0];
	_ =	sdelay $0x2  }
0xc7: {  	s31 =	sshll.u32 s1, $0xD;
	s1 =	sshrl.u32 s1, $0x2  }
0xc8: {  	s4 =	sand.u32 $0x4000, s31;
	s1 =	sadd.s32 s1, s30  }
0xc9: {  	s0 =	sor.u32 s4, s0;
	s1 =	sshll.u32 s1, $0x11  }
0xca: {  	s0 =	sor.u32 s1, s0  }
0xcb: {  	s0 =	sadd.s32 $0x8F2B, s0  }
0xcc: {  	[sflag:s0] =	ssyncadd.remote.s32 $0x1  }
0xcd: {  	_ =	sfence.sel $0xFFFF  }
0xce: {  	[dreg:$0x0] =	wrdreg $0xFFFFFFFF;
	(pc) =	sbr.abs _section_cstart, $3  }
0xcf: {  	[dreg:$0x1] =	wrdreg $0xFFFFFFFF  }
0xd0: {  	_ =	task.clear_ibuf [dreg:s22], $0x2FFFF;
	_ =	strace $0x9FFFFFFF  }
0xd1: {  	(tm) =	ssettm $0x7FFFFFFF  }
tec
execute0_lowered:
.L_overlay_start_1:
0x0: {  	(tag) =	ssettag $0x1  }
0x1: {  	s0 =	srdreg.scid;
	s1 =	rddreg [dreg:$0x0]  }
0x2: {  	s8 =	stileid.u32;
	s2 =	rddreg [dreg:$0x1]  }
0x3: {  	s3 =	simm.s32 $0x0;
	s13 =	simm.s32 $0x880;
	s14 =	simm.s32 $0x100  }
0x4: {  	s16 =	simm.s32 $0x180;
	s18 =	simm.s32 $0x900;
	[smem:$0x7FF] =	sst s3  }
0x5: {  	s19 =	simm.s32 $0x980;
	_ =	strace $0x80000050;
	[dreg:$0x5] =	wrdreg s13  }
0x6: {  	s20 =	simm.s32 $0x200;
	s21 =	simm.s32 $0x280;
	[dreg:$0x6] =	wrdreg s14  }
0x7: {  	s22 =	simm.s32 $0xA00;
	s23 =	simm.s32 $0xA80;
	[dreg:$0x7] =	wrdreg s16  }
0x8: {  	s24 =	simm.s32 $0x300;
	s25 =	simm.s32 $0x380;
	[dreg:$0x8] =	wrdreg s18  }
0x9: {  	s26 =	simm.s32 $0xB00;
	s28 =	simm.s32 $0xD80;
	[dreg:$0x9] =	wrdreg s19  }
0xa: {  	s29 =	simm.s32 $0x600;
	s4 =	smul.u32 $0x5000, s8;
	[dreg:$0xa] =	wrdreg s20  }
0xb: {  	s30 =	simm.s32 $0x680;
	s7 =	smul.u32 $0x14000, s8;
	[dreg:$0xb] =	wrdreg s21  }
0xc: {  	s0 =	sand.u32 $0x1, s0;
	s8 =	smul.u32 $0x50000, s8;
	[dreg:$0xc] =	wrdreg s22  }
0xd: {  	s31 =	simm.s32 $0xE00;
	s5 =	smul.u32 $0x2800, s0;
	[dreg:$0xd] =	wrdreg s23  }
0xe: {  	s6 =	smul.u32 $0x140000, s0;
	s0 =	ssub.s32 $0x2, s0;
	[dreg:$0xe] =	wrdreg s24  }
0xf: {  	s13 =	simm.s32 $0x3;
	s14 =	simm.s32 $0x800;
	[dreg:$0xf] =	wrdreg s25  }
0x10: {  	s16 =	simm.s32 $0x5000;
	s18 =	simm.s32 $0x2;
	[dreg:$0x10] =	wrdreg s26  }
0x11: {  	s19 =	simm.s32 $0xB80;
	s20 =	simm.s32 $0x400;
	s21 =	simm.s32 $0x480  }
0x12: {  	s22 =	simm.s32 $0xC00;
	s23 =	simm.s32 $0xC80;
	s24 =	simm.s32 $0x500  }
0x13: {  	s25 =	simm.s32 $0x580;
	s26 =	simm.s32 $0xD00;
	s9 =	sshrl.u32 s0, $0x1  }
0x14: {  	s11 =	sshrl.u32 s8, $0x2;
	s8 =	simm.s32 $0xF80;
	s5 =	sadd.s32 s5, s4  }
0x15: {  	s4 =	sadd.s32 $0x18200, s1;
	s6 =	sadd.s32 s7, s6;
	s0 =	ssub.s32 s0, s9  }
0x16: {  	s12 =	sadd.s32 s11, s2;
	s9 =	simm.s32 $0x0;
	s5 =	sshrl.u32 s5, $0x3  }
0x17: {  	s6 =	sshrl.u32 s6, $0x3;
	s7 =	sadd.s32 $0x4000, s12;
	[dreg:$0x11] =	wrdreg s12  }
0x18: {  	s15 =	sadd.s32 $0x8000, s12;
	s17 =	sadd.s32 $0xC000, s12;
	[dreg:$0x12] =	wrdreg s7  }
0x19: {  	s0 =	smax.u32 s0, $0x1;
	s5 =	sadd.s32 s5, s1;
	[dreg:$0x13] =	wrdreg s15  }
0x1a: {  	s1 =	sadd.s32 s6, s1;
	[dreg:$0x14] =	wrdreg s17;
	s6 =	sadd.s32 $0x10000, s12  }
0x1b: {  	[dreg:$0x17] =	wrdreg s0;
	s12 =	simm.s32 $0x1000;
	s15 =	simm.s32 $0x80  }
0x1c: {  	s17 =	simm.s32 $0x1;
	s10 =	sadd.s32 $0x3C00, s5;
	[dreg:$0x15] =	wrdreg s6  }
0x1d: {  	s0 =	simm.s32 $0x700;
	s5 =	sadd.s32 $0xDC00, s5;
	[dreg:$0x3] =	wrdreg s10  }
0x1e: {  	s7 =	simm.s32 $0xF00;
	s1 =	sadd.s32 $0x40200, s1;
	[dreg:$0x4] =	wrdreg s5  }
0x1f: {  	v0 =	vimm.f32 $0.0e+00;
	s6 =	simm.s32 $0x780;
	[dreg:$0x16] =	wrdreg s1;
	s1 =	simm.s32 $0xE80  }
.LBB2_1:
0x20: {  	s10 =	simm.s32 $0x0;
	s11 =	simm.s32 $0x200  }
.LBB2_2:
0x21: {  	p0 =	sne.s32 s11, $0xFE00;
	[tilespmem:s10+$0x1070] =	vst v0  }
0x22: {  	[tilespmem:s10+$0x1000] =	vst v0  }
0x23: {  	[tilespmem:s10+$0x1010] =	vst v0  }
.Ltmp0:
0x24: {  	[tilespmem:s10+$0x1020] =	vst v0;
	(pc) =	sbr.rel @p0 .LBB2_2-.Ltmp0, $4  }
0x25: {  	[tilespmem:s10+$0x1030] =	vst v0  }
0x26: {  	[tilespmem:s10+$0x1040] =	vst v0  }
0x27: {  	[tilespmem:s10+$0x1050] =	vst v0  }
0x28: {  	[tilespmem:s10+$0x1060] =	vst v0;
	s10 =	sshra.s32 s11, $0x2;
	s11 =	sadd.s32 $0x200, s11  }
0x29: {  	[tilespmem:s10+$0x1070] =	vst v0  }
0x2a: {  	[tilespmem:s10+$0x1000] =	vst v0  }
0x2b: {  	[tilespmem:s10+$0x1010] =	vst v0  }
0x2c: {  	[tilespmem:s10+$0x1020] =	vst v0  }
0x2d: {  	[tilespmem:s10+$0x1030] =	vst v0  }
0x2e: {  	[tilespmem:s10+$0x1040] =	vst v0  }
0x2f: {  	[dreg:$0x18] =	wrdreg s9;
	[tilespmem:s10+$0x1050] =	vst v0  }
0x30: {  	[tilespmem:s10+$0x1060] =	vst v0;
	s5 =	rddreg [dreg:$0x11]  }
0x31: {  	[spmem:s5] =	stream.linear.scatter [tilespmem:s12], [sflag:$0x3], $0x4000, $0x38;
	[tilespmem:$0x1D000] =	vst v63  }
0x32: {  	_ =	swait.ge [sflag:s13], $0x4000  }
0x33: {  	[sflag:s13] =	ssyncset.done $0x0  }
0x34: {  	s10 =	rddreg [dreg:$0x12];
	[sflag:s13] =	ssyncadd.s32 $0xFFFFC000  }
0x35: {  	[spmem:s10] =	stream.linear.scatter [tilespmem:s12], [sflag:$0x3], $0x4000, $0x38;
	[tilespmem:$0x1D000] =	vst v63  }
0x36: {  	_ =	swait.ge [sflag:s13], $0x4000  }
0x37: {  	[sflag:s13] =	ssyncset.done $0x0  }
0x38: {  	s11 =	rddreg [dreg:$0x13];
	[sflag:s13] =	ssyncadd.s32 $0xFFFFC000  }
0x39: {  	[spmem:s11] =	stream.linear.scatter [tilespmem:s12], [sflag:$0x3], $0x4000, $0x38;
	[tilespmem:$0x1D000] =	vst v63  }
0x3a: {  	_ =	swait.ge [sflag:s13], $0x4000  }
0x3b: {  	[sflag:s13] =	ssyncset.done $0x0  }
0x3c: {  	s9 =	rddreg [dreg:$0x14];
	[sflag:s13] =	ssyncadd.s32 $0xFFFFC000  }
0x3d: {  	[spmem:s9] =	stream.linear.scatter [tilespmem:s12], [sflag:$0x3], $0x4000, $0x38;
	[tilespmem:$0x1D000] =	vst v63  }
0x3e: {  	_ =	swait.ge [sflag:s13], $0x4000  }
0x3f: {  	[sflag:s13] =	ssyncset.done $0x0  }
0x40: {  	s10 =	rddreg [dreg:$0x15];
	[sflag:s13] =	ssyncadd.s32 $0xFFFFC000  }
0x41: {  	[spmem:s10] =	stream.linear.scatter [tilespmem:s12], [sflag:$0x3], $0x4000, $0x38;
	[tilespmem:$0x1D000] =	vst v63  }
0x42: {  	_ =	swait.ge [sflag:s13], $0x4000  }
0x43: {  	[sflag:s13] =	ssyncset.done $0x0  }
0x44: {  	[sflag:s13] =	ssyncadd.s32 $0xFFFFC000  }
0x45: {  	[bflag:$0x0] =	sbarrier.arrive $0xFFFF  }
0x46: {  	s11 =	rddreg [dreg:$0x4]  }
0x47: {  	s5 =	sadd.s32 $0x0, s11  }
0x48: {  	[tilespmem:s3], [sflag:$0x3] =	stream.linear.gather [hbm4b:s5+s3], $0x800, $0x38;
	[tilespmem:$0x1D000] =	vst v63  }
0x49: {  	_ =	swait.ge [sflag:s13], $0x800  }
0x4a: {  	s9 =	rddreg [dreg:$0x3];
	[sflag:s13] =	ssyncset.done $0x0  }
0x4b: {  	[sflag:s13] =	ssyncadd.s32 $0xFFFFF800;
	s5 =	sadd.s32 $0x0, s9  }
0x4c: {  	[tilespmem:s14], [sflag:$0x3] =	stream.linear.gather [hbm4b:s5+s3], $0x800, $0x38;
	[tilespmem:$0x1D000] =	vst v63  }
0x4d: {  	_ =	swait.ge [sflag:s13], $0x800  }
0x4e: {  	[sflag:s13] =	ssyncset.done $0x0  }
0x4f: {  	[sflag:s13] =	ssyncadd.s32 $0xFFFFF800  }
0x50: {  	[tilespmem:s12], [sflag:$0x1] =	stream.indirect.gather [hbm4b:s4+s15], $0x80, s3, s15, $0xb8;
	[tilespmem:$0x1D000] =	vst v63  }
0x51: {  	_ = 	snop  }
0x52: {  	[tilespmem:s16], [sflag:$0x2] =	stream.indirect.gather [hbm4b:s4+s15], $0x80, s15, s15, $0xb8;
	[tilespmem:$0x1D000] =	vst v63  }
0x53: {  	_ =	swait.ge [sflag:s17], $0x4000  }
0x54: {  	[sflag:s17] =	ssyncset.done $0x0  }
0x55: {  	[sflag:s17] =	ssyncadd.s32 $0xFFFFC000  }
0x56: {  	[spmem:s2] =	stream.indirect.scatter.add.f32 [tilespmem:s12], [sflag:$0x3], $0x80, s14, s15, $0xb8;
	[tilespmem:$0x1D000] =	vst v63  }
0x57: {  	_ =	swait.ge [sflag:s13], $0x4000  }
0x58: {  	[sflag:s13] =	ssyncset.done $0x0  }
0x59: {  	[sflag:s13] =	ssyncadd.s32 $0xFFFFC000  }
0x5a: {  	_ =	swait.ge [sflag:s18], $0x4000  }
0x5b: {  	[sflag:s18] =	ssyncset.done $0x0  }
0x5c: {  	s10 =	rddreg [dreg:$0x5];
	[sflag:s18] =	ssyncadd.s32 $0xFFFFC000  }
0x5d: {  	[spmem:s2] =	stream.indirect.scatter.add.f32 [tilespmem:s16], [sflag:$0x3], $0x80, s10, s15, $0xb8;
	[tilespmem:$0x1D000] =	vst v63  }
0x5e: {  	_ =	swait.ge [sflag:s13], $0x4000  }
0x5f: {  	[sflag:s13] =	ssyncset.done $0x0  }
0x60: {  	s11 =	rddreg [dreg:$0x6];
	[sflag:s13] =	ssyncadd.s32 $0xFFFFC000  }
0x61: {  	[tilespmem:s12], [sflag:$0x1] =	stream.indirect.gather [hbm4b:s4+s15], $0x80, s11, s15, $0xb8;
	[tilespmem:$0x1D000] =	vst v63  }
0x62: {  	s9 =	rddreg [dreg:$0x7]  }
0x63: {  	[tilespmem:s16], [sflag:$0x2] =	stream.indirect.gather [hbm4b:s4+s15], $0x80, s9, s15, $0xb8;
	[tilespmem:$0x1D000] =	vst v63  }
0x64: {  	_ =	swait.ge [sflag:s17], $0x4000  }
0x65: {  	[sflag:s17] =	ssyncset.done $0x0  }
0x66: {  	s11 =	rddreg [dreg:$0x8];
	[sflag:s17] =	ssyncadd.s32 $0xFFFFC000  }
0x67: {  	[spmem:s2] =	stream.indirect.scatter.add.f32 [tilespmem:s12], [sflag:$0x3], $0x80, s11, s15, $0xb8;
	[tilespmem:$0x1D000] =	vst v63  }
0x68: {  	_ =	swait.ge [sflag:s13], $0x4000  }
0x69: {  	[sflag:s13] =	ssyncset.done $0x0  }
0x6a: {  	[sflag:s13] =	ssyncadd.s32 $0xFFFFC000  }
0x6b: {  	_ =	swait.ge [sflag:s18], $0x4000  }
0x6c: {  	[sflag:s18] =	ssyncset.done $0x0  }
0x6d: {  	s9 =	rddreg [dreg:$0x9];
	[sflag:s18] =	ssyncadd.s32 $0xFFFFC000  }
0x6e: {  	[spmem:s2] =	stream.indirect.scatter.add.f32 [tilespmem:s16], [sflag:$0x3], $0x80, s9, s15, $0xb8;
	[tilespmem:$0x1D000] =	vst v63  }
0x6f: {  	_ =	swait.ge [sflag:s13], $0x4000  }
0x70: {  	[sflag:s13] =	ssyncset.done $0x0  }
0x71: {  	s10 =	rddreg [dreg:$0xa];
	[sflag:s13] =	ssyncadd.s32 $0xFFFFC000  }
0x72: {  	[tilespmem:s12], [sflag:$0x1] =	stream.indirect.gather [hbm4b:s4+s15], $0x80, s10, s15, $0xb8;
	[tilespmem:$0x1D000] =	vst v63  }
0x73: {  	s11 =	rddreg [dreg:$0xb]  }
0x74: {  	[tilespmem:s16], [sflag:$0x2] =	stream.indirect.gather [hbm4b:s4+s15], $0x80, s11, s15, $0xb8;
	[tilespmem:$0x1D000] =	vst v63  }
0x75: {  	_ =	swait.ge [sflag:s17], $0x4000  }
0x76: {  	[sflag:s17] =	ssyncset.done $0x0  }
0x77: {  	s9 =	rddreg [dreg:$0xc];
	[sflag:s17] =	ssyncadd.s32 $0xFFFFC000  }
0x78: {  	[spmem:s2] =	stream.indirect.scatter.add.f32 [tilespmem:s12], [sflag:$0x3], $0x80, s9, s15, $0xb8;
	[tilespmem:$0x1D000] =	vst v63  }
0x79: {  	_ =	swait.ge [sflag:s13], $0x4000  }
0x7a: {  	[sflag:s13] =	ssyncset.done $0x0  }
0x7b: {  	[sflag:s13] =	ssyncadd.s32 $0xFFFFC000  }
0x7c: {  	_ =	swait.ge [sflag:s18], $0x4000  }
0x7d: {  	[sflag:s18] =	ssyncset.done $0x0  }
0x7e: {  	s10 =	rddreg [dreg:$0xd];
	[sflag:s18] =	ssyncadd.s32 $0xFFFFC000  }
0x7f: {  	[spmem:s2] =	stream.indirect.scatter.add.f32 [tilespmem:s16], [sflag:$0x3], $0x80, s10, s15, $0xb8;
	[tilespmem:$0x1D000] =	vst v63  }
0x80: {  	_ =	swait.ge [sflag:s13], $0x4000  }
0x81: {  	[sflag:s13] =	ssyncset.done $0x0  }
0x82: {  	s11 =	rddreg [dreg:$0xe];
	[sflag:s13] =	ssyncadd.s32 $0xFFFFC000  }
0x83: {  	[tilespmem:s12], [sflag:$0x1] =	stream.indirect.gather [hbm4b:s4+s15], $0x80, s11, s15, $0xb8;
	[tilespmem:$0x1D000] =	vst v63  }
0x84: {  	s9 =	rddreg [dreg:$0xf]  }
0x85: {  	[tilespmem:s16], [sflag:$0x2] =	stream.indirect.gather [hbm4b:s4+s15], $0x80, s9, s15, $0xb8;
	[tilespmem:$0x1D000] =	vst v63  }
0x86: {  	_ =	swait.ge [sflag:s17], $0x4000  }
0x87: {  	[sflag:s17] =	ssyncset.done $0x0  }
0x88: {  	s11 =	rddreg [dreg:$0x10];
	[sflag:s17] =	ssyncadd.s32 $0xFFFFC000  }
0x89: {  	[spmem:s2] =	stream.indirect.scatter.add.f32 [tilespmem:s12], [sflag:$0x3], $0x80, s11, s15, $0xb8;
	[tilespmem:$0x1D000] =	vst v63  }
0x8a: {  	_ =	swait.ge [sflag:s13], $0x4000  }
0x8b: {  	[sflag:s13] =	ssyncset.done $0x0  }
0x8c: {  	[sflag:s13] =	ssyncadd.s32 $0xFFFFC000  }
0x8d: {  	_ =	swait.ge [sflag:s18], $0x4000  }
0x8e: {  	[sflag:s18] =	ssyncset.done $0x0  }
0x8f: {  	[sflag:s18] =	ssyncadd.s32 $0xFFFFC000  }
0x90: {  	[spmem:s2] =	stream.indirect.scatter.add.f32 [tilespmem:s16], [sflag:$0x3], $0x80, s19, s15, $0xb8;
	[tilespmem:$0x1D000] =	vst v63  }
0x91: {  	_ =	swait.ge [sflag:s13], $0x4000  }
0x92: {  	[sflag:s13] =	ssyncset.done $0x0  }
0x93: {  	[sflag:s13] =	ssyncadd.s32 $0xFFFFC000  }
0x94: {  	[tilespmem:s12], [sflag:$0x1] =	stream.indirect.gather [hbm4b:s4+s15], $0x80, s20, s15, $0xb8;
	[tilespmem:$0x1D000] =	vst v63  }
0x95: {  	_ = 	snop  }
0x96: {  	[tilespmem:s16], [sflag:$0x2] =	stream.indirect.gather [hbm4b:s4+s15], $0x80, s21, s15, $0xb8;
	[tilespmem:$0x1D000] =	vst v63  }
0x97: {  	_ =	swait.ge [sflag:s17], $0x4000  }
0x98: {  	[sflag:s17] =	ssyncset.done $0x0  }
0x99: {  	[sflag:s17] =	ssyncadd.s32 $0xFFFFC000  }
0x9a: {  	[spmem:s2] =	stream.indirect.scatter.add.f32 [tilespmem:s12], [sflag:$0x3], $0x80, s22, s15, $0xb8;
	[tilespmem:$0x1D000] =	vst v63  }
0x9b: {  	_ =	swait.ge [sflag:s13], $0x4000  }
0x9c: {  	[sflag:s13] =	ssyncset.done $0x0  }
0x9d: {  	[sflag:s13] =	ssyncadd.s32 $0xFFFFC000  }
0x9e: {  	_ =	swait.ge [sflag:s18], $0x4000  }
0x9f: {  	[sflag:s18] =	ssyncset.done $0x0  }
0xa0: {  	[sflag:s18] =	ssyncadd.s32 $0xFFFFC000  }
0xa1: {  	[spmem:s2] =	stream.indirect.scatter.add.f32 [tilespmem:s16], [sflag:$0x3], $0x80, s23, s15, $0xb8;
	[tilespmem:$0x1D000] =	vst v63  }
0xa2: {  	_ =	swait.ge [sflag:s13], $0x4000  }
0xa3: {  	[sflag:s13] =	ssyncset.done $0x0  }
0xa4: {  	[sflag:s13] =	ssyncadd.s32 $0xFFFFC000  }
0xa5: {  	[tilespmem:s12], [sflag:$0x1] =	stream.indirect.gather [hbm4b:s4+s15], $0x80, s24, s15, $0xb8;
	[tilespmem:$0x1D000] =	vst v63  }
0xa6: {  	_ = 	snop  }
0xa7: {  	[tilespmem:s16], [sflag:$0x2] =	stream.indirect.gather [hbm4b:s4+s15], $0x80, s25, s15, $0xb8;
	[tilespmem:$0x1D000] =	vst v63  }
0xa8: {  	_ =	swait.ge [sflag:s17], $0x4000  }
0xa9: {  	[sflag:s17] =	ssyncset.done $0x0  }
0xaa: {  	[sflag:s17] =	ssyncadd.s32 $0xFFFFC000  }
0xab: {  	[spmem:s2] =	stream.indirect.scatter.add.f32 [tilespmem:s12], [sflag:$0x3], $0x80, s26, s15, $0xb8;
	[tilespmem:$0x1D000] =	vst v63  }
0xac: {  	_ =	swait.ge [sflag:s13], $0x4000  }
0xad: {  	[sflag:s13] =	ssyncset.done $0x0  }
0xae: {  	[sflag:s13] =	ssyncadd.s32 $0xFFFFC000  }
0xaf: {  	_ =	swait.ge [sflag:s18], $0x4000  }
0xb0: {  	[sflag:s18] =	ssyncset.done $0x0  }
0xb1: {  	[sflag:s18] =	ssyncadd.s32 $0xFFFFC000  }
0xb2: {  	[spmem:s2] =	stream.indirect.scatter.add.f32 [tilespmem:s16], [sflag:$0x3], $0x80, s28, s15, $0xb8;
	[tilespmem:$0x1D000] =	vst v63  }
0xb3: {  	_ =	swait.ge [sflag:s13], $0x4000  }
0xb4: {  	[sflag:s13] =	ssyncset.done $0x0  }
0xb5: {  	[sflag:s13] =	ssyncadd.s32 $0xFFFFC000  }
0xb6: {  	[tilespmem:s12], [sflag:$0x1] =	stream.indirect.gather [hbm4b:s4+s15], $0x80, s29, s15, $0xb8;
	[tilespmem:$0x1D000] =	vst v63  }
0xb7: {  	_ = 	snop  }
0xb8: {  	[tilespmem:s16], [sflag:$0x2] =	stream.indirect.gather [hbm4b:s4+s15], $0x80, s30, s15, $0xb8;
	[tilespmem:$0x1D000] =	vst v63  }
0xb9: {  	_ =	swait.ge [sflag:s17], $0x4000  }
0xba: {  	[sflag:s17] =	ssyncset.done $0x0  }
0xbb: {  	[sflag:s17] =	ssyncadd.s32 $0xFFFFC000  }
0xbc: {  	[spmem:s2] =	stream.indirect.scatter.add.f32 [tilespmem:s12], [sflag:$0x3], $0x80, s31, s15, $0xb8;
	[tilespmem:$0x1D000] =	vst v63  }
0xbd: {  	_ =	swait.ge [sflag:s13], $0x4000  }
0xbe: {  	[sflag:s13] =	ssyncset.done $0x0  }
0xbf: {  	[sflag:s13] =	ssyncadd.s32 $0xFFFFC000  }
0xc0: {  	_ =	swait.ge [sflag:s18], $0x4000  }
0xc1: {  	[sflag:s18] =	ssyncset.done $0x0  }
0xc2: {  	[sflag:s18] =	ssyncadd.s32 $0xFFFFC000  }
0xc3: {  	[spmem:s2] =	stream.indirect.scatter.add.f32 [tilespmem:s16], [sflag:$0x3], $0x80, s1, s15, $0xb8;
	[tilespmem:$0x1D000] =	vst v63  }
0xc4: {  	_ =	swait.ge [sflag:s13], $0x4000  }
0xc5: {  	[sflag:s13] =	ssyncset.done $0x0  }
0xc6: {  	[sflag:s13] =	ssyncadd.s32 $0xFFFFC000  }
0xc7: {  	[tilespmem:s12], [sflag:$0x1] =	stream.indirect.gather [hbm4b:s4+s15], $0x80, s0, s15, $0xb8;
	[tilespmem:$0x1D000] =	vst v63  }
0xc8: {  	_ = 	snop  }
0xc9: {  	[tilespmem:s16], [sflag:$0x2] =	stream.indirect.gather [hbm4b:s4+s15], $0x80, s6, s15, $0xb8;
	[tilespmem:$0x1D000] =	vst v63  }
0xca: {  	_ =	swait.ge [sflag:s17], $0x4000  }
0xcb: {  	[sflag:s17] =	ssyncset.done $0x0  }
0xcc: {  	[sflag:s17] =	ssyncadd.s32 $0xFFFFC000  }
0xcd: {  	[spmem:s2] =	stream.indirect.scatter.add.f32 [tilespmem:s12], [sflag:$0x3], $0x80, s7, s15, $0xb8;
	[tilespmem:$0x1D000] =	vst v63  }
0xce: {  	_ =	swait.ge [sflag:s13], $0x4000  }
0xcf: {  	[sflag:s13] =	ssyncset.done $0x0  }
0xd0: {  	[sflag:s13] =	ssyncadd.s32 $0xFFFFC000  }
0xd1: {  	_ =	swait.ge [sflag:s18], $0x4000  }
0xd2: {  	[sflag:s18] =	ssyncset.done $0x0  }
0xd3: {  	[sflag:s18] =	ssyncadd.s32 $0xFFFFC000  }
0xd4: {  	[spmem:s2] =	stream.indirect.scatter.add.f32 [tilespmem:s16], [sflag:$0x3], $0x80, s8, s15, $0xb8;
	[tilespmem:$0x1D000] =	vst v63  }
0xd5: {  	s10 =	simm.s32 $0x100;
	_ =	swait.ge [sflag:s13], $0x4000  }
0xd6: {  	s11 =	simm.s32 $0x200;
	s5 =	rddreg [dreg:$0x4];
	[sflag:s13] =	ssyncset.done $0x0  }
.LBB2_4:
0xd7: {  	[sflag:s13] =	ssyncadd.s32 $0xFFFFC000;
	s5 =	sadd.s32 s10, s5  }
0xd8: {  	[tilespmem:s3], [sflag:$0x3] =	stream.linear.gather [hbm4b:s5+s3], $0x800, $0x38;
	[tilespmem:$0x1D000] =	vst v63  }
0xd9: {  	_ =	swait.ge [sflag:s13], $0x800  }
0xda: {  	s5 =	rddreg [dreg:$0x3];
	[sflag:s13] =	ssyncset.done $0x0  }
0xdb: {  	[sflag:s13] =	ssyncadd.s32 $0xFFFFF800;
	s5 =	sadd.s32 s10, s5  }
0xdc: {  	[tilespmem:s14], [sflag:$0x3] =	stream.linear.gather [hbm4b:s5+s3], $0x800, $0x38;
	[tilespmem:$0x1D000] =	vst v63  }
0xdd: {  	_ =	swait.ge [sflag:s13], $0x800  }
0xde: {  	[sflag:s13] =	ssyncset.done $0x0  }
0xdf: {  	[sflag:s13] =	ssyncadd.s32 $0xFFFFF800  }
0xe0: {  	[tilespmem:s12], [sflag:$0x1] =	stream.indirect.gather [hbm4b:s4+s15], $0x80, s3, s15, $0xb8;
	[tilespmem:$0x1D000] =	vst v63  }
0xe1: {  	_ = 	snop  }
0xe2: {  	[tilespmem:s16], [sflag:$0x2] =	stream.indirect.gather [hbm4b:s4+s15], $0x80, s15, s15, $0xb8;
	[tilespmem:$0x1D000] =	vst v63  }
0xe3: {  	_ =	swait.ge [sflag:s17], $0x4000  }
0xe4: {  	[sflag:s17] =	ssyncset.done $0x0  }
0xe5: {  	[sflag:s17] =	ssyncadd.s32 $0xFFFFC000  }
0xe6: {  	[spmem:s2] =	stream.indirect.scatter.add.f32 [tilespmem:s12], [sflag:$0x3], $0x80, s14, s15, $0xb8;
	[tilespmem:$0x1D000] =	vst v63  }
0xe7: {  	_ =	swait.ge [sflag:s13], $0x4000  }
0xe8: {  	[sflag:s13] =	ssyncset.done $0x0  }
0xe9: {  	[sflag:s13] =	ssyncadd.s32 $0xFFFFC000  }
0xea: {  	_ =	swait.ge [sflag:s18], $0x4000  }
0xeb: {  	s9 =	smov.u32 s11;
	[sflag:s18] =	ssyncset.done $0x0  }
0xec: {  	s10 =	smov.u32 s9;
	s9 =	rddreg [dreg:$0x5];
	[sflag:s18] =	ssyncadd.s32 $0xFFFFC000  }
0xed: {  	[spmem:s2] =	stream.indirect.scatter.add.f32 [tilespmem:s16], [sflag:$0x3], $0x80, s9, s15, $0xb8;
	[tilespmem:$0x1D000] =	vst v63  }
0xee: {  	_ =	swait.ge [sflag:s13], $0x4000  }
0xef: {  	[sflag:s13] =	ssyncset.done $0x0  }
0xf0: {  	s5 =	rddreg [dreg:$0x6];
	[sflag:s13] =	ssyncadd.s32 $0xFFFFC000  }
0xf1: {  	[tilespmem:s12], [sflag:$0x1] =	stream.indirect.gather [hbm4b:s4+s15], $0x80, s5, s15, $0xb8;
	[tilespmem:$0x1D000] =	vst v63  }
0xf2: {  	s9 =	rddreg [dreg:$0x7]  }
0xf3: {  	[tilespmem:s16], [sflag:$0x2] =	stream.indirect.gather [hbm4b:s4+s15], $0x80, s9, s15, $0xb8;
	[tilespmem:$0x1D000] =	vst v63  }
0xf4: {  	_ =	swait.ge [sflag:s17], $0x4000  }
0xf5: {  	[sflag:s17] =	ssyncset.done $0x0  }
0xf6: {  	s9 =	rddreg [dreg:$0x8];
	[sflag:s17] =	ssyncadd.s32 $0xFFFFC000  }
0xf7: {  	[spmem:s2] =	stream.indirect.scatter.add.f32 [tilespmem:s12], [sflag:$0x3], $0x80, s9, s15, $0xb8;
	[tilespmem:$0x1D000] =	vst v63  }
0xf8: {  	_ =	swait.ge [sflag:s13], $0x4000  }
0xf9: {  	[sflag:s13] =	ssyncset.done $0x0  }
0xfa: {  	[sflag:s13] =	ssyncadd.s32 $0xFFFFC000  }
0xfb: {  	_ =	swait.ge [sflag:s18], $0x4000  }
0xfc: {  	[sflag:s18] =	ssyncset.done $0x0  }
0xfd: {  	s9 =	rddreg [dreg:$0x9];
	[sflag:s18] =	ssyncadd.s32 $0xFFFFC000  }
0xfe: {  	[spmem:s2] =	stream.indirect.scatter.add.f32 [tilespmem:s16], [sflag:$0x3], $0x80, s9, s15, $0xb8;
	[tilespmem:$0x1D000] =	vst v63  }
0xff: {  	_ =	swait.ge [sflag:s13], $0x4000  }
0x100: {  	[sflag:s13] =	ssyncset.done $0x0  }
0x101: {  	s5 =	rddreg [dreg:$0xa];
	[sflag:s13] =	ssyncadd.s32 $0xFFFFC000  }
0x102: {  	[tilespmem:s12], [sflag:$0x1] =	stream.indirect.gather [hbm4b:s4+s15], $0x80, s5, s15, $0xb8;
	[tilespmem:$0x1D000] =	vst v63  }
0x103: {  	s9 =	rddreg [dreg:$0xb]  }
0x104: {  	[tilespmem:s16], [sflag:$0x2] =	stream.indirect.gather [hbm4b:s4+s15], $0x80, s9, s15, $0xb8;
	[tilespmem:$0x1D000] =	vst v63  }
0x105: {  	_ =	swait.ge [sflag:s17], $0x4000  }
0x106: {  	[sflag:s17] =	ssyncset.done $0x0  }
0x107: {  	s9 =	rddreg [dreg:$0xc];
	[sflag:s17] =	ssyncadd.s32 $0xFFFFC000  }
0x108: {  	[spmem:s2] =	stream.indirect.scatter.add.f32 [tilespmem:s12], [sflag:$0x3], $0x80, s9, s15, $0xb8;
	[tilespmem:$0x1D000] =	vst v63  }
0x109: {  	_ =	swait.ge [sflag:s13], $0x4000  }
0x10a: {  	[sflag:s13] =	ssyncset.done $0x0  }
0x10b: {  	[sflag:s13] =	ssyncadd.s32 $0xFFFFC000  }
0x10c: {  	_ =	swait.ge [sflag:s18], $0x4000  }
0x10d: {  	[sflag:s18] =	ssyncset.done $0x0  }
0x10e: {  	s9 =	rddreg [dreg:$0xd];
	[sflag:s18] =	ssyncadd.s32 $0xFFFFC000  }
0x10f: {  	[spmem:s2] =	stream.indirect.scatter.add.f32 [tilespmem:s16], [sflag:$0x3], $0x80, s9, s15, $0xb8;
	[tilespmem:$0x1D000] =	vst v63  }
0x110: {  	_ =	swait.ge [sflag:s13], $0x4000  }
0x111: {  	[sflag:s13] =	ssyncset.done $0x0  }
0x112: {  	s5 =	rddreg [dreg:$0xe];
	[sflag:s13] =	ssyncadd.s32 $0xFFFFC000  }
0x113: {  	[tilespmem:s12], [sflag:$0x1] =	stream.indirect.gather [hbm4b:s4+s15], $0x80, s5, s15, $0xb8;
	[tilespmem:$0x1D000] =	vst v63  }
0x114: {  	s9 =	rddreg [dreg:$0xf]  }
0x115: {  	[tilespmem:s16], [sflag:$0x2] =	stream.indirect.gather [hbm4b:s4+s15], $0x80, s9, s15, $0xb8;
	[tilespmem:$0x1D000] =	vst v63  }
0x116: {  	_ =	swait.ge [sflag:s17], $0x4000  }
0x117: {  	[sflag:s17] =	ssyncset.done $0x0  }
0x118: {  	s9 =	rddreg [dreg:$0x10];
	[sflag:s17] =	ssyncadd.s32 $0xFFFFC000  }
0x119: {  	[spmem:s2] =	stream.indirect.scatter.add.f32 [tilespmem:s12], [sflag:$0x3], $0x80, s9, s15, $0xb8;
	[tilespmem:$0x1D000] =	vst v63  }
0x11a: {  	_ =	swait.ge [sflag:s13], $0x4000  }
0x11b: {  	[sflag:s13] =	ssyncset.done $0x0  }
0x11c: {  	[sflag:s13] =	ssyncadd.s32 $0xFFFFC000  }
0x11d: {  	_ =	swait.ge [sflag:s18], $0x4000  }
0x11e: {  	[sflag:s18] =	ssyncset.done $0x0  }
0x11f: {  	[sflag:s18] =	ssyncadd.s32 $0xFFFFC000  }
0x120: {  	[spmem:s2] =	stream.indirect.scatter.add.f32 [tilespmem:s16], [sflag:$0x3], $0x80, s19, s15, $0xb8;
	[tilespmem:$0x1D000] =	vst v63  }
0x121: {  	_ =	swait.ge [sflag:s13], $0x4000  }
0x122: {  	[sflag:s13] =	ssyncset.done $0x0  }
0x123: {  	[sflag:s13] =	ssyncadd.s32 $0xFFFFC000  }
0x124: {  	[tilespmem:s12], [sflag:$0x1] =	stream.indirect.gather [hbm4b:s4+s15], $0x80, s20, s15, $0xb8;
	[tilespmem:$0x1D000] =	vst v63  }
0x125: {  	_ = 	snop  }
0x126: {  	[tilespmem:s16], [sflag:$0x2] =	stream.indirect.gather [hbm4b:s4+s15], $0x80, s21, s15, $0xb8;
	[tilespmem:$0x1D000] =	vst v63  }
0x127: {  	_ =	swait.ge [sflag:s17], $0x4000  }
0x128: {  	[sflag:s17] =	ssyncset.done $0x0  }
0x129: {  	[sflag:s17] =	ssyncadd.s32 $0xFFFFC000  }
0x12a: {  	[spmem:s2] =	stream.indirect.scatter.add.f32 [tilespmem:s12], [sflag:$0x3], $0x80, s22, s15, $0xb8;
	[tilespmem:$0x1D000] =	vst v63  }
0x12b: {  	_ =	swait.ge [sflag:s13], $0x4000  }
0x12c: {  	[sflag:s13] =	ssyncset.done $0x0  }
0x12d: {  	[sflag:s13] =	ssyncadd.s32 $0xFFFFC000  }
0x12e: {  	_ =	swait.ge [sflag:s18], $0x4000  }
0x12f: {  	[sflag:s18] =	ssyncset.done $0x0  }
0x130: {  	[sflag:s18] =	ssyncadd.s32 $0xFFFFC000  }
0x131: {  	[spmem:s2] =	stream.indirect.scatter.add.f32 [tilespmem:s16], [sflag:$0x3], $0x80, s23, s15, $0xb8;
	[tilespmem:$0x1D000] =	vst v63  }
0x132: {  	_ =	swait.ge [sflag:s13], $0x4000  }
0x133: {  	[sflag:s13] =	ssyncset.done $0x0  }
0x134: {  	[sflag:s13] =	ssyncadd.s32 $0xFFFFC000  }
0x135: {  	[tilespmem:s12], [sflag:$0x1] =	stream.indirect.gather [hbm4b:s4+s15], $0x80, s24, s15, $0xb8;
	[tilespmem:$0x1D000] =	vst v63  }
0x136: {  	_ = 	snop  }
0x137: {  	[tilespmem:s16], [sflag:$0x2] =	stream.indirect.gather [hbm4b:s4+s15], $0x80, s25, s15, $0xb8;
	[tilespmem:$0x1D000] =	vst v63  }
0x138: {  	_ =	swait.ge [sflag:s17], $0x4000  }
0x139: {  	[sflag:s17] =	ssyncset.done $0x0  }
0x13a: {  	[sflag:s17] =	ssyncadd.s32 $0xFFFFC000  }
0x13b: {  	[spmem:s2] =	stream.indirect.scatter.add.f32 [tilespmem:s12], [sflag:$0x3], $0x80, s26, s15, $0xb8;
	[tilespmem:$0x1D000] =	vst v63  }
0x13c: {  	_ =	swait.ge [sflag:s13], $0x4000  }
0x13d: {  	[sflag:s13] =	ssyncset.done $0x0  }
0x13e: {  	[sflag:s13] =	ssyncadd.s32 $0xFFFFC000  }
0x13f: {  	_ =	swait.ge [sflag:s18], $0x4000  }
0x140: {  	[sflag:s18] =	ssyncset.done $0x0  }
0x141: {  	[sflag:s18] =	ssyncadd.s32 $0xFFFFC000  }
0x142: {  	[spmem:s2] =	stream.indirect.scatter.add.f32 [tilespmem:s16], [sflag:$0x3], $0x80, s28, s15, $0xb8;
	[tilespmem:$0x1D000] =	vst v63  }
0x143: {  	_ =	swait.ge [sflag:s13], $0x4000  }
0x144: {  	[sflag:s13] =	ssyncset.done $0x0  }
0x145: {  	[sflag:s13] =	ssyncadd.s32 $0xFFFFC000  }
0x146: {  	[tilespmem:s12], [sflag:$0x1] =	stream.indirect.gather [hbm4b:s4+s15], $0x80, s29, s15, $0xb8;
	[tilespmem:$0x1D000] =	vst v63  }
0x147: {  	_ = 	snop  }
0x148: {  	[tilespmem:s16], [sflag:$0x2] =	stream.indirect.gather [hbm4b:s4+s15], $0x80, s30, s15, $0xb8;
	[tilespmem:$0x1D000] =	vst v63  }
0x149: {  	_ =	swait.ge [sflag:s17], $0x4000  }
0x14a: {  	[sflag:s17] =	ssyncset.done $0x0  }
0x14b: {  	[sflag:s17] =	ssyncadd.s32 $0xFFFFC000  }
0x14c: {  	[spmem:s2] =	stream.indirect.scatter.add.f32 [tilespmem:s12], [sflag:$0x3], $0x80, s31, s15, $0xb8;
	[tilespmem:$0x1D000] =	vst v63  }
0x14d: {  	_ =	swait.ge [sflag:s13], $0x4000  }
0x14e: {  	[sflag:s13] =	ssyncset.done $0x0  }
0x14f: {  	[sflag:s13] =	ssyncadd.s32 $0xFFFFC000  }
0x150: {  	_ =	swait.ge [sflag:s18], $0x4000  }
0x151: {  	[sflag:s18] =	ssyncset.done $0x0  }
0x152: {  	[sflag:s18] =	ssyncadd.s32 $0xFFFFC000  }
0x153: {  	[spmem:s2] =	stream.indirect.scatter.add.f32 [tilespmem:s16], [sflag:$0x3], $0x80, s1, s15, $0xb8;
	[tilespmem:$0x1D000] =	vst v63  }
0x154: {  	_ =	swait.ge [sflag:s13], $0x4000  }
0x155: {  	[sflag:s13] =	ssyncset.done $0x0  }
0x156: {  	[sflag:s13] =	ssyncadd.s32 $0xFFFFC000  }
0x157: {  	[tilespmem:s12], [sflag:$0x1] =	stream.indirect.gather [hbm4b:s4+s15], $0x80, s0, s15, $0xb8;
	[tilespmem:$0x1D000] =	vst v63  }
0x158: {  	_ = 	snop  }
0x159: {  	[tilespmem:s16], [sflag:$0x2] =	stream.indirect.gather [hbm4b:s4+s15], $0x80, s6, s15, $0xb8;
	[tilespmem:$0x1D000] =	vst v63  }
0x15a: {  	_ =	swait.ge [sflag:s17], $0x4000  }
0x15b: {  	[sflag:s17] =	ssyncset.done $0x0  }
0x15c: {  	[sflag:s17] =	ssyncadd.s32 $0xFFFFC000  }
0x15d: {  	[spmem:s2] =	stream.indirect.scatter.add.f32 [tilespmem:s12], [sflag:$0x3], $0x80, s7, s15, $0xb8;
	[tilespmem:$0x1D000] =	vst v63  }
0x15e: {  	_ =	swait.ge [sflag:s13], $0x4000  }
0x15f: {  	[sflag:s13] =	ssyncset.done $0x0  }
0x160: {  	[sflag:s13] =	ssyncadd.s32 $0xFFFFC000  }
0x161: {  	p0 =	sne.s32 s11, $0x400;
	_ =	swait.ge [sflag:s18], $0x4000  }
.Ltmp1:
0x162: {  	[sflag:s18] =	ssyncset.done $0x0;
	(pc) =	sbr.rel @p0 .LBB2_4-.Ltmp1, $4  }
0x163: {  	[sflag:s18] =	ssyncadd.s32 $0xFFFFC000  }
0x164: {  	[spmem:s2] =	stream.indirect.scatter.add.f32 [tilespmem:s16], [sflag:$0x3], $0x80, s8, s15, $0xb8;
	[tilespmem:$0x1D000] =	vst v63  }
0x165: {  	_ =	swait.ge [sflag:s13], $0x4000  }
0x166: {  	s11 =	sadd.s32 $0x100, s11;
	s5 =	rddreg [dreg:$0x4];
	[sflag:s13] =	ssyncset.done $0x0  }
0x167: {  	[sflag:s13] =	ssyncadd.s32 $0xFFFFC000;
	s5 =	sadd.s32 s10, s5  }
0x168: {  	[tilespmem:s3], [sflag:$0x3] =	stream.linear.gather [hbm4b:s5+s3], $0x800, $0x38;
	[tilespmem:$0x1D000] =	vst v63  }
0x169: {  	_ =	swait.ge [sflag:s13], $0x800  }
0x16a: {  	s11 =	rddreg [dreg:$0x3];
	[sflag:s13] =	ssyncset.done $0x0  }
0x16b: {  	[sflag:s13] =	ssyncadd.s32 $0xFFFFF800;
	s5 =	sadd.s32 s10, s11  }
0x16c: {  	[tilespmem:s14], [sflag:$0x3] =	stream.linear.gather [hbm4b:s5+s3], $0x800, $0x38;
	[tilespmem:$0x1D000] =	vst v63  }
0x16d: {  	_ =	swait.ge [sflag:s13], $0x800  }
0x16e: {  	[sflag:s13] =	ssyncset.done $0x0  }
0x16f: {  	[sflag:s13] =	ssyncadd.s32 $0xFFFFF800  }
0x170: {  	[tilespmem:s12], [sflag:$0x1] =	stream.indirect.gather [hbm4b:s4+s15], $0x80, s3, s15, $0xb8;
	[tilespmem:$0x1D000] =	vst v63  }
0x171: {  	_ = 	snop  }
0x172: {  	[tilespmem:s16], [sflag:$0x2] =	stream.indirect.gather [hbm4b:s4+s15], $0x80, s15, s15, $0xb8;
	[tilespmem:$0x1D000] =	vst v63  }
0x173: {  	_ =	swait.ge [sflag:s17], $0x4000  }
0x174: {  	[sflag:s17] =	ssyncset.done $0x0  }
0x175: {  	[sflag:s17] =	ssyncadd.s32 $0xFFFFC000  }
0x176: {  	[spmem:s2] =	stream.indirect.scatter.add.f32 [tilespmem:s12], [sflag:$0x3], $0x80, s14, s15, $0xb8;
	[tilespmem:$0x1D000] =	vst v63  }
0x177: {  	_ =	swait.ge [sflag:s13], $0x4000  }
0x178: {  	[sflag:s13] =	ssyncset.done $0x0  }
0x179: {  	[sflag:s13] =	ssyncadd.s32 $0xFFFFC000  }
0x17a: {  	_ =	swait.ge [sflag:s18], $0x4000  }
0x17b: {  	[sflag:s18] =	ssyncset.done $0x0  }
0x17c: {  	s9 =	rddreg [dreg:$0x5];
	[sflag:s18] =	ssyncadd.s32 $0xFFFFC000  }
0x17d: {  	[spmem:s2] =	stream.indirect.scatter.add.f32 [tilespmem:s16], [sflag:$0x3], $0x80, s9, s15, $0xb8;
	[tilespmem:$0x1D000] =	vst v63  }
0x17e: {  	_ =	swait.ge [sflag:s13], $0x4000  }
0x17f: {  	[sflag:s13] =	ssyncset.done $0x0  }
0x180: {  	s10 =	rddreg [dreg:$0x6];
	[sflag:s13] =	ssyncadd.s32 $0xFFFFC000  }
0x181: {  	[tilespmem:s12], [sflag:$0x1] =	stream.indirect.gather [hbm4b:s4+s15], $0x80, s10, s15, $0xb8;
	[tilespmem:$0x1D000] =	vst v63  }
0x182: {  	s9 =	rddreg [dreg:$0x7]  }
0x183: {  	[tilespmem:s16], [sflag:$0x2] =	stream.indirect.gather [hbm4b:s4+s15], $0x80, s9, s15, $0xb8;
	[tilespmem:$0x1D000] =	vst v63  }
0x184: {  	_ =	swait.ge [sflag:s17], $0x4000  }
0x185: {  	[sflag:s17] =	ssyncset.done $0x0  }
0x186: {  	s11 =	rddreg [dreg:$0x8];
	[sflag:s17] =	ssyncadd.s32 $0xFFFFC000  }
0x187: {  	[spmem:s2] =	stream.indirect.scatter.add.f32 [tilespmem:s12], [sflag:$0x3], $0x80, s11, s15, $0xb8;
	[tilespmem:$0x1D000] =	vst v63  }
0x188: {  	_ =	swait.ge [sflag:s13], $0x4000  }
0x189: {  	[sflag:s13] =	ssyncset.done $0x0  }
0x18a: {  	[sflag:s13] =	ssyncadd.s32 $0xFFFFC000  }
0x18b: {  	_ =	swait.ge [sflag:s18], $0x4000  }
0x18c: {  	[sflag:s18] =	ssyncset.done $0x0  }
0x18d: {  	s9 =	rddreg [dreg:$0x9];
	[sflag:s18] =	ssyncadd.s32 $0xFFFFC000  }
0x18e: {  	[spmem:s2] =	stream.indirect.scatter.add.f32 [tilespmem:s16], [sflag:$0x3], $0x80, s9, s15, $0xb8;
	[tilespmem:$0x1D000] =	vst v63  }
0x18f: {  	_ =	swait.ge [sflag:s13], $0x4000  }
0x190: {  	[sflag:s13] =	ssyncset.done $0x0  }
0x191: {  	s10 =	rddreg [dreg:$0xa];
	[sflag:s13] =	ssyncadd.s32 $0xFFFFC000  }
0x192: {  	[tilespmem:s12], [sflag:$0x1] =	stream.indirect.gather [hbm4b:s4+s15], $0x80, s10, s15, $0xb8;
	[tilespmem:$0x1D000] =	vst v63  }
0x193: {  	s11 =	rddreg [dreg:$0xb]  }
0x194: {  	[tilespmem:s16], [sflag:$0x2] =	stream.indirect.gather [hbm4b:s4+s15], $0x80, s11, s15, $0xb8;
	[tilespmem:$0x1D000] =	vst v63  }
0x195: {  	_ =	swait.ge [sflag:s17], $0x4000  }
0x196: {  	[sflag:s17] =	ssyncset.done $0x0  }
0x197: {  	s10 =	rddreg [dreg:$0xc];
	[sflag:s17] =	ssyncadd.s32 $0xFFFFC000  }
0x198: {  	[spmem:s2] =	stream.indirect.scatter.add.f32 [tilespmem:s12], [sflag:$0x3], $0x80, s10, s15, $0xb8;
	[tilespmem:$0x1D000] =	vst v63  }
0x199: {  	_ =	swait.ge [sflag:s13], $0x4000  }
0x19a: {  	[sflag:s13] =	ssyncset.done $0x0  }
0x19b: {  	[sflag:s13] =	ssyncadd.s32 $0xFFFFC000  }
0x19c: {  	_ =	swait.ge [sflag:s18], $0x4000  }
0x19d: {  	[sflag:s18] =	ssyncset.done $0x0  }
0x19e: {  	s11 =	rddreg [dreg:$0xd];
	[sflag:s18] =	ssyncadd.s32 $0xFFFFC000  }
0x19f: {  	[spmem:s2] =	stream.indirect.scatter.add.f32 [tilespmem:s16], [sflag:$0x3], $0x80, s11, s15, $0xb8;
	[tilespmem:$0x1D000] =	vst v63  }
0x1a0: {  	_ =	swait.ge [sflag:s13], $0x4000  }
0x1a1: {  	[sflag:s13] =	ssyncset.done $0x0  }
0x1a2: {  	s9 =	rddreg [dreg:$0xe];
	[sflag:s13] =	ssyncadd.s32 $0xFFFFC000  }
0x1a3: {  	[tilespmem:s12], [sflag:$0x1] =	stream.indirect.gather [hbm4b:s4+s15], $0x80, s9, s15, $0xb8;
	[tilespmem:$0x1D000] =	vst v63  }
0x1a4: {  	s10 =	rddreg [dreg:$0xf]  }
0x1a5: {  	[tilespmem:s16], [sflag:$0x2] =	stream.indirect.gather [hbm4b:s4+s15], $0x80, s10, s15, $0xb8;
	[tilespmem:$0x1D000] =	vst v63  }
0x1a6: {  	_ =	swait.ge [sflag:s17], $0x4000  }
0x1a7: {  	[sflag:s17] =	ssyncset.done $0x0  }
0x1a8: {  	s11 =	rddreg [dreg:$0x10];
	[sflag:s17] =	ssyncadd.s32 $0xFFFFC000  }
0x1a9: {  	[spmem:s2] =	stream.indirect.scatter.add.f32 [tilespmem:s12], [sflag:$0x3], $0x80, s11, s15, $0xb8;
	[tilespmem:$0x1D000] =	vst v63  }
0x1aa: {  	_ =	swait.ge [sflag:s13], $0x4000  }
0x1ab: {  	[sflag:s13] =	ssyncset.done $0x0  }
0x1ac: {  	[sflag:s13] =	ssyncadd.s32 $0xFFFFC000  }
0x1ad: {  	_ =	swait.ge [sflag:s18], $0x4000  }
0x1ae: {  	[sflag:s18] =	ssyncset.done $0x0  }
0x1af: {  	[sflag:s18] =	ssyncadd.s32 $0xFFFFC000  }
0x1b0: {  	[spmem:s2] =	stream.indirect.scatter.add.f32 [tilespmem:s16], [sflag:$0x3], $0x80, s19, s15, $0xb8;
	[tilespmem:$0x1D000] =	vst v63  }
0x1b1: {  	_ =	swait.ge [sflag:s13], $0x4000  }
0x1b2: {  	[sflag:s13] =	ssyncset.done $0x0  }
0x1b3: {  	[sflag:s13] =	ssyncadd.s32 $0xFFFFC000  }
0x1b4: {  	[tilespmem:s12], [sflag:$0x1] =	stream.indirect.gather [hbm4b:s4+s15], $0x80, s20, s15, $0xb8;
	[tilespmem:$0x1D000] =	vst v63  }
0x1b5: {  	_ = 	snop  }
0x1b6: {  	[tilespmem:s16], [sflag:$0x2] =	stream.indirect.gather [hbm4b:s4+s15], $0x80, s21, s15, $0xb8;
	[tilespmem:$0x1D000] =	vst v63  }
0x1b7: {  	_ =	swait.ge [sflag:s17], $0x4000  }
0x1b8: {  	[sflag:s17] =	ssyncset.done $0x0  }
0x1b9: {  	[sflag:s17] =	ssyncadd.s32 $0xFFFFC000  }
0x1ba: {  	[spmem:s2] =	stream.indirect.scatter.add.f32 [tilespmem:s12], [sflag:$0x3], $0x80, s22, s15, $0xb8;
	[tilespmem:$0x1D000] =	vst v63  }
0x1bb: {  	_ =	swait.ge [sflag:s13], $0x4000  }
0x1bc: {  	[sflag:s13] =	ssyncset.done $0x0  }
0x1bd: {  	[sflag:s13] =	ssyncadd.s32 $0xFFFFC000  }
0x1be: {  	_ =	swait.ge [sflag:s18], $0x4000  }
0x1bf: {  	[sflag:s18] =	ssyncset.done $0x0  }
0x1c0: {  	[sflag:s18] =	ssyncadd.s32 $0xFFFFC000  }
0x1c1: {  	[spmem:s2] =	stream.indirect.scatter.add.f32 [tilespmem:s16], [sflag:$0x3], $0x80, s23, s15, $0xb8;
	[tilespmem:$0x1D000] =	vst v63  }
0x1c2: {  	_ =	swait.ge [sflag:s13], $0x4000  }
0x1c3: {  	[sflag:s13] =	ssyncset.done $0x0  }
0x1c4: {  	[sflag:s13] =	ssyncadd.s32 $0xFFFFC000  }
0x1c5: {  	[tilespmem:s12], [sflag:$0x1] =	stream.indirect.gather [hbm4b:s4+s15], $0x80, s24, s15, $0xb8;
	[tilespmem:$0x1D000] =	vst v63  }
0x1c6: {  	_ = 	snop  }
0x1c7: {  	[tilespmem:s16], [sflag:$0x2] =	stream.indirect.gather [hbm4b:s4+s15], $0x80, s25, s15, $0xb8;
	[tilespmem:$0x1D000] =	vst v63  }
0x1c8: {  	_ =	swait.ge [sflag:s17], $0x4000  }
0x1c9: {  	[sflag:s17] =	ssyncset.done $0x0  }
0x1ca: {  	[sflag:s17] =	ssyncadd.s32 $0xFFFFC000  }
0x1cb: {  	[spmem:s2] =	stream.indirect.scatter.add.f32 [tilespmem:s12], [sflag:$0x3], $0x80, s26, s15, $0xb8;
	[tilespmem:$0x1D000] =	vst v63  }
0x1cc: {  	_ =	swait.ge [sflag:s13], $0x4000  }
0x1cd: {  	[sflag:s13] =	ssyncset.done $0x0  }
0x1ce: {  	[sflag:s13] =	ssyncadd.s32 $0xFFFFC000  }
0x1cf: {  	_ =	swait.ge [sflag:s18], $0x4000  }
0x1d0: {  	[sflag:s18] =	ssyncset.done $0x0  }
0x1d1: {  	[sflag:s18] =	ssyncadd.s32 $0xFFFFC000  }
0x1d2: {  	[spmem:s2] =	stream.indirect.scatter.add.f32 [tilespmem:s16], [sflag:$0x3], $0x80, s28, s15, $0xb8;
	[tilespmem:$0x1D000] =	vst v63  }
0x1d3: {  	_ =	swait.ge [sflag:s13], $0x4000  }
0x1d4: {  	[sflag:s13] =	ssyncset.done $0x0  }
0x1d5: {  	[sflag:s13] =	ssyncadd.s32 $0xFFFFC000  }
0x1d6: {  	[tilespmem:s12], [sflag:$0x1] =	stream.indirect.gather [hbm4b:s4+s15], $0x80, s29, s15, $0xb8;
	[tilespmem:$0x1D000] =	vst v63  }
0x1d7: {  	_ = 	snop  }
0x1d8: {  	[tilespmem:s16], [sflag:$0x2] =	stream.indirect.gather [hbm4b:s4+s15], $0x80, s30, s15, $0xb8;
	[tilespmem:$0x1D000] =	vst v63  }
0x1d9: {  	_ =	swait.ge [sflag:s17], $0x4000  }
0x1da: {  	[sflag:s17] =	ssyncset.done $0x0  }
0x1db: {  	[sflag:s17] =	ssyncadd.s32 $0xFFFFC000  }
0x1dc: {  	[spmem:s2] =	stream.indirect.scatter.add.f32 [tilespmem:s12], [sflag:$0x3], $0x80, s31, s15, $0xb8;
	[tilespmem:$0x1D000] =	vst v63  }
0x1dd: {  	_ =	swait.ge [sflag:s13], $0x4000  }
0x1de: {  	[sflag:s13] =	ssyncset.done $0x0  }
0x1df: {  	[sflag:s13] =	ssyncadd.s32 $0xFFFFC000  }
0x1e0: {  	_ =	swait.ge [sflag:s18], $0x4000  }
0x1e1: {  	[sflag:s18] =	ssyncset.done $0x0  }
0x1e2: {  	[sflag:s18] =	ssyncadd.s32 $0xFFFFC000  }
0x1e3: {  	[spmem:s2] =	stream.indirect.scatter.add.f32 [tilespmem:s16], [sflag:$0x3], $0x80, s1, s15, $0xb8;
	[tilespmem:$0x1D000] =	vst v63  }
0x1e4: {  	_ =	swait.ge [sflag:s13], $0x4000  }
0x1e5: {  	[sflag:s13] =	ssyncset.done $0x0  }
0x1e6: {  	[sflag:s13] =	ssyncadd.s32 $0xFFFFC000  }
0x1e7: {  	[tilespmem:s12], [sflag:$0x1] =	stream.indirect.gather [hbm4b:s4+s15], $0x80, s0, s15, $0xb8;
	[tilespmem:$0x1D000] =	vst v63  }
0x1e8: {  	_ = 	snop  }
0x1e9: {  	[tilespmem:s16], [sflag:$0x2] =	stream.indirect.gather [hbm4b:s4+s15], $0x80, s6, s15, $0xb8;
	[tilespmem:$0x1D000] =	vst v63  }
0x1ea: {  	_ =	swait.ge [sflag:s17], $0x4000  }
0x1eb: {  	[sflag:s17] =	ssyncset.done $0x0  }
0x1ec: {  	[sflag:s17] =	ssyncadd.s32 $0xFFFFC000  }
0x1ed: {  	[spmem:s2] =	stream.indirect.scatter.add.f32 [tilespmem:s12], [sflag:$0x3], $0x80, s7, s15, $0xb8;
	[tilespmem:$0x1D000] =	vst v63  }
0x1ee: {  	_ =	swait.ge [sflag:s13], $0x4000  }
0x1ef: {  	[sflag:s13] =	ssyncset.done $0x0  }
0x1f0: {  	[sflag:s13] =	ssyncadd.s32 $0xFFFFC000  }
0x1f1: {  	_ =	swait.ge [sflag:s18], $0x4000  }
0x1f2: {  	[sflag:s18] =	ssyncset.done $0x0  }
0x1f3: {  	[sflag:s18] =	ssyncadd.s32 $0xFFFFC000  }
0x1f4: {  	[spmem:s2] =	stream.indirect.scatter.add.f32 [tilespmem:s16], [sflag:$0x3], $0x80, s8, s15, $0xb8;
	[tilespmem:$0x1D000] =	vst v63  }
0x1f5: {  	_ =	swait.ge [sflag:s13], $0x4000  }
0x1f6: {  	[sflag:s13] =	ssyncset.done $0x0  }
0x1f7: {  	[sflag:s13] =	ssyncadd.s32 $0xFFFFC000  }
0x1f8: {  	s9 =	stileid.u32;
	[bflag:$0x0] =	sbarrier.arrive $0xFFFF  }
0x1f9: {  	s5 =	sshll.u32 s9, $0x6;
	s10 =	rddreg [dreg:$0x11]  }
0x1fa: {  	s5 =	sor.u32 $0x1C03, s5;
	s11 =	rddreg [dreg:$0x16];
	s9 =	sshrl.u32 s10, $0x3  }
0x1fb: {  	[hbm:s11], [sflag:s5] =	dma.local [spmem:s9], $0x2800  }
0x1fc: {  	_ =	swait.ge [sflag:s13], $0x2800  }
0x1fd: {  	s10 =	rddreg [dreg:$0x18]  }
0x1fe: {  	s11 =	rddreg [dreg:$0x17];
	s9 =	sadd.s32 $0x1, s10  }
0x1ff: {  	p0 =	sne.s32 s9, s11  }
.Ltmp2:
0x200: {  	_ = 	snop;
	(pc) =	sbr.rel @p0 .LBB2_1-.Ltmp2, $3  }
0x201: {  	_ =	sdelay $0x1  }
0x202: {  	[sflag:s13] =	ssyncset.done $0x0  }
0x203: {  	[sflag:s13] =	ssyncadd.s32 $0xFFFFD800  }
0x204: {  	_ =	sfence.sel $0x180000  }
0x205: {  	[bflag:$0x0] =	sbarrier.arrive $0xFFFF  }
0x206: {  	_ =	strace $0x90000050  }
0x207: {  	s0 =	stileid.u32;
	[bflag:$0x2] =	sbarrier.arrive $0xFFFF  }
0x208: {  	p0 =	sne.s32 s0, $0x0;
	s0 =	rddreg [dreg:$0x2]  }
0x209: {  	s0 =	sadd.s32 @!p0 $0x100000, s0  }
0x20a: {  	[sflag:s0] =	ssyncadd.tile.s32 @!p0 $0x1;
	_ =	shalt  }
.Lfunc_end2:
_tile_overlayer_lowered:
.L_overlay_start_2:
0x20b: {  	(tag) =	ssettag $0x2  }
0x20c: {  	s0 =	rddreg [dreg:$0x0];
	s2 =	stileid.u32  }
0x20d: {  	s1 =	rddreg [dreg:$0x1];
	p0 =	sne.s32 s2, $0x0  }
0x20e: {  	s3 =	rddreg [dreg:$0x2];
	[bflag:$0x3] =	sbarrier.arrive $0xFFFF;
	s2 =	simm.s32 @!p0 $0x1C03  }
0x20f: {  	[timem:s3], [sflag:s2] =	dma.local @!p0 [hbm:s0], s1  }
0x210: {  	s0 =	simm.s32 @!p0 $0x3  }
0x211: {  	_ =	swait.ge @!p0 [sflag:s0], s1  }
0x212: {  	s1 =	ssub.s32 @!p0 $0x0, s1;
	[sflag:s0] =	ssyncset.done @!p0 $0x0  }
0x213: {  	[sflag:s0] =	ssyncadd.s32 @!p0 s1  }
0x214: {  	[bflag:$0x3] =	sbarrier.arrive $0xFFFF  }
0x215: {  	_ =	shalt  }

</sc_bundles>
